<compile_context>
chip_gen: v7x
topology: tpu7x:2x2x1
jax: 0.10.2.dev20260603
libtpu: 0.0.44.dev20260713+nightly
codegen_flags: <defaults>
</compile_context>

<pallas_src>
import functools

import jax
import jax.numpy as jnp
from jax import lax
from jax.experimental import pallas as pl
from jax.experimental.pallas import tpu as pltpu
from jax.experimental.pallas import tpu_sc as plsc

_NUM_CORES = 2
_NUM_SUBCORES = 16
_NUM_WORKERS = _NUM_CORES * _NUM_SUBCORES
_CHUNK = 128
_NBUF = 4
_PAD = 128
_LANES = 16


@functools.cache
def _build(batch: int, seq: int, vocab: int, dim: int):
    bpw = batch // _NUM_WORKERS
    n_sub = bpw // _CHUNK
    n_chunks = seq * n_sub
    n_idx = bpw * seq
    bpw_sh = bpw.bit_length() - 1
    assert (1 << bpw_sh) == bpw and n_sub == _NBUF and n_chunks % _NBUF == 0
    mesh = plsc.VectorSubcoreMesh(core_axis_name="c", subcore_axis_name="s")

    def body(idx_hbm, table_hbm, out_hbm, idx_v, idx_t, *scratch):
        rowst = scratch[:_NBUF]
        ssems = scratch[_NBUF:2 * _NBUF]
        rows = scratch[2 * _NBUF:3 * _NBUF]
        gsems = scratch[3 * _NBUF:]
        wid = lax.axis_index("s") * _NUM_CORES + lax.axis_index("c")
        b0 = wid * bpw
        lane = jnp.arange(_LANES, dtype=jnp.int32)
        dlv = tuple(d0 + lane for d0 in range(0, dim, _LANES))

        pltpu.sync_copy(idx_hbm.at[pl.ds(b0 * seq, n_idx)], idx_v)

        @pl.loop(0, n_idx, step=_LANES)
        def _repack(t0):
            t = t0 + lane
            s_v = t >> bpw_sh
            r_v = t & (bpw - 1)
            vals = plsc.load_gather(idx_v, [r_v * seq + s_v])
            rem = t0 & (bpw - 1)
            idx_t[t0 >> bpw_sh, rem >> 7, pl.ds(rem & (_CHUNK - 1), _LANES)] \
                = vals

        def offsets(k):
            return idx_t.at[k >> 2, k & (n_sub - 1)]

        def out_slice(k):
            return out_hbm.at[k >> 2, :,
                              pl.ds(b0 + (k & (n_sub - 1)) * _CHUNK, _CHUNK)]

        for b in range(_NBUF):
            pltpu.async_copy(table_hbm.at[offsets(b)], rows[b], gsems[b])

        @pl.loop(0, n_chunks, step=_NBUF)
        def _main(k0):
            for m in range(_NBUF):
                k = k0 + m
                rt = rowst[m]
                ss = ssems[m]
                pltpu.make_async_copy(
                    table_hbm.at[pl.ds(0, _CHUNK)], rows[m], gsems[m]
                ).wait()

                @pl.when(k >= _NBUF)
                def _():
                    pltpu.make_async_copy(
                        table_hbm.at[pl.ds(0, dim)],
                        rt.at[:, pl.ds(0, _CHUNK)], ss
                    ).wait()

                @pl.loop(0, _CHUNK, unroll=8)
                def _tr(b):
                    bf = jnp.full((_LANES,), b, jnp.int32)
                    for i, dv in enumerate(dlv):
                        plsc.store_scatter(
                            rt, [dv, bf],
                            rows[m][b, pl.ds(i * _LANES, _LANES)],
                        )

                pltpu.async_copy(rt.at[:, pl.ds(0, _CHUNK)], out_slice(k), ss)

                @pl.when(k + _NBUF < n_chunks)
                def _():
                    pltpu.async_copy(
                        table_hbm.at[offsets(k + _NBUF)], rows[m], gsems[m]
                    )

        for m in range(_NBUF):
            pltpu.make_async_copy(
                table_hbm.at[pl.ds(0, dim)],
                rowst[m].at[:, pl.ds(0, _CHUNK)], ssems[m]
            ).wait()

    return pl.kernel(
        body,
        out_type=jax.ShapeDtypeStruct((seq, dim, batch), jnp.float32),
        mesh=mesh,
        scratch_types=(
            [
                pltpu.VMEM((n_idx,), jnp.int32),
                pltpu.VMEM((seq, n_sub, _CHUNK), jnp.int32),
            ]
            + [pltpu.VMEM((dim, _CHUNK + 5), jnp.float32)
               for _ in range(_NBUF)]
            + [pltpu.SemaphoreType.DMA for _ in range(_NBUF)]
            + [pltpu.VMEM((_CHUNK, _PAD), jnp.float32) for _ in range(_NBUF)]
            + [pltpu.SemaphoreType.DMA for _ in range(_NBUF)]
        ),
        compiler_params=pltpu.CompilerParams(
            use_tc_tiling_on_sc=False, needs_layout_passes=False,
            disable_bounds_checks=True,
        ),
    )


def kernel(inputs, embedding):
    batch, seq = inputs.shape
    vocab, dim = embedding.shape
    assert batch % (_NUM_WORKERS * _CHUNK) == 0, (batch,)
    idx = inputs.reshape(-1).astype(jnp.int32)
    table = jnp.pad(embedding, ((0, 0), (0, _PAD - dim)))
    out = _build(batch, seq, vocab, dim)(idx, table)
    return jnp.transpose(out, (2, 0, 1))

# --- scband reference (transcript-rebuilt; emitter-appended) ---
"""Pipeline reference for scband-simple-librarian-85813446574286 (READ-ONLY COPY).

The authoritative reference and input builder live on the scoring server;
editing this copy changes nothing except your own understanding.
"""

import jax, jax.numpy as jnp
import numpy as np

NUM_MODULES = 1000000
EMBEDDING_SIZE = 64


def setup_inputs(seed: int = 0) -> dict:
    key = jax.random.key(seed)
    k_idx, k_emb = jax.random.split(key)
    inputs = jax.random.randint(k_idx, (16384, 26), 0, NUM_MODULES, dtype=jnp.int64 if jax.config.jax_enable_x64 else jnp.int32)
    embedding = jax.random.normal(k_emb, (NUM_MODULES, EMBEDDING_SIZE), dtype=jnp.float32)
    return {"inputs": inputs, "embedding": embedding}


def reference(inputs, embedding):
    # Faithful translation of: return self.embedding[inputs]
    return jnp.take(embedding, inputs, axis=0)

if __name__ == "__main__":
    import jax
    _d = setup_inputs()
    print(jax.jit(kernel)(*tuple(_d.values())))

</pallas_src>

<mosaic_0001>
#map = affine_map<(d0, d1) -> (0)>
#map1 = affine_map<(d0, d1) -> (0, 0)>
#map2 = affine_map<(d0, d1) -> (0, 0, 0)>
module attributes {stable_mosaic.version = 14 : i64} {
  func.func @body(%arg0: i32, %arg1: i32, %arg2: memref<425984xi32, #tpu.memory_space<hbm>>, %arg3: memref<1000000x128xf32, #tpu.memory_space<hbm>>, %arg4: memref<26x64x16384xf32, #tpu.memory_space<hbm>>, %arg5: memref<13312xi32, #tpu.memory_space<vmem>>, %arg6: memref<26x4x128xi32, #tpu.memory_space<vmem>>, %arg7: memref<64x133xf32, #tpu.memory_space<vmem>>, %arg8: memref<64x133xf32, #tpu.memory_space<vmem>>, %arg9: memref<64x133xf32, #tpu.memory_space<vmem>>, %arg10: memref<64x133xf32, #tpu.memory_space<vmem>>, %arg11: memref<!tpu.dma_semaphore, #tpu.memory_space<semaphore_mem>>, %arg12: memref<!tpu.dma_semaphore, #tpu.memory_space<semaphore_mem>>, %arg13: memref<!tpu.dma_semaphore, #tpu.memory_space<semaphore_mem>>, %arg14: memref<!tpu.dma_semaphore, #tpu.memory_space<semaphore_mem>>, %arg15: memref<128x128xf32, #tpu.memory_space<vmem>>, %arg16: memref<128x128xf32, #tpu.memory_space<vmem>>, %arg17: memref<128x128xf32, #tpu.memory_space<vmem>>, %arg18: memref<128x128xf32, #tpu.memory_space<vmem>>, %arg19: memref<!tpu.dma_semaphore, #tpu.memory_space<semaphore_mem>>, %arg20: memref<!tpu.dma_semaphore, #tpu.memory_space<semaphore_mem>>, %arg21: memref<!tpu.dma_semaphore, #tpu.memory_space<semaphore_mem>>, %arg22: memref<!tpu.dma_semaphore, #tpu.memory_space<semaphore_mem>>) attributes {dimension_semantics = [#tpu.dimension_semantics<core_parallel>, #tpu.dimension_semantics<subcore_parallel>], iteration_bounds = array<i64: 2, 16>, scalar_prefetch = 0 : i64, scratch_operands = 18 : i64, tpu.core_type = #tpu.core_type<sc_vector_subcore>, window_params = [{transform_indices = #map}, {transform_indices = #map1}, {transform_indices = #map2}]} {
    %mul3A = arith.constant 2 : i32
    %mul3A_0 = arith.muli %arg1, %mul3A : i32
    %add3A = arith.addi %mul3A_0, %arg0 : i32
    %mul3A_1 = arith.constant 512 : i32
    %mul3A_2 = arith.muli %add3A, %mul3A_1 : i32
    %iota3A = tpu.iota {dimensions = array<i32: 0>} : vector<16xi32>
    %add3A_3 = arith.constant 0 : i32
    %add3A_4 = vector.broadcast %add3A_3 : i32 to vector<16xi32>
    %add3A_5 = arith.addi %add3A_4, %iota3A : vector<16xi32>
    %add3A_6 = arith.constant 16 : i32
    %add3A_7 = vector.broadcast %add3A_6 : i32 to vector<16xi32>
    %add3A_8 = arith.addi %add3A_7, %iota3A : vector<16xi32>
    %add3A_9 = arith.constant 32 : i32
    %add3A_10 = vector.broadcast %add3A_9 : i32 to vector<16xi32>
    %add3A_11 = arith.addi %add3A_10, %iota3A : vector<16xi32>
    %add3A_12 = arith.constant 48 : i32
    %add3A_13 = vector.broadcast %add3A_12 : i32 to vector<16xi32>
    %add3A_14 = arith.addi %add3A_13, %iota3A : vector<16xi32>
    %mul3A_15 = arith.constant 26 : i32
    %mul3A_16 = arith.muli %mul3A_2, %mul3A_15 : i32
    "tpu.region"() ({
      %run_scoped3A = tpu.sem_alloc : memref<!tpu.dma_semaphore, #tpu.memory_space<semaphore_mem>>
      %dma_start3A_104 = tpu.memref_slice %arg2[%mul3A_16] : memref<425984xi32, #tpu.memory_space<hbm>> -> memref<13312xi32, #tpu.memory_space<hbm>>
      %dma_start3A_105 = tpu.memref_slice %arg2[%mul3A_16] : memref<425984xi32, #tpu.memory_space<hbm>> -> memref<13312xi32, #tpu.memory_space<hbm>>
      tpu.enqueue_dma source(%dma_start3A_105 : memref<13312xi32, #tpu.memory_space<hbm>>) target(%arg5 : memref<13312xi32, #tpu.memory_space<vmem>>) target_semaphore(%run_scoped3A : memref<!tpu.dma_semaphore, #tpu.memory_space<semaphore_mem>>)
      %dma_wait3A_106 = tpu.memref_slice %arg2[%mul3A_16] : memref<425984xi32, #tpu.memory_space<hbm>> -> memref<13312xi32, #tpu.memory_space<hbm>>
      %dma_wait3A_107 = tpu.memref_slice %arg2[%mul3A_16] : memref<425984xi32, #tpu.memory_space<hbm>> -> memref<13312xi32, #tpu.memory_space<hbm>>
      tpu.wait_dma2 semaphore(%run_scoped3A : memref<!tpu.dma_semaphore, #tpu.memory_space<semaphore_mem>>) src(%dma_wait3A_107 : memref<13312xi32, #tpu.memory_space<hbm>>) dst(%arg5 : memref<13312xi32, #tpu.memory_space<vmem>>)
      tpu.yield
    }) : () -> ()
    %scan3A = arith.constant 0 : i32
    %scan3A_17 = arith.constant 832 : i32
    %scan3A_18 = arith.addi %scan3A, %scan3A_17 : i32
    %scan3A_19 = arith.constant 1 : i32
    scf.for %scan3A_104 = %scan3A to %scan3A_18 step %scan3A_19  : i32 {
      %mul3A_105 = arith.constant 16 : i32
      %mul3A_106 = arith.muli %scan3A_104, %mul3A_105 : i32
      %add3A_107 = arith.constant 0 : i32
      %add3A_108 = arith.addi %add3A_107, %mul3A_106 : i32
      %add3A_109 = vector.broadcast %add3A_108 : i32 to vector<16xi32>
      %add3A_110 = arith.addi %add3A_109, %iota3A : vector<16xi32>
      %shift_right_arithmetic3A = arith.constant 9 : i32
      %shift_right_arithmetic3A_111 = vector.broadcast %shift_right_arithmetic3A : i32 to vector<16xi32>
      %shift_right_arithmetic3A_112 = arith.shrsi %add3A_110, %shift_right_arithmetic3A_111 : vector<16xi32>
      %and3A = arith.constant 511 : i32
      %and3A_113 = vector.broadcast %and3A : i32 to vector<16xi32>
      %and3A_114 = arith.andi %add3A_110, %and3A_113 : vector<16xi32>
      %mul3A_115 = arith.constant 26 : i32
      %mul3A_116 = vector.broadcast %mul3A_115 : i32 to vector<16xi32>
      %mul3A_117 = arith.muli %and3A_114, %mul3A_116 : vector<16xi32>
      %add3A_118 = arith.addi %mul3A_117, %shift_right_arithmetic3A_112 : vector<16xi32>
      %gather3A = tpu.vector_load_idx %arg5[%add3A_118] : memref<13312xi32, #tpu.memory_space<vmem>>[vector<16xi32>], vector<16xi32>,
      %and3A_119 = arith.constant 511 : i32
      %and3A_120 = arith.andi %add3A_108, %and3A_119 : i32
      %shift_right_arithmetic3A_121 = arith.constant 9 : i32
      %shift_right_arithmetic3A_122 = arith.shrsi %add3A_108, %shift_right_arithmetic3A_121 : i32
      %shift_right_arithmetic3A_123 = arith.constant 7 : i32
      %shift_right_arithmetic3A_124 = arith.shrsi %and3A_120, %shift_right_arithmetic3A_123 : i32
      %and3A_125 = arith.constant 127 : i32
      %and3A_126 = arith.andi %and3A_120, %and3A_125 : i32
      %swap3A = arith.index_cast %shift_right_arithmetic3A_122 : i32 to index
      %swap3A_127 = arith.index_cast %shift_right_arithmetic3A_124 : i32 to index
      %swap3A_128 = arith.index_cast %and3A_126 : i32 to index
      %swap3A_129 = tpu.vector_load %arg6[%swap3A, %swap3A_127, %swap3A_128] {strides = array<i32>} : memref<26x4x128xi32, #tpu.memory_space<vmem>>, vector<16xi32>,
      tpu.vector_store %arg6[%swap3A, %swap3A_127, %swap3A_128], %gather3A {strides = array<i32>} : memref<26x4x128xi32, #tpu.memory_space<vmem>>, vector<16xi32>,
    }
    %scan3A_20 = arith.constant 832 : i32
    %dma_start3A = arith.constant 0 : i32
    %dma_start3A_21 = arith.constant 0 : i32
    %dma_start3A_22 = arith.constant 0 : i32
    %dma_start3A_23 = tpu.memref_slice %arg6[%dma_start3A, %dma_start3A_21, %dma_start3A_22] : memref<26x4x128xi32, #tpu.memory_space<vmem>> -> memref<1x1x128xi32, #tpu.memory_space<vmem>>
    %dma_start3A_24 = tpu.memref_squeeze %dma_start3A_23 : memref<1x1x128xi32, #tpu.memory_space<vmem>> -> memref<128xi32, #tpu.memory_space<vmem>>
    %dma_start3A_25 = arith.constant 0 : i32
    %dma_start3A_26 = arith.constant 0 : i32
    %dma_start3A_27 = tpu.memref_slice %arg3[%dma_start3A_25, %dma_start3A_26] : memref<1000000x128xf32, #tpu.memory_space<hbm>> -> memref<1000000x128xf32, #tpu.memory_space<hbm>>
    tpu.enqueue_indirect_dma source(%dma_start3A_27 : memref<1000000x128xf32, #tpu.memory_space<hbm>>) target(%arg15 : memref<128x128xf32, #tpu.memory_space<vmem>>) offsets(%dma_start3A_24 : memref<128xi32, #tpu.memory_space<vmem>>) semaphore(%arg19 : memref<!tpu.dma_semaphore, #tpu.memory_space<semaphore_mem>>)
    %dma_start3A_28 = arith.constant 0 : i32
    %dma_start3A_29 = arith.constant 1 : i32
    %dma_start3A_30 = arith.constant 0 : i32
    %dma_start3A_31 = tpu.memref_slice %arg6[%dma_start3A_28, %dma_start3A_29, %dma_start3A_30] : memref<26x4x128xi32, #tpu.memory_space<vmem>> -> memref<1x1x128xi32, #tpu.memory_space<vmem>>
    %dma_start3A_32 = tpu.memref_squeeze %dma_start3A_31 : memref<1x1x128xi32, #tpu.memory_space<vmem>> -> memref<128xi32, #tpu.memory_space<vmem>>
    %dma_start3A_33 = arith.constant 0 : i32
    %dma_start3A_34 = arith.constant 0 : i32
    %dma_start3A_35 = tpu.memref_slice %arg3[%dma_start3A_33, %dma_start3A_34] : memref<1000000x128xf32, #tpu.memory_space<hbm>> -> memref<1000000x128xf32, #tpu.memory_space<hbm>>
    tpu.enqueue_indirect_dma source(%dma_start3A_35 : memref<1000000x128xf32, #tpu.memory_space<hbm>>) target(%arg16 : memref<128x128xf32, #tpu.memory_space<vmem>>) offsets(%dma_start3A_32 : memref<128xi32, #tpu.memory_space<vmem>>) semaphore(%arg20 : memref<!tpu.dma_semaphore, #tpu.memory_space<semaphore_mem>>)
    %dma_start3A_36 = arith.constant 0 : i32
    %dma_start3A_37 = arith.constant 2 : i32
    %dma_start3A_38 = arith.constant 0 : i32
    %dma_start3A_39 = tpu.memref_slice %arg6[%dma_start3A_36, %dma_start3A_37, %dma_start3A_38] : memref<26x4x128xi32, #tpu.memory_space<vmem>> -> memref<1x1x128xi32, #tpu.memory_space<vmem>>
    %dma_start3A_40 = tpu.memref_squeeze %dma_start3A_39 : memref<1x1x128xi32, #tpu.memory_space<vmem>> -> memref<128xi32, #tpu.memory_space<vmem>>
    %dma_start3A_41 = arith.constant 0 : i32
    %dma_start3A_42 = arith.constant 0 : i32
    %dma_start3A_43 = tpu.memref_slice %arg3[%dma_start3A_41, %dma_start3A_42] : memref<1000000x128xf32, #tpu.memory_space<hbm>> -> memref<1000000x128xf32, #tpu.memory_space<hbm>>
    tpu.enqueue_indirect_dma source(%dma_start3A_43 : memref<1000000x128xf32, #tpu.memory_space<hbm>>) target(%arg17 : memref<128x128xf32, #tpu.memory_space<vmem>>) offsets(%dma_start3A_40 : memref<128xi32, #tpu.memory_space<vmem>>) semaphore(%arg21 : memref<!tpu.dma_semaphore, #tpu.memory_space<semaphore_mem>>)
    %dma_start3A_44 = arith.constant 0 : i32
    %dma_start3A_45 = arith.constant 3 : i32
    %dma_start3A_46 = arith.constant 0 : i32
    %dma_start3A_47 = tpu.memref_slice %arg6[%dma_start3A_44, %dma_start3A_45, %dma_start3A_46] : memref<26x4x128xi32, #tpu.memory_space<vmem>> -> memref<1x1x128xi32, #tpu.memory_space<vmem>>
    %dma_start3A_48 = tpu.memref_squeeze %dma_start3A_47 : memref<1x1x128xi32, #tpu.memory_space<vmem>> -> memref<128xi32, #tpu.memory_space<vmem>>
    %dma_start3A_49 = arith.constant 0 : i32
    %dma_start3A_50 = arith.constant 0 : i32
    %dma_start3A_51 = tpu.memref_slice %arg3[%dma_start3A_49, %dma_start3A_50] : memref<1000000x128xf32, #tpu.memory_space<hbm>> -> memref<1000000x128xf32, #tpu.memory_space<hbm>>
    tpu.enqueue_indirect_dma source(%dma_start3A_51 : memref<1000000x128xf32, #tpu.memory_space<hbm>>) target(%arg18 : memref<128x128xf32, #tpu.memory_space<vmem>>) offsets(%dma_start3A_48 : memref<128xi32, #tpu.memory_space<vmem>>) semaphore(%arg22 : memref<!tpu.dma_semaphore, #tpu.memory_space<semaphore_mem>>)
    %scan3A_52 = arith.constant 0 : i32
    %scan3A_53 = arith.constant 26 : i32
    %scan3A_54 = arith.addi %scan3A_52, %scan3A_53 : i32
    %scan3A_55 = arith.constant 1 : i32
    scf.for %scan3A_104 = %scan3A_52 to %scan3A_54 step %scan3A_55  : i32 {
      %mul3A_105 = arith.constant 4 : i32
      %mul3A_106 = arith.muli %scan3A_104, %mul3A_105 : i32
      %add3A_107 = arith.constant 0 : i32
      %add3A_108 = arith.addi %add3A_107, %mul3A_106 : i32
      %add3A_109 = arith.constant 0 : i32
      %add3A_110 = arith.addi %add3A_108, %add3A_109 : i32
      %dma_wait3A_111 = arith.constant 0 : i32
      %dma_wait3A_112 = arith.constant 0 : i32
      %dma_wait3A_113 = tpu.memref_slice %arg3[%dma_wait3A_111, %dma_wait3A_112] : memref<1000000x128xf32, #tpu.memory_space<hbm>> -> memref<128x128xf32, #tpu.memory_space<hbm>>
      %dma_wait3A_114 = arith.constant 0 : i32
      %dma_wait3A_115 = arith.constant 0 : i32
      %dma_wait3A_116 = tpu.memref_slice %arg3[%dma_wait3A_114, %dma_wait3A_115] : memref<1000000x128xf32, #tpu.memory_space<hbm>> -> memref<128x128xf32, #tpu.memory_space<hbm>>
      tpu.wait_dma2 semaphore(%arg19 : memref<!tpu.dma_semaphore, #tpu.memory_space<semaphore_mem>>) src(%dma_wait3A_116 : memref<128x128xf32, #tpu.memory_space<hbm>>) dst(%arg15 : memref<128x128xf32, #tpu.memory_space<vmem>>)
      %ge3A = arith.constant 4 : i32
      %ge3A_117 = arith.cmpi sge, %add3A_110, %ge3A : i32
      %convert_element_type3A = arith.extui %ge3A_117 : i1 to i32
      %cond3A = arith.constant 0 : i32
      %cond3A_118 = arith.cmpi ne, %convert_element_type3A, %cond3A : i32
      scf.if %cond3A_118 {
        %dma_wait3A_279 = arith.constant 0 : i32
        %dma_wait3A_280 = arith.constant 0 : i32
        %dma_wait3A_281 = tpu.memref_slice %arg7[%dma_wait3A_279, %dma_wait3A_280] : memref<64x133xf32, #tpu.memory_space<vmem>> -> memref<64x128xf32, #tpu.memory_space<vmem>>
        %dma_wait3A_282 = arith.constant 0 : i32
        %dma_wait3A_283 = arith.constant 0 : i32
        %dma_wait3A_284 = tpu.memref_slice %arg3[%dma_wait3A_282, %dma_wait3A_283] : memref<1000000x128xf32, #tpu.memory_space<hbm>> -> memref<64x128xf32, #tpu.memory_space<hbm>>
        %dma_wait3A_285 = arith.constant 0 : i32
        %dma_wait3A_286 = arith.constant 0 : i32
        %dma_wait3A_287 = tpu.memref_slice %arg7[%dma_wait3A_285, %dma_wait3A_286] : memref<64x133xf32, #tpu.memory_space<vmem>> -> memref<64x128xf32, #tpu.memory_space<vmem>>
        %dma_wait3A_288 = arith.constant 0 : i32
        %dma_wait3A_289 = arith.constant 0 : i32
        %dma_wait3A_290 = tpu.memref_slice %arg3[%dma_wait3A_288, %dma_wait3A_289] : memref<1000000x128xf32, #tpu.memory_space<hbm>> -> memref<64x128xf32, #tpu.memory_space<hbm>>
        tpu.wait_dma2 semaphore(%arg11 : memref<!tpu.dma_semaphore, #tpu.memory_space<semaphore_mem>>) src(%dma_wait3A_290 : memref<64x128xf32, #tpu.memory_space<hbm>>) dst(%dma_wait3A_287 : memref<64x128xf32, #tpu.memory_space<vmem>>)
      } else {
      }
      %scan3A_119 = arith.constant 0 : i32
      %scan3A_120 = arith.constant 128 : i32
      %scan3A_121 = arith.addi %scan3A_119, %scan3A_120 : i32
      %scan3A_122 = arith.constant 8 : i32
      scf.for %scan3A_279 = %scan3A_119 to %scan3A_121 step %scan3A_122  : i32 {
        %mul3A_280 = arith.constant 1 : i32
        %mul3A_281 = arith.muli %scan3A_279, %mul3A_280 : i32
        %add3A_282 = arith.constant 0 : i32
        %add3A_283 = arith.addi %add3A_282, %mul3A_281 : i32
        %broadcast_in_dim3A = vector.broadcast %add3A_283 : i32 to vector<16xi32>
        %get3A = arith.index_cast %add3A_283 : i32 to index
        %get3A_284 = arith.constant 0 : index
        %get3A_285 = tpu.vector_load %arg15[%get3A, %get3A_284] {strides = array<i32>} : memref<128x128xf32, #tpu.memory_space<vmem>>, vector<16xf32>,
        tpu.vector_store_idx %arg7[%add3A_5, %broadcast_in_dim3A], %get3A_285 : memref<64x133xf32, #tpu.memory_space<vmem>>[vector<16xi32>, vector<16xi32>], vector<16xf32>,
        %get3A_286 = arith.index_cast %add3A_283 : i32 to index
        %get3A_287 = arith.constant 16 : index
        %get3A_288 = tpu.vector_load %arg15[%get3A_286, %get3A_287] {strides = array<i32>} : memref<128x128xf32, #tpu.memory_space<vmem>>, vector<16xf32>,
        tpu.vector_store_idx %arg7[%add3A_8, %broadcast_in_dim3A], %get3A_288 : memref<64x133xf32, #tpu.memory_space<vmem>>[vector<16xi32>, vector<16xi32>], vector<16xf32>,
        %get3A_289 = arith.index_cast %add3A_283 : i32 to index
        %get3A_290 = arith.constant 32 : index
        %get3A_291 = tpu.vector_load %arg15[%get3A_289, %get3A_290] {strides = array<i32>} : memref<128x128xf32, #tpu.memory_space<vmem>>, vector<16xf32>,
        tpu.vector_store_idx %arg7[%add3A_11, %broadcast_in_dim3A], %get3A_291 : memref<64x133xf32, #tpu.memory_space<vmem>>[vector<16xi32>, vector<16xi32>], vector<16xf32>,
        %get3A_292 = arith.index_cast %add3A_283 : i32 to index
        %get3A_293 = arith.constant 48 : index
        %get3A_294 = tpu.vector_load %arg15[%get3A_292, %get3A_293] {strides = array<i32>} : memref<128x128xf32, #tpu.memory_space<vmem>>, vector<16xf32>,
        tpu.vector_store_idx %arg7[%add3A_14, %broadcast_in_dim3A], %get3A_294 : memref<64x133xf32, #tpu.memory_space<vmem>>[vector<16xi32>, vector<16xi32>], vector<16xf32>,
        %scan3A_295 = arith.constant 1 : i32
        %scan3A_296 = arith.addi %scan3A_279, %scan3A_295 : i32
        %mul3A_297 = arith.constant 1 : i32
        %mul3A_298 = arith.muli %scan3A_296, %mul3A_297 : i32
        %add3A_299 = arith.constant 0 : i32
        %add3A_300 = arith.addi %add3A_299, %mul3A_298 : i32
        %broadcast_in_dim3A_301 = vector.broadcast %add3A_300 : i32 to vector<16xi32>
        %get3A_302 = arith.index_cast %add3A_300 : i32 to index
        %get3A_303 = arith.constant 0 : index
        %get3A_304 = tpu.vector_load %arg15[%get3A_302, %get3A_303] {strides = array<i32>} : memref<128x128xf32, #tpu.memory_space<vmem>>, vector<16xf32>,
        tpu.vector_store_idx %arg7[%add3A_5, %broadcast_in_dim3A_301], %get3A_304 : memref<64x133xf32, #tpu.memory_space<vmem>>[vector<16xi32>, vector<16xi32>], vector<16xf32>,
        %get3A_305 = arith.index_cast %add3A_300 : i32 to index
        %get3A_306 = arith.constant 16 : index
        %get3A_307 = tpu.vector_load %arg15[%get3A_305, %get3A_306] {strides = array<i32>} : memref<128x128xf32, #tpu.memory_space<vmem>>, vector<16xf32>,
        tpu.vector_store_idx %arg7[%add3A_8, %broadcast_in_dim3A_301], %get3A_307 : memref<64x133xf32, #tpu.memory_space<vmem>>[vector<16xi32>, vector<16xi32>], vector<16xf32>,
        %get3A_308 = arith.index_cast %add3A_300 : i32 to index
        %get3A_309 = arith.constant 32 : index
        %get3A_310 = tpu.vector_load %arg15[%get3A_308, %get3A_309] {strides = array<i32>} : memref<128x128xf32, #tpu.memory_space<vmem>>, vector<16xf32>,
        tpu.vector_store_idx %arg7[%add3A_11, %broadcast_in_dim3A_301], %get3A_310 : memref<64x133xf32, #tpu.memory_space<vmem>>[vector<16xi32>, vector<16xi32>], vector<16xf32>,
        %get3A_311 = arith.index_cast %add3A_300 : i32 to index
        %get3A_312 = arith.constant 48 : index
        %get3A_313 = tpu.vector_load %arg15[%get3A_311, %get3A_312] {strides = array<i32>} : memref<128x128xf32, #tpu.memory_space<vmem>>, vector<16xf32>,
        tpu.vector_store_idx %arg7[%add3A_14, %broadcast_in_dim3A_301], %get3A_313 : memref<64x133xf32, #tpu.memory_space<vmem>>[vector<16xi32>, vector<16xi32>], vector<16xf32>,
        %scan3A_314 = arith.constant 2 : i32
        %scan3A_315 = arith.addi %scan3A_279, %scan3A_314 : i32
        %mul3A_316 = arith.constant 1 : i32
        %mul3A_317 = arith.muli %scan3A_315, %mul3A_316 : i32
        %add3A_318 = arith.constant 0 : i32
        %add3A_319 = arith.addi %add3A_318, %mul3A_317 : i32
        %broadcast_in_dim3A_320 = vector.broadcast %add3A_319 : i32 to vector<16xi32>
        %get3A_321 = arith.index_cast %add3A_319 : i32 to index
        %get3A_322 = arith.constant 0 : index
        %get3A_323 = tpu.vector_load %arg15[%get3A_321, %get3A_322] {strides = array<i32>} : memref<128x128xf32, #tpu.memory_space<vmem>>, vector<16xf32>,
        tpu.vector_store_idx %arg7[%add3A_5, %broadcast_in_dim3A_320], %get3A_323 : memref<64x133xf32, #tpu.memory_space<vmem>>[vector<16xi32>, vector<16xi32>], vector<16xf32>,
        %get3A_324 = arith.index_cast %add3A_319 : i32 to index
        %get3A_325 = arith.constant 16 : index
        %get3A_326 = tpu.vector_load %arg15[%get3A_324, %get3A_325] {strides = array<i32>} : memref<128x128xf32, #tpu.memory_space<vmem>>, vector<16xf32>,
        tpu.vector_store_idx %arg7[%add3A_8, %broadcast_in_dim3A_320], %get3A_326 : memref<64x133xf32, #tpu.memory_space<vmem>>[vector<16xi32>, vector<16xi32>], vector<16xf32>,
        %get3A_327 = arith.index_cast %add3A_319 : i32 to index
        %get3A_328 = arith.constant 32 : index
        %get3A_329 = tpu.vector_load %arg15[%get3A_327, %get3A_328] {strides = array<i32>} : memref<128x128xf32, #tpu.memory_space<vmem>>, vector<16xf32>,
        tpu.vector_store_idx %arg7[%add3A_11, %broadcast_in_dim3A_320], %get3A_329 : memref<64x133xf32, #tpu.memory_space<vmem>>[vector<16xi32>, vector<16xi32>], vector<16xf32>,
        %get3A_330 = arith.index_cast %add3A_319 : i32 to index
        %get3A_331 = arith.constant 48 : index
        %get3A_332 = tpu.vector_load %arg15[%get3A_330, %get3A_331] {strides = array<i32>} : memref<128x128xf32, #tpu.memory_space<vmem>>, vector<16xf32>,
        tpu.vector_store_idx %arg7[%add3A_14, %broadcast_in_dim3A_320], %get3A_332 : memref<64x133xf32, #tpu.memory_space<vmem>>[vector<16xi32>, vector<16xi32>], vector<16xf32>,
        %scan3A_333 = arith.constant 3 : i32
        %scan3A_334 = arith.addi %scan3A_279, %scan3A_333 : i32
        %mul3A_335 = arith.constant 1 : i32
        %mul3A_336 = arith.muli %scan3A_334, %mul3A_335 : i32
        %add3A_337 = arith.constant 0 : i32
        %add3A_338 = arith.addi %add3A_337, %mul3A_336 : i32
        %broadcast_in_dim3A_339 = vector.broadcast %add3A_338 : i32 to vector<16xi32>
        %get3A_340 = arith.index_cast %add3A_338 : i32 to index
        %get3A_341 = arith.constant 0 : index
        %get3A_342 = tpu.vector_load %arg15[%get3A_340, %get3A_341] {strides = array<i32>} : memref<128x128xf32, #tpu.memory_space<vmem>>, vector<16xf32>,
        tpu.vector_store_idx %arg7[%add3A_5, %broadcast_in_dim3A_339], %get3A_342 : memref<64x133xf32, #tpu.memory_space<vmem>>[vector<16xi32>, vector<16xi32>], vector<16xf32>,
        %get3A_343 = arith.index_cast %add3A_338 : i32 to index
        %get3A_344 = arith.constant 16 : index
        %get3A_345 = tpu.vector_load %arg15[%get3A_343, %get3A_344] {strides = array<i32>} : memref<128x128xf32, #tpu.memory_space<vmem>>, vector<16xf32>,
        tpu.vector_store_idx %arg7[%add3A_8, %broadcast_in_dim3A_339], %get3A_345 : memref<64x133xf32, #tpu.memory_space<vmem>>[vector<16xi32>, vector<16xi32>], vector<16xf32>,
        %get3A_346 = arith.index_cast %add3A_338 : i32 to index
        %get3A_347 = arith.constant 32 : index
        %get3A_348 = tpu.vector_load %arg15[%get3A_346, %get3A_347] {strides = array<i32>} : memref<128x128xf32, #tpu.memory_space<vmem>>, vector<16xf32>,
        tpu.vector_store_idx %arg7[%add3A_11, %broadcast_in_dim3A_339], %get3A_348 : memref<64x133xf32, #tpu.memory_space<vmem>>[vector<16xi32>, vector<16xi32>], vector<16xf32>,
        %get3A_349 = arith.index_cast %add3A_338 : i32 to index
        %get3A_350 = arith.constant 48 : index
        %get3A_351 = tpu.vector_load %arg15[%get3A_349, %get3A_350] {strides = array<i32>} : memref<128x128xf32, #tpu.memory_space<vmem>>, vector<16xf32>,
        tpu.vector_store_idx %arg7[%add3A_14, %broadcast_in_dim3A_339], %get3A_351 : memref<64x133xf32, #tpu.memory_space<vmem>>[vector<16xi32>, vector<16xi32>], vector<16xf32>,
        %scan3A_352 = arith.constant 4 : i32
        %scan3A_353 = arith.addi %scan3A_279, %scan3A_352 : i32
        %mul3A_354 = arith.constant 1 : i32
        %mul3A_355 = arith.muli %scan3A_353, %mul3A_354 : i32
        %add3A_356 = arith.constant 0 : i32
        %add3A_357 = arith.addi %add3A_356, %mul3A_355 : i32
        %broadcast_in_dim3A_358 = vector.broadcast %add3A_357 : i32 to vector<16xi32>
        %get3A_359 = arith.index_cast %add3A_357 : i32 to index
        %get3A_360 = arith.constant 0 : index
        %get3A_361 = tpu.vector_load %arg15[%get3A_359, %get3A_360] {strides = array<i32>} : memref<128x128xf32, #tpu.memory_space<vmem>>, vector<16xf32>,
        tpu.vector_store_idx %arg7[%add3A_5, %broadcast_in_dim3A_358], %get3A_361 : memref<64x133xf32, #tpu.memory_space<vmem>>[vector<16xi32>, vector<16xi32>], vector<16xf32>,
        %get3A_362 = arith.index_cast %add3A_357 : i32 to index
        %get3A_363 = arith.constant 16 : index
        %get3A_364 = tpu.vector_load %arg15[%get3A_362, %get3A_363] {strides = array<i32>} : memref<128x128xf32, #tpu.memory_space<vmem>>, vector<16xf32>,
        tpu.vector_store_idx %arg7[%add3A_8, %broadcast_in_dim3A_358], %get3A_364 : memref<64x133xf32, #tpu.memory_space<vmem>>[vector<16xi32>, vector<16xi32>], vector<16xf32>,
        %get3A_365 = arith.index_cast %add3A_357 : i32 to index
        %get3A_366 = arith.constant 32 : index
        %get3A_367 = tpu.vector_load %arg15[%get3A_365, %get3A_366] {strides = array<i32>} : memref<128x128xf32, #tpu.memory_space<vmem>>, vector<16xf32>,
        tpu.vector_store_idx %arg7[%add3A_11, %broadcast_in_dim3A_358], %get3A_367 : memref<64x133xf32, #tpu.memory_space<vmem>>[vector<16xi32>, vector<16xi32>], vector<16xf32>,
        %get3A_368 = arith.index_cast %add3A_357 : i32 to index
        %get3A_369 = arith.constant 48 : index
        %get3A_370 = tpu.vector_load %arg15[%get3A_368, %get3A_369] {strides = array<i32>} : memref<128x128xf32, #tpu.memory_space<vmem>>, vector<16xf32>,
        tpu.vector_store_idx %arg7[%add3A_14, %broadcast_in_dim3A_358], %get3A_370 : memref<64x133xf32, #tpu.memory_space<vmem>>[vector<16xi32>, vector<16xi32>], vector<16xf32>,
        %scan3A_371 = arith.constant 5 : i32
        %scan3A_372 = arith.addi %scan3A_279, %scan3A_371 : i32
        %mul3A_373 = arith.constant 1 : i32
        %mul3A_374 = arith.muli %scan3A_372, %mul3A_373 : i32
        %add3A_375 = arith.constant 0 : i32
        %add3A_376 = arith.addi %add3A_375, %mul3A_374 : i32
        %broadcast_in_dim3A_377 = vector.broadcast %add3A_376 : i32 to vector<16xi32>
        %get3A_378 = arith.index_cast %add3A_376 : i32 to index
        %get3A_379 = arith.constant 0 : index
        %get3A_380 = tpu.vector_load %arg15[%get3A_378, %get3A_379] {strides = array<i32>} : memref<128x128xf32, #tpu.memory_space<vmem>>, vector<16xf32>,
        tpu.vector_store_idx %arg7[%add3A_5, %broadcast_in_dim3A_377], %get3A_380 : memref<64x133xf32, #tpu.memory_space<vmem>>[vector<16xi32>, vector<16xi32>], vector<16xf32>,
        %get3A_381 = arith.index_cast %add3A_376 : i32 to index
        %get3A_382 = arith.constant 16 : index
        %get3A_383 = tpu.vector_load %arg15[%get3A_381, %get3A_382] {strides = array<i32>} : memref<128x128xf32, #tpu.memory_space<vmem>>, vector<16xf32>,
        tpu.vector_store_idx %arg7[%add3A_8, %broadcast_in_dim3A_377], %get3A_383 : memref<64x133xf32, #tpu.memory_space<vmem>>[vector<16xi32>, vector<16xi32>], vector<16xf32>,
        %get3A_384 = arith.index_cast %add3A_376 : i32 to index
        %get3A_385 = arith.constant 32 : index
        %get3A_386 = tpu.vector_load %arg15[%get3A_384, %get3A_385] {strides = array<i32>} : memref<128x128xf32, #tpu.memory_space<vmem>>, vector<16xf32>,
        tpu.vector_store_idx %arg7[%add3A_11, %broadcast_in_dim3A_377], %get3A_386 : memref<64x133xf32, #tpu.memory_space<vmem>>[vector<16xi32>, vector<16xi32>], vector<16xf32>,
        %get3A_387 = arith.index_cast %add3A_376 : i32 to index
        %get3A_388 = arith.constant 48 : index
        %get3A_389 = tpu.vector_load %arg15[%get3A_387, %get3A_388] {strides = array<i32>} : memref<128x128xf32, #tpu.memory_space<vmem>>, vector<16xf32>,
        tpu.vector_store_idx %arg7[%add3A_14, %broadcast_in_dim3A_377], %get3A_389 : memref<64x133xf32, #tpu.memory_space<vmem>>[vector<16xi32>, vector<16xi32>], vector<16xf32>,
        %scan3A_390 = arith.constant 6 : i32
        %scan3A_391 = arith.addi %scan3A_279, %scan3A_390 : i32
        %mul3A_392 = arith.constant 1 : i32
        %mul3A_393 = arith.muli %scan3A_391, %mul3A_392 : i32
        %add3A_394 = arith.constant 0 : i32
        %add3A_395 = arith.addi %add3A_394, %mul3A_393 : i32
        %broadcast_in_dim3A_396 = vector.broadcast %add3A_395 : i32 to vector<16xi32>
        %get3A_397 = arith.index_cast %add3A_395 : i32 to index
        %get3A_398 = arith.constant 0 : index
        %get3A_399 = tpu.vector_load %arg15[%get3A_397, %get3A_398] {strides = array<i32>} : memref<128x128xf32, #tpu.memory_space<vmem>>, vector<16xf32>,
        tpu.vector_store_idx %arg7[%add3A_5, %broadcast_in_dim3A_396], %get3A_399 : memref<64x133xf32, #tpu.memory_space<vmem>>[vector<16xi32>, vector<16xi32>], vector<16xf32>,
        %get3A_400 = arith.index_cast %add3A_395 : i32 to index
        %get3A_401 = arith.constant 16 : index
        %get3A_402 = tpu.vector_load %arg15[%get3A_400, %get3A_401] {strides = array<i32>} : memref<128x128xf32, #tpu.memory_space<vmem>>, vector<16xf32>,
        tpu.vector_store_idx %arg7[%add3A_8, %broadcast_in_dim3A_396], %get3A_402 : memref<64x133xf32, #tpu.memory_space<vmem>>[vector<16xi32>, vector<16xi32>], vector<16xf32>,
        %get3A_403 = arith.index_cast %add3A_395 : i32 to index
        %get3A_404 = arith.constant 32 : index
        %get3A_405 = tpu.vector_load %arg15[%get3A_403, %get3A_404] {strides = array<i32>} : memref<128x128xf32, #tpu.memory_space<vmem>>, vector<16xf32>,
        tpu.vector_store_idx %arg7[%add3A_11, %broadcast_in_dim3A_396], %get3A_405 : memref<64x133xf32, #tpu.memory_space<vmem>>[vector<16xi32>, vector<16xi32>], vector<16xf32>,
        %get3A_406 = arith.index_cast %add3A_395 : i32 to index
        %get3A_407 = arith.constant 48 : index
        %get3A_408 = tpu.vector_load %arg15[%get3A_406, %get3A_407] {strides = array<i32>} : memref<128x128xf32, #tpu.memory_space<vmem>>, vector<16xf32>,
        tpu.vector_store_idx %arg7[%add3A_14, %broadcast_in_dim3A_396], %get3A_408 : memref<64x133xf32, #tpu.memory_space<vmem>>[vector<16xi32>, vector<16xi32>], vector<16xf32>,
        %scan3A_409 = arith.constant 7 : i32
        %scan3A_410 = arith.addi %scan3A_279, %scan3A_409 : i32
        %mul3A_411 = arith.constant 1 : i32
        %mul3A_412 = arith.muli %scan3A_410, %mul3A_411 : i32
        %add3A_413 = arith.constant 0 : i32
        %add3A_414 = arith.addi %add3A_413, %mul3A_412 : i32
        %broadcast_in_dim3A_415 = vector.broadcast %add3A_414 : i32 to vector<16xi32>
        %get3A_416 = arith.index_cast %add3A_414 : i32 to index
        %get3A_417 = arith.constant 0 : index
        %get3A_418 = tpu.vector_load %arg15[%get3A_416, %get3A_417] {strides = array<i32>} : memref<128x128xf32, #tpu.memory_space<vmem>>, vector<16xf32>,
        tpu.vector_store_idx %arg7[%add3A_5, %broadcast_in_dim3A_415], %get3A_418 : memref<64x133xf32, #tpu.memory_space<vmem>>[vector<16xi32>, vector<16xi32>], vector<16xf32>,
        %get3A_419 = arith.index_cast %add3A_414 : i32 to index
        %get3A_420 = arith.constant 16 : index
        %get3A_421 = tpu.vector_load %arg15[%get3A_419, %get3A_420] {strides = array<i32>} : memref<128x128xf32, #tpu.memory_space<vmem>>, vector<16xf32>,
        tpu.vector_store_idx %arg7[%add3A_8, %broadcast_in_dim3A_415], %get3A_421 : memref<64x133xf32, #tpu.memory_space<vmem>>[vector<16xi32>, vector<16xi32>], vector<16xf32>,
        %get3A_422 = arith.index_cast %add3A_414 : i32 to index
        %get3A_423 = arith.constant 32 : index
        %get3A_424 = tpu.vector_load %arg15[%get3A_422, %get3A_423] {strides = array<i32>} : memref<128x128xf32, #tpu.memory_space<vmem>>, vector<16xf32>,
        tpu.vector_store_idx %arg7[%add3A_11, %broadcast_in_dim3A_415], %get3A_424 : memref<64x133xf32, #tpu.memory_space<vmem>>[vector<16xi32>, vector<16xi32>], vector<16xf32>,
        %get3A_425 = arith.index_cast %add3A_414 : i32 to index
        %get3A_426 = arith.constant 48 : index
        %get3A_427 = tpu.vector_load %arg15[%get3A_425, %get3A_426] {strides = array<i32>} : memref<128x128xf32, #tpu.memory_space<vmem>>, vector<16xf32>,
        tpu.vector_store_idx %arg7[%add3A_14, %broadcast_in_dim3A_415], %get3A_427 : memref<64x133xf32, #tpu.memory_space<vmem>>[vector<16xi32>, vector<16xi32>], vector<16xf32>,
      }
      %scan3A_123 = arith.constant 128 : i32
      %shift_right_arithmetic3A = arith.constant 2 : i32
      %shift_right_arithmetic3A_124 = arith.shrsi %add3A_110, %shift_right_arithmetic3A : i32
      %and3A = arith.constant 3 : i32
      %and3A_125 = arith.andi %add3A_110, %and3A : i32
      %mul3A_126 = arith.constant 128 : i32
      %mul3A_127 = arith.muli %and3A_125, %mul3A_126 : i32
      %add3A_128 = arith.addi %mul3A_2, %mul3A_127 : i32
      %dma_start3A_129 = arith.constant 0 : i32
      %dma_start3A_130 = arith.constant 0 : i32
      %dma_start3A_131 = tpu.memref_slice %arg7[%dma_start3A_129, %dma_start3A_130] : memref<64x133xf32, #tpu.memory_space<vmem>> -> memref<64x128xf32, #tpu.memory_space<vmem>>
      %dma_start3A_132 = arith.constant 0 : i32
      %dma_start3A_133 = tpu.memref_slice %arg4[%shift_right_arithmetic3A_124, %dma_start3A_132, %add3A_128] : memref<26x64x16384xf32, #tpu.memory_space<hbm>> -> memref<1x64x128xf32, #tpu.memory_space<hbm>>
      %dma_start3A_134 = tpu.memref_squeeze %dma_start3A_133 : memref<1x64x128xf32, #tpu.memory_space<hbm>> -> memref<64x128xf32, #tpu.memory_space<hbm>>
      %dma_start3A_135 = arith.constant 0 : i32
      %dma_start3A_136 = tpu.memref_slice %arg4[%shift_right_arithmetic3A_124, %dma_start3A_135, %add3A_128] : memref<26x64x16384xf32, #tpu.memory_space<hbm>> -> memref<1x64x128xf32, #tpu.memory_space<hbm>>
      %dma_start3A_137 = tpu.memref_squeeze %dma_start3A_136 : memref<1x64x128xf32, #tpu.memory_space<hbm>> -> memref<64x128xf32, #tpu.memory_space<hbm>>
      %dma_start3A_138 = arith.constant 0 : i32
      %dma_start3A_139 = arith.constant 0 : i32
      %dma_start3A_140 = tpu.memref_slice %arg7[%dma_start3A_138, %dma_start3A_139] : memref<64x133xf32, #tpu.memory_space<vmem>> -> memref<64x128xf32, #tpu.memory_space<vmem>>
      tpu.enqueue_dma source(%dma_start3A_140 : memref<64x128xf32, #tpu.memory_space<vmem>>) target(%dma_start3A_137 : memref<64x128xf32, #tpu.memory_space<hbm>>) target_semaphore(%arg11 : memref<!tpu.dma_semaphore, #tpu.memory_space<semaphore_mem>>)
      %add3A_141 = arith.constant 4 : i32
      %add3A_142 = arith.addi %add3A_110, %add3A_141 : i32
      %lt3A = arith.constant 104 : i32
      %lt3A_143 = arith.cmpi slt, %add3A_142, %lt3A : i32
      %convert_element_type3A_144 = arith.extui %lt3A_143 : i1 to i32
      %cond3A_145 = arith.constant 0 : i32
      %cond3A_146 = arith.cmpi ne, %convert_element_type3A_144, %cond3A_145 : i32
      scf.if %cond3A_146 {
        %add3A_279 = arith.constant 4 : i32
        %add3A_280 = arith.addi %add3A_110, %add3A_279 : i32
        %shift_right_arithmetic3A_281 = arith.constant 2 : i32
        %shift_right_arithmetic3A_282 = arith.shrsi %add3A_280, %shift_right_arithmetic3A_281 : i32
        %and3A_283 = arith.constant 3 : i32
        %and3A_284 = arith.andi %add3A_280, %and3A_283 : i32
        %dma_start3A_285 = arith.constant 0 : i32
        %dma_start3A_286 = tpu.memref_slice %arg6[%shift_right_arithmetic3A_282, %and3A_284, %dma_start3A_285] : memref<26x4x128xi32, #tpu.memory_space<vmem>> -> memref<1x1x128xi32, #tpu.memory_space<vmem>>
        %dma_start3A_287 = tpu.memref_squeeze %dma_start3A_286 : memref<1x1x128xi32, #tpu.memory_space<vmem>> -> memref<128xi32, #tpu.memory_space<vmem>>
        %dma_start3A_288 = arith.constant 0 : i32
        %dma_start3A_289 = arith.constant 0 : i32
        %dma_start3A_290 = tpu.memref_slice %arg3[%dma_start3A_288, %dma_start3A_289] : memref<1000000x128xf32, #tpu.memory_space<hbm>> -> memref<1000000x128xf32, #tpu.memory_space<hbm>>
        tpu.enqueue_indirect_dma source(%dma_start3A_290 : memref<1000000x128xf32, #tpu.memory_space<hbm>>) target(%arg15 : memref<128x128xf32, #tpu.memory_space<vmem>>) offsets(%dma_start3A_287 : memref<128xi32, #tpu.memory_space<vmem>>) semaphore(%arg19 : memref<!tpu.dma_semaphore, #tpu.memory_space<semaphore_mem>>)
      } else {
      }
      %add3A_147 = arith.constant 1 : i32
      %add3A_148 = arith.addi %add3A_108, %add3A_147 : i32
      %dma_wait3A_149 = arith.constant 0 : i32
      %dma_wait3A_150 = arith.constant 0 : i32
      %dma_wait3A_151 = tpu.memref_slice %arg3[%dma_wait3A_149, %dma_wait3A_150] : memref<1000000x128xf32, #tpu.memory_space<hbm>> -> memref<128x128xf32, #tpu.memory_space<hbm>>
      %dma_wait3A_152 = arith.constant 0 : i32
      %dma_wait3A_153 = arith.constant 0 : i32
      %dma_wait3A_154 = tpu.memref_slice %arg3[%dma_wait3A_152, %dma_wait3A_153] : memref<1000000x128xf32, #tpu.memory_space<hbm>> -> memref<128x128xf32, #tpu.memory_space<hbm>>
      tpu.wait_dma2 semaphore(%arg20 : memref<!tpu.dma_semaphore, #tpu.memory_space<semaphore_mem>>) src(%dma_wait3A_154 : memref<128x128xf32, #tpu.memory_space<hbm>>) dst(%arg16 : memref<128x128xf32, #tpu.memory_space<vmem>>)
      %ge3A_155 = arith.constant 4 : i32
      %ge3A_156 = arith.cmpi sge, %add3A_148, %ge3A_155 : i32
      %convert_element_type3A_157 = arith.extui %ge3A_156 : i1 to i32
      %cond3A_158 = arith.constant 0 : i32
      %cond3A_159 = arith.cmpi ne, %convert_element_type3A_157, %cond3A_158 : i32
      scf.if %cond3A_159 {
        %dma_wait3A_279 = arith.constant 0 : i32
        %dma_wait3A_280 = arith.constant 0 : i32
        %dma_wait3A_281 = tpu.memref_slice %arg8[%dma_wait3A_279, %dma_wait3A_280] : memref<64x133xf32, #tpu.memory_space<vmem>> -> memref<64x128xf32, #tpu.memory_space<vmem>>
        %dma_wait3A_282 = arith.constant 0 : i32
        %dma_wait3A_283 = arith.constant 0 : i32
        %dma_wait3A_284 = tpu.memref_slice %arg3[%dma_wait3A_282, %dma_wait3A_283] : memref<1000000x128xf32, #tpu.memory_space<hbm>> -> memref<64x128xf32, #tpu.memory_space<hbm>>
        %dma_wait3A_285 = arith.constant 0 : i32
        %dma_wait3A_286 = arith.constant 0 : i32
        %dma_wait3A_287 = tpu.memref_slice %arg8[%dma_wait3A_285, %dma_wait3A_286] : memref<64x133xf32, #tpu.memory_space<vmem>> -> memref<64x128xf32, #tpu.memory_space<vmem>>
        %dma_wait3A_288 = arith.constant 0 : i32
        %dma_wait3A_289 = arith.constant 0 : i32
        %dma_wait3A_290 = tpu.memref_slice %arg3[%dma_wait3A_288, %dma_wait3A_289] : memref<1000000x128xf32, #tpu.memory_space<hbm>> -> memref<64x128xf32, #tpu.memory_space<hbm>>
        tpu.wait_dma2 semaphore(%arg12 : memref<!tpu.dma_semaphore, #tpu.memory_space<semaphore_mem>>) src(%dma_wait3A_290 : memref<64x128xf32, #tpu.memory_space<hbm>>) dst(%dma_wait3A_287 : memref<64x128xf32, #tpu.memory_space<vmem>>)
      } else {
      }
      %scan3A_160 = arith.constant 0 : i32
      %scan3A_161 = arith.constant 128 : i32
      %scan3A_162 = arith.addi %scan3A_160, %scan3A_161 : i32
      %scan3A_163 = arith.constant 8 : i32
      scf.for %scan3A_279 = %scan3A_160 to %scan3A_162 step %scan3A_163  : i32 {
        %mul3A_280 = arith.constant 1 : i32
        %mul3A_281 = arith.muli %scan3A_279, %mul3A_280 : i32
        %add3A_282 = arith.constant 0 : i32
        %add3A_283 = arith.addi %add3A_282, %mul3A_281 : i32
        %broadcast_in_dim3A = vector.broadcast %add3A_283 : i32 to vector<16xi32>
        %get3A = arith.index_cast %add3A_283 : i32 to index
        %get3A_284 = arith.constant 0 : index
        %get3A_285 = tpu.vector_load %arg16[%get3A, %get3A_284] {strides = array<i32>} : memref<128x128xf32, #tpu.memory_space<vmem>>, vector<16xf32>,
        tpu.vector_store_idx %arg8[%add3A_5, %broadcast_in_dim3A], %get3A_285 : memref<64x133xf32, #tpu.memory_space<vmem>>[vector<16xi32>, vector<16xi32>], vector<16xf32>,
        %get3A_286 = arith.index_cast %add3A_283 : i32 to index
        %get3A_287 = arith.constant 16 : index
        %get3A_288 = tpu.vector_load %arg16[%get3A_286, %get3A_287] {strides = array<i32>} : memref<128x128xf32, #tpu.memory_space<vmem>>, vector<16xf32>,
        tpu.vector_store_idx %arg8[%add3A_8, %broadcast_in_dim3A], %get3A_288 : memref<64x133xf32, #tpu.memory_space<vmem>>[vector<16xi32>, vector<16xi32>], vector<16xf32>,
        %get3A_289 = arith.index_cast %add3A_283 : i32 to index
        %get3A_290 = arith.constant 32 : index
        %get3A_291 = tpu.vector_load %arg16[%get3A_289, %get3A_290] {strides = array<i32>} : memref<128x128xf32, #tpu.memory_space<vmem>>, vector<16xf32>,
        tpu.vector_store_idx %arg8[%add3A_11, %broadcast_in_dim3A], %get3A_291 : memref<64x133xf32, #tpu.memory_space<vmem>>[vector<16xi32>, vector<16xi32>], vector<16xf32>,
        %get3A_292 = arith.index_cast %add3A_283 : i32 to index
        %get3A_293 = arith.constant 48 : index
        %get3A_294 = tpu.vector_load %arg16[%get3A_292, %get3A_293] {strides = array<i32>} : memref<128x128xf32, #tpu.memory_space<vmem>>, vector<16xf32>,
        tpu.vector_store_idx %arg8[%add3A_14, %broadcast_in_dim3A], %get3A_294 : memref<64x133xf32, #tpu.memory_space<vmem>>[vector<16xi32>, vector<16xi32>], vector<16xf32>,
        %scan3A_295 = arith.constant 1 : i32
        %scan3A_296 = arith.addi %scan3A_279, %scan3A_295 : i32
        %mul3A_297 = arith.constant 1 : i32
        %mul3A_298 = arith.muli %scan3A_296, %mul3A_297 : i32
        %add3A_299 = arith.constant 0 : i32
        %add3A_300 = arith.addi %add3A_299, %mul3A_298 : i32
        %broadcast_in_dim3A_301 = vector.broadcast %add3A_300 : i32 to vector<16xi32>
        %get3A_302 = arith.index_cast %add3A_300 : i32 to index
        %get3A_303 = arith.constant 0 : index
        %get3A_304 = tpu.vector_load %arg16[%get3A_302, %get3A_303] {strides = array<i32>} : memref<128x128xf32, #tpu.memory_space<vmem>>, vector<16xf32>,
        tpu.vector_store_idx %arg8[%add3A_5, %broadcast_in_dim3A_301], %get3A_304 : memref<64x133xf32, #tpu.memory_space<vmem>>[vector<16xi32>, vector<16xi32>], vector<16xf32>,
        %get3A_305 = arith.index_cast %add3A_300 : i32 to index
        %get3A_306 = arith.constant 16 : index
        %get3A_307 = tpu.vector_load %arg16[%get3A_305, %get3A_306] {strides = array<i32>} : memref<128x128xf32, #tpu.memory_space<vmem>>, vector<16xf32>,
        tpu.vector_store_idx %arg8[%add3A_8, %broadcast_in_dim3A_301], %get3A_307 : memref<64x133xf32, #tpu.memory_space<vmem>>[vector<16xi32>, vector<16xi32>], vector<16xf32>,
        %get3A_308 = arith.index_cast %add3A_300 : i32 to index
        %get3A_309 = arith.constant 32 : index
        %get3A_310 = tpu.vector_load %arg16[%get3A_308, %get3A_309] {strides = array<i32>} : memref<128x128xf32, #tpu.memory_space<vmem>>, vector<16xf32>,
        tpu.vector_store_idx %arg8[%add3A_11, %broadcast_in_dim3A_301], %get3A_310 : memref<64x133xf32, #tpu.memory_space<vmem>>[vector<16xi32>, vector<16xi32>], vector<16xf32>,
        %get3A_311 = arith.index_cast %add3A_300 : i32 to index
        %get3A_312 = arith.constant 48 : index
        %get3A_313 = tpu.vector_load %arg16[%get3A_311, %get3A_312] {strides = array<i32>} : memref<128x128xf32, #tpu.memory_space<vmem>>, vector<16xf32>,
        tpu.vector_store_idx %arg8[%add3A_14, %broadcast_in_dim3A_301], %get3A_313 : memref<64x133xf32, #tpu.memory_space<vmem>>[vector<16xi32>, vector<16xi32>], vector<16xf32>,
        %scan3A_314 = arith.constant 2 : i32
        %scan3A_315 = arith.addi %scan3A_279, %scan3A_314 : i32
        %mul3A_316 = arith.constant 1 : i32
        %mul3A_317 = arith.muli %scan3A_315, %mul3A_316 : i32
        %add3A_318 = arith.constant 0 : i32
        %add3A_319 = arith.addi %add3A_318, %mul3A_317 : i32
        %broadcast_in_dim3A_320 = vector.broadcast %add3A_319 : i32 to vector<16xi32>
        %get3A_321 = arith.index_cast %add3A_319 : i32 to index
        %get3A_322 = arith.constant 0 : index
        %get3A_323 = tpu.vector_load %arg16[%get3A_321, %get3A_322] {strides = array<i32>} : memref<128x128xf32, #tpu.memory_space<vmem>>, vector<16xf32>,
        tpu.vector_store_idx %arg8[%add3A_5, %broadcast_in_dim3A_320], %get3A_323 : memref<64x133xf32, #tpu.memory_space<vmem>>[vector<16xi32>, vector<16xi32>], vector<16xf32>,
        %get3A_324 = arith.index_cast %add3A_319 : i32 to index
        %get3A_325 = arith.constant 16 : index
        %get3A_326 = tpu.vector_load %arg16[%get3A_324, %get3A_325] {strides = array<i32>} : memref<128x128xf32, #tpu.memory_space<vmem>>, vector<16xf32>,
        tpu.vector_store_idx %arg8[%add3A_8, %broadcast_in_dim3A_320], %get3A_326 : memref<64x133xf32, #tpu.memory_space<vmem>>[vector<16xi32>, vector<16xi32>], vector<16xf32>,
        %get3A_327 = arith.index_cast %add3A_319 : i32 to index
        %get3A_328 = arith.constant 32 : index
        %get3A_329 = tpu.vector_load %arg16[%get3A_327, %get3A_328] {strides = array<i32>} : memref<128x128xf32, #tpu.memory_space<vmem>>, vector<16xf32>,
        tpu.vector_store_idx %arg8[%add3A_11, %broadcast_in_dim3A_320], %get3A_329 : memref<64x133xf32, #tpu.memory_space<vmem>>[vector<16xi32>, vector<16xi32>], vector<16xf32>,
        %get3A_330 = arith.index_cast %add3A_319 : i32 to index
        %get3A_331 = arith.constant 48 : index
        %get3A_332 = tpu.vector_load %arg16[%get3A_330, %get3A_331] {strides = array<i32>} : memref<128x128xf32, #tpu.memory_space<vmem>>, vector<16xf32>,
        tpu.vector_store_idx %arg8[%add3A_14, %broadcast_in_dim3A_320], %get3A_332 : memref<64x133xf32, #tpu.memory_space<vmem>>[vector<16xi32>, vector<16xi32>], vector<16xf32>,
        %scan3A_333 = arith.constant 3 : i32
        %scan3A_334 = arith.addi %scan3A_279, %scan3A_333 : i32
        %mul3A_335 = arith.constant 1 : i32
        %mul3A_336 = arith.muli %scan3A_334, %mul3A_335 : i32
        %add3A_337 = arith.constant 0 : i32
        %add3A_338 = arith.addi %add3A_337, %mul3A_336 : i32
        %broadcast_in_dim3A_339 = vector.broadcast %add3A_338 : i32 to vector<16xi32>
        %get3A_340 = arith.index_cast %add3A_338 : i32 to index
        %get3A_341 = arith.constant 0 : index
        %get3A_342 = tpu.vector_load %arg16[%get3A_340, %get3A_341] {strides = array<i32>} : memref<128x128xf32, #tpu.memory_space<vmem>>, vector<16xf32>,
        tpu.vector_store_idx %arg8[%add3A_5, %broadcast_in_dim3A_339], %get3A_342 : memref<64x133xf32, #tpu.memory_space<vmem>>[vector<16xi32>, vector<16xi32>], vector<16xf32>,
        %get3A_343 = arith.index_cast %add3A_338 : i32 to index
        %get3A_344 = arith.constant 16 : index
        %get3A_345 = tpu.vector_load %arg16[%get3A_343, %get3A_344] {strides = array<i32>} : memref<128x128xf32, #tpu.memory_space<vmem>>, vector<16xf32>,
        tpu.vector_store_idx %arg8[%add3A_8, %broadcast_in_dim3A_339], %get3A_345 : memref<64x133xf32, #tpu.memory_space<vmem>>[vector<16xi32>, vector<16xi32>], vector<16xf32>,
        %get3A_346 = arith.index_cast %add3A_338 : i32 to index
        %get3A_347 = arith.constant 32 : index
        %get3A_348 = tpu.vector_load %arg16[%get3A_346, %get3A_347] {strides = array<i32>} : memref<128x128xf32, #tpu.memory_space<vmem>>, vector<16xf32>,
        tpu.vector_store_idx %arg8[%add3A_11, %broadcast_in_dim3A_339], %get3A_348 : memref<64x133xf32, #tpu.memory_space<vmem>>[vector<16xi32>, vector<16xi32>], vector<16xf32>,
        %get3A_349 = arith.index_cast %add3A_338 : i32 to index
        %get3A_350 = arith.constant 48 : index
        %get3A_351 = tpu.vector_load %arg16[%get3A_349, %get3A_350] {strides = array<i32>} : memref<128x128xf32, #tpu.memory_space<vmem>>, vector<16xf32>,
        tpu.vector_store_idx %arg8[%add3A_14, %broadcast_in_dim3A_339], %get3A_351 : memref<64x133xf32, #tpu.memory_space<vmem>>[vector<16xi32>, vector<16xi32>], vector<16xf32>,
        %scan3A_352 = arith.constant 4 : i32
        %scan3A_353 = arith.addi %scan3A_279, %scan3A_352 : i32
        %mul3A_354 = arith.constant 1 : i32
        %mul3A_355 = arith.muli %scan3A_353, %mul3A_354 : i32
        %add3A_356 = arith.constant 0 : i32
        %add3A_357 = arith.addi %add3A_356, %mul3A_355 : i32
        %broadcast_in_dim3A_358 = vector.broadcast %add3A_357 : i32 to vector<16xi32>
        %get3A_359 = arith.index_cast %add3A_357 : i32 to index
        %get3A_360 = arith.constant 0 : index
        %get3A_361 = tpu.vector_load %arg16[%get3A_359, %get3A_360] {strides = array<i32>} : memref<128x128xf32, #tpu.memory_space<vmem>>, vector<16xf32>,
        tpu.vector_store_idx %arg8[%add3A_5, %broadcast_in_dim3A_358], %get3A_361 : memref<64x133xf32, #tpu.memory_space<vmem>>[vector<16xi32>, vector<16xi32>], vector<16xf32>,
        %get3A_362 = arith.index_cast %add3A_357 : i32 to index
        %get3A_363 = arith.constant 16 : index
        %get3A_364 = tpu.vector_load %arg16[%get3A_362, %get3A_363] {strides = array<i32>} : memref<128x128xf32, #tpu.memory_space<vmem>>, vector<16xf32>,
        tpu.vector_store_idx %arg8[%add3A_8, %broadcast_in_dim3A_358], %get3A_364 : memref<64x133xf32, #tpu.memory_space<vmem>>[vector<16xi32>, vector<16xi32>], vector<16xf32>,
        %get3A_365 = arith.index_cast %add3A_357 : i32 to index
        %get3A_366 = arith.constant 32 : index
        %get3A_367 = tpu.vector_load %arg16[%get3A_365, %get3A_366] {strides = array<i32>} : memref<128x128xf32, #tpu.memory_space<vmem>>, vector<16xf32>,
        tpu.vector_store_idx %arg8[%add3A_11, %broadcast_in_dim3A_358], %get3A_367 : memref<64x133xf32, #tpu.memory_space<vmem>>[vector<16xi32>, vector<16xi32>], vector<16xf32>,
        %get3A_368 = arith.index_cast %add3A_357 : i32 to index
        %get3A_369 = arith.constant 48 : index
        %get3A_370 = tpu.vector_load %arg16[%get3A_368, %get3A_369] {strides = array<i32>} : memref<128x128xf32, #tpu.memory_space<vmem>>, vector<16xf32>,
        tpu.vector_store_idx %arg8[%add3A_14, %broadcast_in_dim3A_358], %get3A_370 : memref<64x133xf32, #tpu.memory_space<vmem>>[vector<16xi32>, vector<16xi32>], vector<16xf32>,
        %scan3A_371 = arith.constant 5 : i32
        %scan3A_372 = arith.addi %scan3A_279, %scan3A_371 : i32
        %mul3A_373 = arith.constant 1 : i32
        %mul3A_374 = arith.muli %scan3A_372, %mul3A_373 : i32
        %add3A_375 = arith.constant 0 : i32
        %add3A_376 = arith.addi %add3A_375, %mul3A_374 : i32
        %broadcast_in_dim3A_377 = vector.broadcast %add3A_376 : i32 to vector<16xi32>
        %get3A_378 = arith.index_cast %add3A_376 : i32 to index
        %get3A_379 = arith.constant 0 : index
        %get3A_380 = tpu.vector_load %arg16[%get3A_378, %get3A_379] {strides = array<i32>} : memref<128x128xf32, #tpu.memory_space<vmem>>, vector<16xf32>,
        tpu.vector_store_idx %arg8[%add3A_5, %broadcast_in_dim3A_377], %get3A_380 : memref<64x133xf32, #tpu.memory_space<vmem>>[vector<16xi32>, vector<16xi32>], vector<16xf32>,
        %get3A_381 = arith.index_cast %add3A_376 : i32 to index
        %get3A_382 = arith.constant 16 : index
        %get3A_383 = tpu.vector_load %arg16[%get3A_381, %get3A_382] {strides = array<i32>} : memref<128x128xf32, #tpu.memory_space<vmem>>, vector<16xf32>,
        tpu.vector_store_idx %arg8[%add3A_8, %broadcast_in_dim3A_377], %get3A_383 : memref<64x133xf32, #tpu.memory_space<vmem>>[vector<16xi32>, vector<16xi32>], vector<16xf32>,
        %get3A_384 = arith.index_cast %add3A_376 : i32 to index
        %get3A_385 = arith.constant 32 : index
        %get3A_386 = tpu.vector_load %arg16[%get3A_384, %get3A_385] {strides = array<i32>} : memref<128x128xf32, #tpu.memory_space<vmem>>, vector<16xf32>,
        tpu.vector_store_idx %arg8[%add3A_11, %broadcast_in_dim3A_377], %get3A_386 : memref<64x133xf32, #tpu.memory_space<vmem>>[vector<16xi32>, vector<16xi32>], vector<16xf32>,
        %get3A_387 = arith.index_cast %add3A_376 : i32 to index
        %get3A_388 = arith.constant 48 : index
        %get3A_389 = tpu.vector_load %arg16[%get3A_387, %get3A_388] {strides = array<i32>} : memref<128x128xf32, #tpu.memory_space<vmem>>, vector<16xf32>,
        tpu.vector_store_idx %arg8[%add3A_14, %broadcast_in_dim3A_377], %get3A_389 : memref<64x133xf32, #tpu.memory_space<vmem>>[vector<16xi32>, vector<16xi32>], vector<16xf32>,
        %scan3A_390 = arith.constant 6 : i32
        %scan3A_391 = arith.addi %scan3A_279, %scan3A_390 : i32
        %mul3A_392 = arith.constant 1 : i32
        %mul3A_393 = arith.muli %scan3A_391, %mul3A_392 : i32
        %add3A_394 = arith.constant 0 : i32
        %add3A_395 = arith.addi %add3A_394, %mul3A_393 : i32
        %broadcast_in_dim3A_396 = vector.broadcast %add3A_395 : i32 to vector<16xi32>
        %get3A_397 = arith.index_cast %add3A_395 : i32 to index
        %get3A_398 = arith.constant 0 : index
        %get3A_399 = tpu.vector_load %arg16[%get3A_397, %get3A_398] {strides = array<i32>} : memref<128x128xf32, #tpu.memory_space<vmem>>, vector<16xf32>,
        tpu.vector_store_idx %arg8[%add3A_5, %broadcast_in_dim3A_396], %get3A_399 : memref<64x133xf32, #tpu.memory_space<vmem>>[vector<16xi32>, vector<16xi32>], vector<16xf32>,
        %get3A_400 = arith.index_cast %add3A_395 : i32 to index
        %get3A_401 = arith.constant 16 : index
        %get3A_402 = tpu.vector_load %arg16[%get3A_400, %get3A_401] {strides = array<i32>} : memref<128x128xf32, #tpu.memory_space<vmem>>, vector<16xf32>,
        tpu.vector_store_idx %arg8[%add3A_8, %broadcast_in_dim3A_396], %get3A_402 : memref<64x133xf32, #tpu.memory_space<vmem>>[vector<16xi32>, vector<16xi32>], vector<16xf32>,
        %get3A_403 = arith.index_cast %add3A_395 : i32 to index
        %get3A_404 = arith.constant 32 : index
        %get3A_405 = tpu.vector_load %arg16[%get3A_403, %get3A_404] {strides = array<i32>} : memref<128x128xf32, #tpu.memory_space<vmem>>, vector<16xf32>,
        tpu.vector_store_idx %arg8[%add3A_11, %broadcast_in_dim3A_396], %get3A_405 : memref<64x133xf32, #tpu.memory_space<vmem>>[vector<16xi32>, vector<16xi32>], vector<16xf32>,
        %get3A_406 = arith.index_cast %add3A_395 : i32 to index
        %get3A_407 = arith.constant 48 : index
        %get3A_408 = tpu.vector_load %arg16[%get3A_406, %get3A_407] {strides = array<i32>} : memref<128x128xf32, #tpu.memory_space<vmem>>, vector<16xf32>,
        tpu.vector_store_idx %arg8[%add3A_14, %broadcast_in_dim3A_396], %get3A_408 : memref<64x133xf32, #tpu.memory_space<vmem>>[vector<16xi32>, vector<16xi32>], vector<16xf32>,
        %scan3A_409 = arith.constant 7 : i32
        %scan3A_410 = arith.addi %scan3A_279, %scan3A_409 : i32
        %mul3A_411 = arith.constant 1 : i32
        %mul3A_412 = arith.muli %scan3A_410, %mul3A_411 : i32
        %add3A_413 = arith.constant 0 : i32
        %add3A_414 = arith.addi %add3A_413, %mul3A_412 : i32
        %broadcast_in_dim3A_415 = vector.broadcast %add3A_414 : i32 to vector<16xi32>
        %get3A_416 = arith.index_cast %add3A_414 : i32 to index
        %get3A_417 = arith.constant 0 : index
        %get3A_418 = tpu.vector_load %arg16[%get3A_416, %get3A_417] {strides = array<i32>} : memref<128x128xf32, #tpu.memory_space<vmem>>, vector<16xf32>,
        tpu.vector_store_idx %arg8[%add3A_5, %broadcast_in_dim3A_415], %get3A_418 : memref<64x133xf32, #tpu.memory_space<vmem>>[vector<16xi32>, vector<16xi32>], vector<16xf32>,
        %get3A_419 = arith.index_cast %add3A_414 : i32 to index
        %get3A_420 = arith.constant 16 : index
        %get3A_421 = tpu.vector_load %arg16[%get3A_419, %get3A_420] {strides = array<i32>} : memref<128x128xf32, #tpu.memory_space<vmem>>, vector<16xf32>,
        tpu.vector_store_idx %arg8[%add3A_8, %broadcast_in_dim3A_415], %get3A_421 : memref<64x133xf32, #tpu.memory_space<vmem>>[vector<16xi32>, vector<16xi32>], vector<16xf32>,
        %get3A_422 = arith.index_cast %add3A_414 : i32 to index
        %get3A_423 = arith.constant 32 : index
        %get3A_424 = tpu.vector_load %arg16[%get3A_422, %get3A_423] {strides = array<i32>} : memref<128x128xf32, #tpu.memory_space<vmem>>, vector<16xf32>,
        tpu.vector_store_idx %arg8[%add3A_11, %broadcast_in_dim3A_415], %get3A_424 : memref<64x133xf32, #tpu.memory_space<vmem>>[vector<16xi32>, vector<16xi32>], vector<16xf32>,
        %get3A_425 = arith.index_cast %add3A_414 : i32 to index
        %get3A_426 = arith.constant 48 : index
        %get3A_427 = tpu.vector_load %arg16[%get3A_425, %get3A_426] {strides = array<i32>} : memref<128x128xf32, #tpu.memory_space<vmem>>, vector<16xf32>,
        tpu.vector_store_idx %arg8[%add3A_14, %broadcast_in_dim3A_415], %get3A_427 : memref<64x133xf32, #tpu.memory_space<vmem>>[vector<16xi32>, vector<16xi32>], vector<16xf32>,
      }
      %scan3A_164 = arith.constant 128 : i32
      %shift_right_arithmetic3A_165 = arith.constant 2 : i32
      %shift_right_arithmetic3A_166 = arith.shrsi %add3A_148, %shift_right_arithmetic3A_165 : i32
      %and3A_167 = arith.constant 3 : i32
      %and3A_168 = arith.andi %add3A_148, %and3A_167 : i32
      %mul3A_169 = arith.constant 128 : i32
      %mul3A_170 = arith.muli %and3A_168, %mul3A_169 : i32
      %add3A_171 = arith.addi %mul3A_2, %mul3A_170 : i32
      %dma_start3A_172 = arith.constant 0 : i32
      %dma_start3A_173 = arith.constant 0 : i32
      %dma_start3A_174 = tpu.memref_slice %arg8[%dma_start3A_172, %dma_start3A_173] : memref<64x133xf32, #tpu.memory_space<vmem>> -> memref<64x128xf32, #tpu.memory_space<vmem>>
      %dma_start3A_175 = arith.constant 0 : i32
      %dma_start3A_176 = tpu.memref_slice %arg4[%shift_right_arithmetic3A_166, %dma_start3A_175, %add3A_171] : memref<26x64x16384xf32, #tpu.memory_space<hbm>> -> memref<1x64x128xf32, #tpu.memory_space<hbm>>
      %dma_start3A_177 = tpu.memref_squeeze %dma_start3A_176 : memref<1x64x128xf32, #tpu.memory_space<hbm>> -> memref<64x128xf32, #tpu.memory_space<hbm>>
      %dma_start3A_178 = arith.constant 0 : i32
      %dma_start3A_179 = tpu.memref_slice %arg4[%shift_right_arithmetic3A_166, %dma_start3A_178, %add3A_171] : memref<26x64x16384xf32, #tpu.memory_space<hbm>> -> memref<1x64x128xf32, #tpu.memory_space<hbm>>
      %dma_start3A_180 = tpu.memref_squeeze %dma_start3A_179 : memref<1x64x128xf32, #tpu.memory_space<hbm>> -> memref<64x128xf32, #tpu.memory_space<hbm>>
      %dma_start3A_181 = arith.constant 0 : i32
      %dma_start3A_182 = arith.constant 0 : i32
      %dma_start3A_183 = tpu.memref_slice %arg8[%dma_start3A_181, %dma_start3A_182] : memref<64x133xf32, #tpu.memory_space<vmem>> -> memref<64x128xf32, #tpu.memory_space<vmem>>
      tpu.enqueue_dma source(%dma_start3A_183 : memref<64x128xf32, #tpu.memory_space<vmem>>) target(%dma_start3A_180 : memref<64x128xf32, #tpu.memory_space<hbm>>) target_semaphore(%arg12 : memref<!tpu.dma_semaphore, #tpu.memory_space<semaphore_mem>>)
      %add3A_184 = arith.constant 4 : i32
      %add3A_185 = arith.addi %add3A_148, %add3A_184 : i32
      %lt3A_186 = arith.constant 104 : i32
      %lt3A_187 = arith.cmpi slt, %add3A_185, %lt3A_186 : i32
      %convert_element_type3A_188 = arith.extui %lt3A_187 : i1 to i32
      %cond3A_189 = arith.constant 0 : i32
      %cond3A_190 = arith.cmpi ne, %convert_element_type3A_188, %cond3A_189 : i32
      scf.if %cond3A_190 {
        %add3A_279 = arith.constant 4 : i32
        %add3A_280 = arith.addi %add3A_148, %add3A_279 : i32
        %shift_right_arithmetic3A_281 = arith.constant 2 : i32
        %shift_right_arithmetic3A_282 = arith.shrsi %add3A_280, %shift_right_arithmetic3A_281 : i32
        %and3A_283 = arith.constant 3 : i32
        %and3A_284 = arith.andi %add3A_280, %and3A_283 : i32
        %dma_start3A_285 = arith.constant 0 : i32
        %dma_start3A_286 = tpu.memref_slice %arg6[%shift_right_arithmetic3A_282, %and3A_284, %dma_start3A_285] : memref<26x4x128xi32, #tpu.memory_space<vmem>> -> memref<1x1x128xi32, #tpu.memory_space<vmem>>
        %dma_start3A_287 = tpu.memref_squeeze %dma_start3A_286 : memref<1x1x128xi32, #tpu.memory_space<vmem>> -> memref<128xi32, #tpu.memory_space<vmem>>
        %dma_start3A_288 = arith.constant 0 : i32
        %dma_start3A_289 = arith.constant 0 : i32
        %dma_start3A_290 = tpu.memref_slice %arg3[%dma_start3A_288, %dma_start3A_289] : memref<1000000x128xf32, #tpu.memory_space<hbm>> -> memref<1000000x128xf32, #tpu.memory_space<hbm>>
        tpu.enqueue_indirect_dma source(%dma_start3A_290 : memref<1000000x128xf32, #tpu.memory_space<hbm>>) target(%arg16 : memref<128x128xf32, #tpu.memory_space<vmem>>) offsets(%dma_start3A_287 : memref<128xi32, #tpu.memory_space<vmem>>) semaphore(%arg20 : memref<!tpu.dma_semaphore, #tpu.memory_space<semaphore_mem>>)
      } else {
      }
      %add3A_191 = arith.constant 2 : i32
      %add3A_192 = arith.addi %add3A_108, %add3A_191 : i32
      %dma_wait3A_193 = arith.constant 0 : i32
      %dma_wait3A_194 = arith.constant 0 : i32
      %dma_wait3A_195 = tpu.memref_slice %arg3[%dma_wait3A_193, %dma_wait3A_194] : memref<1000000x128xf32, #tpu.memory_space<hbm>> -> memref<128x128xf32, #tpu.memory_space<hbm>>
      %dma_wait3A_196 = arith.constant 0 : i32
      %dma_wait3A_197 = arith.constant 0 : i32
      %dma_wait3A_198 = tpu.memref_slice %arg3[%dma_wait3A_196, %dma_wait3A_197] : memref<1000000x128xf32, #tpu.memory_space<hbm>> -> memref<128x128xf32, #tpu.memory_space<hbm>>
      tpu.wait_dma2 semaphore(%arg21 : memref<!tpu.dma_semaphore, #tpu.memory_space<semaphore_mem>>) src(%dma_wait3A_198 : memref<128x128xf32, #tpu.memory_space<hbm>>) dst(%arg17 : memref<128x128xf32, #tpu.memory_space<vmem>>)
      %ge3A_199 = arith.constant 4 : i32
      %ge3A_200 = arith.cmpi sge, %add3A_192, %ge3A_199 : i32
      %convert_element_type3A_201 = arith.extui %ge3A_200 : i1 to i32
      %cond3A_202 = arith.constant 0 : i32
      %cond3A_203 = arith.cmpi ne, %convert_element_type3A_201, %cond3A_202 : i32
      scf.if %cond3A_203 {
        %dma_wait3A_279 = arith.constant 0 : i32
        %dma_wait3A_280 = arith.constant 0 : i32
        %dma_wait3A_281 = tpu.memref_slice %arg9[%dma_wait3A_279, %dma_wait3A_280] : memref<64x133xf32, #tpu.memory_space<vmem>> -> memref<64x128xf32, #tpu.memory_space<vmem>>
        %dma_wait3A_282 = arith.constant 0 : i32
        %dma_wait3A_283 = arith.constant 0 : i32
        %dma_wait3A_284 = tpu.memref_slice %arg3[%dma_wait3A_282, %dma_wait3A_283] : memref<1000000x128xf32, #tpu.memory_space<hbm>> -> memref<64x128xf32, #tpu.memory_space<hbm>>
        %dma_wait3A_285 = arith.constant 0 : i32
        %dma_wait3A_286 = arith.constant 0 : i32
        %dma_wait3A_287 = tpu.memref_slice %arg9[%dma_wait3A_285, %dma_wait3A_286] : memref<64x133xf32, #tpu.memory_space<vmem>> -> memref<64x128xf32, #tpu.memory_space<vmem>>
        %dma_wait3A_288 = arith.constant 0 : i32
        %dma_wait3A_289 = arith.constant 0 : i32
        %dma_wait3A_290 = tpu.memref_slice %arg3[%dma_wait3A_288, %dma_wait3A_289] : memref<1000000x128xf32, #tpu.memory_space<hbm>> -> memref<64x128xf32, #tpu.memory_space<hbm>>
        tpu.wait_dma2 semaphore(%arg13 : memref<!tpu.dma_semaphore, #tpu.memory_space<semaphore_mem>>) src(%dma_wait3A_290 : memref<64x128xf32, #tpu.memory_space<hbm>>) dst(%dma_wait3A_287 : memref<64x128xf32, #tpu.memory_space<vmem>>)
      } else {
      }
      %scan3A_204 = arith.constant 0 : i32
      %scan3A_205 = arith.constant 128 : i32
      %scan3A_206 = arith.addi %scan3A_204, %scan3A_205 : i32
      %scan3A_207 = arith.constant 8 : i32
      scf.for %scan3A_279 = %scan3A_204 to %scan3A_206 step %scan3A_207  : i32 {
        %mul3A_280 = arith.constant 1 : i32
        %mul3A_281 = arith.muli %scan3A_279, %mul3A_280 : i32
        %add3A_282 = arith.constant 0 : i32
        %add3A_283 = arith.addi %add3A_282, %mul3A_281 : i32
        %broadcast_in_dim3A = vector.broadcast %add3A_283 : i32 to vector<16xi32>
        %get3A = arith.index_cast %add3A_283 : i32 to index
        %get3A_284 = arith.constant 0 : index
        %get3A_285 = tpu.vector_load %arg17[%get3A, %get3A_284] {strides = array<i32>} : memref<128x128xf32, #tpu.memory_space<vmem>>, vector<16xf32>,
        tpu.vector_store_idx %arg9[%add3A_5, %broadcast_in_dim3A], %get3A_285 : memref<64x133xf32, #tpu.memory_space<vmem>>[vector<16xi32>, vector<16xi32>], vector<16xf32>,
        %get3A_286 = arith.index_cast %add3A_283 : i32 to index
        %get3A_287 = arith.constant 16 : index
        %get3A_288 = tpu.vector_load %arg17[%get3A_286, %get3A_287] {strides = array<i32>} : memref<128x128xf32, #tpu.memory_space<vmem>>, vector<16xf32>,
        tpu.vector_store_idx %arg9[%add3A_8, %broadcast_in_dim3A], %get3A_288 : memref<64x133xf32, #tpu.memory_space<vmem>>[vector<16xi32>, vector<16xi32>], vector<16xf32>,
        %get3A_289 = arith.index_cast %add3A_283 : i32 to index
        %get3A_290 = arith.constant 32 : index
        %get3A_291 = tpu.vector_load %arg17[%get3A_289, %get3A_290] {strides = array<i32>} : memref<128x128xf32, #tpu.memory_space<vmem>>, vector<16xf32>,
        tpu.vector_store_idx %arg9[%add3A_11, %broadcast_in_dim3A], %get3A_291 : memref<64x133xf32, #tpu.memory_space<vmem>>[vector<16xi32>, vector<16xi32>], vector<16xf32>,
        %get3A_292 = arith.index_cast %add3A_283 : i32 to index
        %get3A_293 = arith.constant 48 : index
        %get3A_294 = tpu.vector_load %arg17[%get3A_292, %get3A_293] {strides = array<i32>} : memref<128x128xf32, #tpu.memory_space<vmem>>, vector<16xf32>,
        tpu.vector_store_idx %arg9[%add3A_14, %broadcast_in_dim3A], %get3A_294 : memref<64x133xf32, #tpu.memory_space<vmem>>[vector<16xi32>, vector<16xi32>], vector<16xf32>,
        %scan3A_295 = arith.constant 1 : i32
        %scan3A_296 = arith.addi %scan3A_279, %scan3A_295 : i32
        %mul3A_297 = arith.constant 1 : i32
        %mul3A_298 = arith.muli %scan3A_296, %mul3A_297 : i32
        %add3A_299 = arith.constant 0 : i32
        %add3A_300 = arith.addi %add3A_299, %mul3A_298 : i32
        %broadcast_in_dim3A_301 = vector.broadcast %add3A_300 : i32 to vector<16xi32>
        %get3A_302 = arith.index_cast %add3A_300 : i32 to index
        %get3A_303 = arith.constant 0 : index
        %get3A_304 = tpu.vector_load %arg17[%get3A_302, %get3A_303] {strides = array<i32>} : memref<128x128xf32, #tpu.memory_space<vmem>>, vector<16xf32>,
        tpu.vector_store_idx %arg9[%add3A_5, %broadcast_in_dim3A_301], %get3A_304 : memref<64x133xf32, #tpu.memory_space<vmem>>[vector<16xi32>, vector<16xi32>], vector<16xf32>,
        %get3A_305 = arith.index_cast %add3A_300 : i32 to index
        %get3A_306 = arith.constant 16 : index
        %get3A_307 = tpu.vector_load %arg17[%get3A_305, %get3A_306] {strides = array<i32>} : memref<128x128xf32, #tpu.memory_space<vmem>>, vector<16xf32>,
        tpu.vector_store_idx %arg9[%add3A_8, %broadcast_in_dim3A_301], %get3A_307 : memref<64x133xf32, #tpu.memory_space<vmem>>[vector<16xi32>, vector<16xi32>], vector<16xf32>,
        %get3A_308 = arith.index_cast %add3A_300 : i32 to index
        %get3A_309 = arith.constant 32 : index
        %get3A_310 = tpu.vector_load %arg17[%get3A_308, %get3A_309] {strides = array<i32>} : memref<128x128xf32, #tpu.memory_space<vmem>>, vector<16xf32>,
        tpu.vector_store_idx %arg9[%add3A_11, %broadcast_in_dim3A_301], %get3A_310 : memref<64x133xf32, #tpu.memory_space<vmem>>[vector<16xi32>, vector<16xi32>], vector<16xf32>,
        %get3A_311 = arith.index_cast %add3A_300 : i32 to index
        %get3A_312 = arith.constant 48 : index
        %get3A_313 = tpu.vector_load %arg17[%get3A_311, %get3A_312] {strides = array<i32>} : memref<128x128xf32, #tpu.memory_space<vmem>>, vector<16xf32>,
        tpu.vector_store_idx %arg9[%add3A_14, %broadcast_in_dim3A_301], %get3A_313 : memref<64x133xf32, #tpu.memory_space<vmem>>[vector<16xi32>, vector<16xi32>], vector<16xf32>,
        %scan3A_314 = arith.constant 2 : i32
        %scan3A_315 = arith.addi %scan3A_279, %scan3A_314 : i32
        %mul3A_316 = arith.constant 1 : i32
        %mul3A_317 = arith.muli %scan3A_315, %mul3A_316 : i32
        %add3A_318 = arith.constant 0 : i32
        %add3A_319 = arith.addi %add3A_318, %mul3A_317 : i32
        %broadcast_in_dim3A_320 = vector.broadcast %add3A_319 : i32 to vector<16xi32>
        %get3A_321 = arith.index_cast %add3A_319 : i32 to index
        %get3A_322 = arith.constant 0 : index
        %get3A_323 = tpu.vector_load %arg17[%get3A_321, %get3A_322] {strides = array<i32>} : memref<128x128xf32, #tpu.memory_space<vmem>>, vector<16xf32>,
        tpu.vector_store_idx %arg9[%add3A_5, %broadcast_in_dim3A_320], %get3A_323 : memref<64x133xf32, #tpu.memory_space<vmem>>[vector<16xi32>, vector<16xi32>], vector<16xf32>,
        %get3A_324 = arith.index_cast %add3A_319 : i32 to index
        %get3A_325 = arith.constant 16 : index
        %get3A_326 = tpu.vector_load %arg17[%get3A_324, %get3A_325] {strides = array<i32>} : memref<128x128xf32, #tpu.memory_space<vmem>>, vector<16xf32>,
        tpu.vector_store_idx %arg9[%add3A_8, %broadcast_in_dim3A_320], %get3A_326 : memref<64x133xf32, #tpu.memory_space<vmem>>[vector<16xi32>, vector<16xi32>], vector<16xf32>,
        %get3A_327 = arith.index_cast %add3A_319 : i32 to index
        %get3A_328 = arith.constant 32 : index
        %get3A_329 = tpu.vector_load %arg17[%get3A_327, %get3A_328] {strides = array<i32>} : memref<128x128xf32, #tpu.memory_space<vmem>>, vector<16xf32>,
        tpu.vector_store_idx %arg9[%add3A_11, %broadcast_in_dim3A_320], %get3A_329 : memref<64x133xf32, #tpu.memory_space<vmem>>[vector<16xi32>, vector<16xi32>], vector<16xf32>,
        %get3A_330 = arith.index_cast %add3A_319 : i32 to index
        %get3A_331 = arith.constant 48 : index
        %get3A_332 = tpu.vector_load %arg17[%get3A_330, %get3A_331] {strides = array<i32>} : memref<128x128xf32, #tpu.memory_space<vmem>>, vector<16xf32>,
        tpu.vector_store_idx %arg9[%add3A_14, %broadcast_in_dim3A_320], %get3A_332 : memref<64x133xf32, #tpu.memory_space<vmem>>[vector<16xi32>, vector<16xi32>], vector<16xf32>,
        %scan3A_333 = arith.constant 3 : i32
        %scan3A_334 = arith.addi %scan3A_279, %scan3A_333 : i32
        %mul3A_335 = arith.constant 1 : i32
        %mul3A_336 = arith.muli %scan3A_334, %mul3A_335 : i32
        %add3A_337 = arith.constant 0 : i32
        %add3A_338 = arith.addi %add3A_337, %mul3A_336 : i32
        %broadcast_in_dim3A_339 = vector.broadcast %add3A_338 : i32 to vector<16xi32>
        %get3A_340 = arith.index_cast %add3A_338 : i32 to index
        %get3A_341 = arith.constant 0 : index
        %get3A_342 = tpu.vector_load %arg17[%get3A_340, %get3A_341] {strides = array<i32>} : memref<128x128xf32, #tpu.memory_space<vmem>>, vector<16xf32>,
        tpu.vector_store_idx %arg9[%add3A_5, %broadcast_in_dim3A_339], %get3A_342 : memref<64x133xf32, #tpu.memory_space<vmem>>[vector<16xi32>, vector<16xi32>], vector<16xf32>,
        %get3A_343 = arith.index_cast %add3A_338 : i32 to index
        %get3A_344 = arith.constant 16 : index
        %get3A_345 = tpu.vector_load %arg17[%get3A_343, %get3A_344] {strides = array<i32>} : memref<128x128xf32, #tpu.memory_space<vmem>>, vector<16xf32>,
        tpu.vector_store_idx %arg9[%add3A_8, %broadcast_in_dim3A_339], %get3A_345 : memref<64x133xf32, #tpu.memory_space<vmem>>[vector<16xi32>, vector<16xi32>], vector<16xf32>,
        %get3A_346 = arith.index_cast %add3A_338 : i32 to index
        %get3A_347 = arith.constant 32 : index
        %get3A_348 = tpu.vector_load %arg17[%get3A_346, %get3A_347] {strides = array<i32>} : memref<128x128xf32, #tpu.memory_space<vmem>>, vector<16xf32>,
        tpu.vector_store_idx %arg9[%add3A_11, %broadcast_in_dim3A_339], %get3A_348 : memref<64x133xf32, #tpu.memory_space<vmem>>[vector<16xi32>, vector<16xi32>], vector<16xf32>,
        %get3A_349 = arith.index_cast %add3A_338 : i32 to index
        %get3A_350 = arith.constant 48 : index
        %get3A_351 = tpu.vector_load %arg17[%get3A_349, %get3A_350] {strides = array<i32>} : memref<128x128xf32, #tpu.memory_space<vmem>>, vector<16xf32>,
        tpu.vector_store_idx %arg9[%add3A_14, %broadcast_in_dim3A_339], %get3A_351 : memref<64x133xf32, #tpu.memory_space<vmem>>[vector<16xi32>, vector<16xi32>], vector<16xf32>,
        %scan3A_352 = arith.constant 4 : i32
        %scan3A_353 = arith.addi %scan3A_279, %scan3A_352 : i32
        %mul3A_354 = arith.constant 1 : i32
        %mul3A_355 = arith.muli %scan3A_353, %mul3A_354 : i32
        %add3A_356 = arith.constant 0 : i32
        %add3A_357 = arith.addi %add3A_356, %mul3A_355 : i32
        %broadcast_in_dim3A_358 = vector.broadcast %add3A_357 : i32 to vector<16xi32>
        %get3A_359 = arith.index_cast %add3A_357 : i32 to index
        %get3A_360 = arith.constant 0 : index
        %get3A_361 = tpu.vector_load %arg17[%get3A_359, %get3A_360] {strides = array<i32>} : memref<128x128xf32, #tpu.memory_space<vmem>>, vector<16xf32>,
        tpu.vector_store_idx %arg9[%add3A_5, %broadcast_in_dim3A_358], %get3A_361 : memref<64x133xf32, #tpu.memory_space<vmem>>[vector<16xi32>, vector<16xi32>], vector<16xf32>,
        %get3A_362 = arith.index_cast %add3A_357 : i32 to index
        %get3A_363 = arith.constant 16 : index
        %get3A_364 = tpu.vector_load %arg17[%get3A_362, %get3A_363] {strides = array<i32>} : memref<128x128xf32, #tpu.memory_space<vmem>>, vector<16xf32>,
        tpu.vector_store_idx %arg9[%add3A_8, %broadcast_in_dim3A_358], %get3A_364 : memref<64x133xf32, #tpu.memory_space<vmem>>[vector<16xi32>, vector<16xi32>], vector<16xf32>,
        %get3A_365 = arith.index_cast %add3A_357 : i32 to index
        %get3A_366 = arith.constant 32 : index
        %get3A_367 = tpu.vector_load %arg17[%get3A_365, %get3A_366] {strides = array<i32>} : memref<128x128xf32, #tpu.memory_space<vmem>>, vector<16xf32>,
        tpu.vector_store_idx %arg9[%add3A_11, %broadcast_in_dim3A_358], %get3A_367 : memref<64x133xf32, #tpu.memory_space<vmem>>[vector<16xi32>, vector<16xi32>], vector<16xf32>,
        %get3A_368 = arith.index_cast %add3A_357 : i32 to index
        %get3A_369 = arith.constant 48 : index
        %get3A_370 = tpu.vector_load %arg17[%get3A_368, %get3A_369] {strides = array<i32>} : memref<128x128xf32, #tpu.memory_space<vmem>>, vector<16xf32>,
        tpu.vector_store_idx %arg9[%add3A_14, %broadcast_in_dim3A_358], %get3A_370 : memref<64x133xf32, #tpu.memory_space<vmem>>[vector<16xi32>, vector<16xi32>], vector<16xf32>,
        %scan3A_371 = arith.constant 5 : i32
        %scan3A_372 = arith.addi %scan3A_279, %scan3A_371 : i32
        %mul3A_373 = arith.constant 1 : i32
        %mul3A_374 = arith.muli %scan3A_372, %mul3A_373 : i32
        %add3A_375 = arith.constant 0 : i32
        %add3A_376 = arith.addi %add3A_375, %mul3A_374 : i32
        %broadcast_in_dim3A_377 = vector.broadcast %add3A_376 : i32 to vector<16xi32>
        %get3A_378 = arith.index_cast %add3A_376 : i32 to index
        %get3A_379 = arith.constant 0 : index
        %get3A_380 = tpu.vector_load %arg17[%get3A_378, %get3A_379] {strides = array<i32>} : memref<128x128xf32, #tpu.memory_space<vmem>>, vector<16xf32>,
        tpu.vector_store_idx %arg9[%add3A_5, %broadcast_in_dim3A_377], %get3A_380 : memref<64x133xf32, #tpu.memory_space<vmem>>[vector<16xi32>, vector<16xi32>], vector<16xf32>,
        %get3A_381 = arith.index_cast %add3A_376 : i32 to index
        %get3A_382 = arith.constant 16 : index
        %get3A_383 = tpu.vector_load %arg17[%get3A_381, %get3A_382] {strides = array<i32>} : memref<128x128xf32, #tpu.memory_space<vmem>>, vector<16xf32>,
        tpu.vector_store_idx %arg9[%add3A_8, %broadcast_in_dim3A_377], %get3A_383 : memref<64x133xf32, #tpu.memory_space<vmem>>[vector<16xi32>, vector<16xi32>], vector<16xf32>,
        %get3A_384 = arith.index_cast %add3A_376 : i32 to index
        %get3A_385 = arith.constant 32 : index
        %get3A_386 = tpu.vector_load %arg17[%get3A_384, %get3A_385] {strides = array<i32>} : memref<128x128xf32, #tpu.memory_space<vmem>>, vector<16xf32>,
        tpu.vector_store_idx %arg9[%add3A_11, %broadcast_in_dim3A_377], %get3A_386 : memref<64x133xf32, #tpu.memory_space<vmem>>[vector<16xi32>, vector<16xi32>], vector<16xf32>,
        %get3A_387 = arith.index_cast %add3A_376 : i32 to index
        %get3A_388 = arith.constant 48 : index
        %get3A_389 = tpu.vector_load %arg17[%get3A_387, %get3A_388] {strides = array<i32>} : memref<128x128xf32, #tpu.memory_space<vmem>>, vector<16xf32>,
        tpu.vector_store_idx %arg9[%add3A_14, %broadcast_in_dim3A_377], %get3A_389 : memref<64x133xf32, #tpu.memory_space<vmem>>[vector<16xi32>, vector<16xi32>], vector<16xf32>,
        %scan3A_390 = arith.constant 6 : i32
        %scan3A_391 = arith.addi %scan3A_279, %scan3A_390 : i32
        %mul3A_392 = arith.constant 1 : i32
        %mul3A_393 = arith.muli %scan3A_391, %mul3A_392 : i32
        %add3A_394 = arith.constant 0 : i32
        %add3A_395 = arith.addi %add3A_394, %mul3A_393 : i32
        %broadcast_in_dim3A_396 = vector.broadcast %add3A_395 : i32 to vector<16xi32>
        %get3A_397 = arith.index_cast %add3A_395 : i32 to index
        %get3A_398 = arith.constant 0 : index
        %get3A_399 = tpu.vector_load %arg17[%get3A_397, %get3A_398] {strides = array<i32>} : memref<128x128xf32, #tpu.memory_space<vmem>>, vector<16xf32>,
        tpu.vector_store_idx %arg9[%add3A_5, %broadcast_in_dim3A_396], %get3A_399 : memref<64x133xf32, #tpu.memory_space<vmem>>[vector<16xi32>, vector<16xi32>], vector<16xf32>,
        %get3A_400 = arith.index_cast %add3A_395 : i32 to index
        %get3A_401 = arith.constant 16 : index
        %get3A_402 = tpu.vector_load %arg17[%get3A_400, %get3A_401] {strides = array<i32>} : memref<128x128xf32, #tpu.memory_space<vmem>>, vector<16xf32>,
        tpu.vector_store_idx %arg9[%add3A_8, %broadcast_in_dim3A_396], %get3A_402 : memref<64x133xf32, #tpu.memory_space<vmem>>[vector<16xi32>, vector<16xi32>], vector<16xf32>,
        %get3A_403 = arith.index_cast %add3A_395 : i32 to index
        %get3A_404 = arith.constant 32 : index
        %get3A_405 = tpu.vector_load %arg17[%get3A_403, %get3A_404] {strides = array<i32>} : memref<128x128xf32, #tpu.memory_space<vmem>>, vector<16xf32>,
        tpu.vector_store_idx %arg9[%add3A_11, %broadcast_in_dim3A_396], %get3A_405 : memref<64x133xf32, #tpu.memory_space<vmem>>[vector<16xi32>, vector<16xi32>], vector<16xf32>,
        %get3A_406 = arith.index_cast %add3A_395 : i32 to index
        %get3A_407 = arith.constant 48 : index
        %get3A_408 = tpu.vector_load %arg17[%get3A_406, %get3A_407] {strides = array<i32>} : memref<128x128xf32, #tpu.memory_space<vmem>>, vector<16xf32>,
        tpu.vector_store_idx %arg9[%add3A_14, %broadcast_in_dim3A_396], %get3A_408 : memref<64x133xf32, #tpu.memory_space<vmem>>[vector<16xi32>, vector<16xi32>], vector<16xf32>,
        %scan3A_409 = arith.constant 7 : i32
        %scan3A_410 = arith.addi %scan3A_279, %scan3A_409 : i32
        %mul3A_411 = arith.constant 1 : i32
        %mul3A_412 = arith.muli %scan3A_410, %mul3A_411 : i32
        %add3A_413 = arith.constant 0 : i32
        %add3A_414 = arith.addi %add3A_413, %mul3A_412 : i32
        %broadcast_in_dim3A_415 = vector.broadcast %add3A_414 : i32 to vector<16xi32>
        %get3A_416 = arith.index_cast %add3A_414 : i32 to index
        %get3A_417 = arith.constant 0 : index
        %get3A_418 = tpu.vector_load %arg17[%get3A_416, %get3A_417] {strides = array<i32>} : memref<128x128xf32, #tpu.memory_space<vmem>>, vector<16xf32>,
        tpu.vector_store_idx %arg9[%add3A_5, %broadcast_in_dim3A_415], %get3A_418 : memref<64x133xf32, #tpu.memory_space<vmem>>[vector<16xi32>, vector<16xi32>], vector<16xf32>,
        %get3A_419 = arith.index_cast %add3A_414 : i32 to index
        %get3A_420 = arith.constant 16 : index
        %get3A_421 = tpu.vector_load %arg17[%get3A_419, %get3A_420] {strides = array<i32>} : memref<128x128xf32, #tpu.memory_space<vmem>>, vector<16xf32>,
        tpu.vector_store_idx %arg9[%add3A_8, %broadcast_in_dim3A_415], %get3A_421 : memref<64x133xf32, #tpu.memory_space<vmem>>[vector<16xi32>, vector<16xi32>], vector<16xf32>,
        %get3A_422 = arith.index_cast %add3A_414 : i32 to index
        %get3A_423 = arith.constant 32 : index
        %get3A_424 = tpu.vector_load %arg17[%get3A_422, %get3A_423] {strides = array<i32>} : memref<128x128xf32, #tpu.memory_space<vmem>>, vector<16xf32>,
        tpu.vector_store_idx %arg9[%add3A_11, %broadcast_in_dim3A_415], %get3A_424 : memref<64x133xf32, #tpu.memory_space<vmem>>[vector<16xi32>, vector<16xi32>], vector<16xf32>,
        %get3A_425 = arith.index_cast %add3A_414 : i32 to index
        %get3A_426 = arith.constant 48 : index
        %get3A_427 = tpu.vector_load %arg17[%get3A_425, %get3A_426] {strides = array<i32>} : memref<128x128xf32, #tpu.memory_space<vmem>>, vector<16xf32>,
        tpu.vector_store_idx %arg9[%add3A_14, %broadcast_in_dim3A_415], %get3A_427 : memref<64x133xf32, #tpu.memory_space<vmem>>[vector<16xi32>, vector<16xi32>], vector<16xf32>,
      }
      %scan3A_208 = arith.constant 128 : i32
      %shift_right_arithmetic3A_209 = arith.constant 2 : i32
      %shift_right_arithmetic3A_210 = arith.shrsi %add3A_192, %shift_right_arithmetic3A_209 : i32
      %and3A_211 = arith.constant 3 : i32
      %and3A_212 = arith.andi %add3A_192, %and3A_211 : i32
      %mul3A_213 = arith.constant 128 : i32
      %mul3A_214 = arith.muli %and3A_212, %mul3A_213 : i32
      %add3A_215 = arith.addi %mul3A_2, %mul3A_214 : i32
      %dma_start3A_216 = arith.constant 0 : i32
      %dma_start3A_217 = arith.constant 0 : i32
      %dma_start3A_218 = tpu.memref_slice %arg9[%dma_start3A_216, %dma_start3A_217] : memref<64x133xf32, #tpu.memory_space<vmem>> -> memref<64x128xf32, #tpu.memory_space<vmem>>
      %dma_start3A_219 = arith.constant 0 : i32
      %dma_start3A_220 = tpu.memref_slice %arg4[%shift_right_arithmetic3A_210, %dma_start3A_219, %add3A_215] : memref<26x64x16384xf32, #tpu.memory_space<hbm>> -> memref<1x64x128xf32, #tpu.memory_space<hbm>>
      %dma_start3A_221 = tpu.memref_squeeze %dma_start3A_220 : memref<1x64x128xf32, #tpu.memory_space<hbm>> -> memref<64x128xf32, #tpu.memory_space<hbm>>
      %dma_start3A_222 = arith.constant 0 : i32
      %dma_start3A_223 = tpu.memref_slice %arg4[%shift_right_arithmetic3A_210, %dma_start3A_222, %add3A_215] : memref<26x64x16384xf32, #tpu.memory_space<hbm>> -> memref<1x64x128xf32, #tpu.memory_space<hbm>>
      %dma_start3A_224 = tpu.memref_squeeze %dma_start3A_223 : memref<1x64x128xf32, #tpu.memory_space<hbm>> -> memref<64x128xf32, #tpu.memory_space<hbm>>
      %dma_start3A_225 = arith.constant 0 : i32
      %dma_start3A_226 = arith.constant 0 : i32
      %dma_start3A_227 = tpu.memref_slice %arg9[%dma_start3A_225, %dma_start3A_226] : memref<64x133xf32, #tpu.memory_space<vmem>> -> memref<64x128xf32, #tpu.memory_space<vmem>>
      tpu.enqueue_dma source(%dma_start3A_227 : memref<64x128xf32, #tpu.memory_space<vmem>>) target(%dma_start3A_224 : memref<64x128xf32, #tpu.memory_space<hbm>>) target_semaphore(%arg13 : memref<!tpu.dma_semaphore, #tpu.memory_space<semaphore_mem>>)
      %add3A_228 = arith.constant 4 : i32
      %add3A_229 = arith.addi %add3A_192, %add3A_228 : i32
      %lt3A_230 = arith.constant 104 : i32
      %lt3A_231 = arith.cmpi slt, %add3A_229, %lt3A_230 : i32
      %convert_element_type3A_232 = arith.extui %lt3A_231 : i1 to i32
      %cond3A_233 = arith.constant 0 : i32
      %cond3A_234 = arith.cmpi ne, %convert_element_type3A_232, %cond3A_233 : i32
      scf.if %cond3A_234 {
        %add3A_279 = arith.constant 4 : i32
        %add3A_280 = arith.addi %add3A_192, %add3A_279 : i32
        %shift_right_arithmetic3A_281 = arith.constant 2 : i32
        %shift_right_arithmetic3A_282 = arith.shrsi %add3A_280, %shift_right_arithmetic3A_281 : i32
        %and3A_283 = arith.constant 3 : i32
        %and3A_284 = arith.andi %add3A_280, %and3A_283 : i32
        %dma_start3A_285 = arith.constant 0 : i32
        %dma_start3A_286 = tpu.memref_slice %arg6[%shift_right_arithmetic3A_282, %and3A_284, %dma_start3A_285] : memref<26x4x128xi32, #tpu.memory_space<vmem>> -> memref<1x1x128xi32, #tpu.memory_space<vmem>>
        %dma_start3A_287 = tpu.memref_squeeze %dma_start3A_286 : memref<1x1x128xi32, #tpu.memory_space<vmem>> -> memref<128xi32, #tpu.memory_space<vmem>>
        %dma_start3A_288 = arith.constant 0 : i32
        %dma_start3A_289 = arith.constant 0 : i32
        %dma_start3A_290 = tpu.memref_slice %arg3[%dma_start3A_288, %dma_start3A_289] : memref<1000000x128xf32, #tpu.memory_space<hbm>> -> memref<1000000x128xf32, #tpu.memory_space<hbm>>
        tpu.enqueue_indirect_dma source(%dma_start3A_290 : memref<1000000x128xf32, #tpu.memory_space<hbm>>) target(%arg17 : memref<128x128xf32, #tpu.memory_space<vmem>>) offsets(%dma_start3A_287 : memref<128xi32, #tpu.memory_space<vmem>>) semaphore(%arg21 : memref<!tpu.dma_semaphore, #tpu.memory_space<semaphore_mem>>)
      } else {
      }
      %add3A_235 = arith.constant 3 : i32
      %add3A_236 = arith.addi %add3A_108, %add3A_235 : i32
      %dma_wait3A_237 = arith.constant 0 : i32
      %dma_wait3A_238 = arith.constant 0 : i32
      %dma_wait3A_239 = tpu.memref_slice %arg3[%dma_wait3A_237, %dma_wait3A_238] : memref<1000000x128xf32, #tpu.memory_space<hbm>> -> memref<128x128xf32, #tpu.memory_space<hbm>>
      %dma_wait3A_240 = arith.constant 0 : i32
      %dma_wait3A_241 = arith.constant 0 : i32
      %dma_wait3A_242 = tpu.memref_slice %arg3[%dma_wait3A_240, %dma_wait3A_241] : memref<1000000x128xf32, #tpu.memory_space<hbm>> -> memref<128x128xf32, #tpu.memory_space<hbm>>
      tpu.wait_dma2 semaphore(%arg22 : memref<!tpu.dma_semaphore, #tpu.memory_space<semaphore_mem>>) src(%dma_wait3A_242 : memref<128x128xf32, #tpu.memory_space<hbm>>) dst(%arg18 : memref<128x128xf32, #tpu.memory_space<vmem>>)
      %ge3A_243 = arith.constant 4 : i32
      %ge3A_244 = arith.cmpi sge, %add3A_236, %ge3A_243 : i32
      %convert_element_type3A_245 = arith.extui %ge3A_244 : i1 to i32
      %cond3A_246 = arith.constant 0 : i32
      %cond3A_247 = arith.cmpi ne, %convert_element_type3A_245, %cond3A_246 : i32
      scf.if %cond3A_247 {
        %dma_wait3A_279 = arith.constant 0 : i32
        %dma_wait3A_280 = arith.constant 0 : i32
        %dma_wait3A_281 = tpu.memref_slice %arg10[%dma_wait3A_279, %dma_wait3A_280] : memref<64x133xf32, #tpu.memory_space<vmem>> -> memref<64x128xf32, #tpu.memory_space<vmem>>
        %dma_wait3A_282 = arith.constant 0 : i32
        %dma_wait3A_283 = arith.constant 0 : i32
        %dma_wait3A_284 = tpu.memref_slice %arg3[%dma_wait3A_282, %dma_wait3A_283] : memref<1000000x128xf32, #tpu.memory_space<hbm>> -> memref<64x128xf32, #tpu.memory_space<hbm>>
        %dma_wait3A_285 = arith.constant 0 : i32
        %dma_wait3A_286 = arith.constant 0 : i32
        %dma_wait3A_287 = tpu.memref_slice %arg10[%dma_wait3A_285, %dma_wait3A_286] : memref<64x133xf32, #tpu.memory_space<vmem>> -> memref<64x128xf32, #tpu.memory_space<vmem>>
        %dma_wait3A_288 = arith.constant 0 : i32
        %dma_wait3A_289 = arith.constant 0 : i32
        %dma_wait3A_290 = tpu.memref_slice %arg3[%dma_wait3A_288, %dma_wait3A_289] : memref<1000000x128xf32, #tpu.memory_space<hbm>> -> memref<64x128xf32, #tpu.memory_space<hbm>>
        tpu.wait_dma2 semaphore(%arg14 : memref<!tpu.dma_semaphore, #tpu.memory_space<semaphore_mem>>) src(%dma_wait3A_290 : memref<64x128xf32, #tpu.memory_space<hbm>>) dst(%dma_wait3A_287 : memref<64x128xf32, #tpu.memory_space<vmem>>)
      } else {
      }
      %scan3A_248 = arith.constant 0 : i32
      %scan3A_249 = arith.constant 128 : i32
      %scan3A_250 = arith.addi %scan3A_248, %scan3A_249 : i32
      %scan3A_251 = arith.constant 8 : i32
      scf.for %scan3A_279 = %scan3A_248 to %scan3A_250 step %scan3A_251  : i32 {
        %mul3A_280 = arith.constant 1 : i32
        %mul3A_281 = arith.muli %scan3A_279, %mul3A_280 : i32
        %add3A_282 = arith.constant 0 : i32
        %add3A_283 = arith.addi %add3A_282, %mul3A_281 : i32
        %broadcast_in_dim3A = vector.broadcast %add3A_283 : i32 to vector<16xi32>
        %get3A = arith.index_cast %add3A_283 : i32 to index
        %get3A_284 = arith.constant 0 : index
        %get3A_285 = tpu.vector_load %arg18[%get3A, %get3A_284] {strides = array<i32>} : memref<128x128xf32, #tpu.memory_space<vmem>>, vector<16xf32>,
        tpu.vector_store_idx %arg10[%add3A_5, %broadcast_in_dim3A], %get3A_285 : memref<64x133xf32, #tpu.memory_space<vmem>>[vector<16xi32>, vector<16xi32>], vector<16xf32>,
        %get3A_286 = arith.index_cast %add3A_283 : i32 to index
        %get3A_287 = arith.constant 16 : index
        %get3A_288 = tpu.vector_load %arg18[%get3A_286, %get3A_287] {strides = array<i32>} : memref<128x128xf32, #tpu.memory_space<vmem>>, vector<16xf32>,
        tpu.vector_store_idx %arg10[%add3A_8, %broadcast_in_dim3A], %get3A_288 : memref<64x133xf32, #tpu.memory_space<vmem>>[vector<16xi32>, vector<16xi32>], vector<16xf32>,
        %get3A_289 = arith.index_cast %add3A_283 : i32 to index
        %get3A_290 = arith.constant 32 : index
        %get3A_291 = tpu.vector_load %arg18[%get3A_289, %get3A_290] {strides = array<i32>} : memref<128x128xf32, #tpu.memory_space<vmem>>, vector<16xf32>,
        tpu.vector_store_idx %arg10[%add3A_11, %broadcast_in_dim3A], %get3A_291 : memref<64x133xf32, #tpu.memory_space<vmem>>[vector<16xi32>, vector<16xi32>], vector<16xf32>,
        %get3A_292 = arith.index_cast %add3A_283 : i32 to index
        %get3A_293 = arith.constant 48 : index
        %get3A_294 = tpu.vector_load %arg18[%get3A_292, %get3A_293] {strides = array<i32>} : memref<128x128xf32, #tpu.memory_space<vmem>>, vector<16xf32>,
        tpu.vector_store_idx %arg10[%add3A_14, %broadcast_in_dim3A], %get3A_294 : memref<64x133xf32, #tpu.memory_space<vmem>>[vector<16xi32>, vector<16xi32>], vector<16xf32>,
        %scan3A_295 = arith.constant 1 : i32
        %scan3A_296 = arith.addi %scan3A_279, %scan3A_295 : i32
        %mul3A_297 = arith.constant 1 : i32
        %mul3A_298 = arith.muli %scan3A_296, %mul3A_297 : i32
        %add3A_299 = arith.constant 0 : i32
        %add3A_300 = arith.addi %add3A_299, %mul3A_298 : i32
        %broadcast_in_dim3A_301 = vector.broadcast %add3A_300 : i32 to vector<16xi32>
        %get3A_302 = arith.index_cast %add3A_300 : i32 to index
        %get3A_303 = arith.constant 0 : index
        %get3A_304 = tpu.vector_load %arg18[%get3A_302, %get3A_303] {strides = array<i32>} : memref<128x128xf32, #tpu.memory_space<vmem>>, vector<16xf32>,
        tpu.vector_store_idx %arg10[%add3A_5, %broadcast_in_dim3A_301], %get3A_304 : memref<64x133xf32, #tpu.memory_space<vmem>>[vector<16xi32>, vector<16xi32>], vector<16xf32>,
        %get3A_305 = arith.index_cast %add3A_300 : i32 to index
        %get3A_306 = arith.constant 16 : index
        %get3A_307 = tpu.vector_load %arg18[%get3A_305, %get3A_306] {strides = array<i32>} : memref<128x128xf32, #tpu.memory_space<vmem>>, vector<16xf32>,
        tpu.vector_store_idx %arg10[%add3A_8, %broadcast_in_dim3A_301], %get3A_307 : memref<64x133xf32, #tpu.memory_space<vmem>>[vector<16xi32>, vector<16xi32>], vector<16xf32>,
        %get3A_308 = arith.index_cast %add3A_300 : i32 to index
        %get3A_309 = arith.constant 32 : index
        %get3A_310 = tpu.vector_load %arg18[%get3A_308, %get3A_309] {strides = array<i32>} : memref<128x128xf32, #tpu.memory_space<vmem>>, vector<16xf32>,
        tpu.vector_store_idx %arg10[%add3A_11, %broadcast_in_dim3A_301], %get3A_310 : memref<64x133xf32, #tpu.memory_space<vmem>>[vector<16xi32>, vector<16xi32>], vector<16xf32>,
        %get3A_311 = arith.index_cast %add3A_300 : i32 to index
        %get3A_312 = arith.constant 48 : index
        %get3A_313 = tpu.vector_load %arg18[%get3A_311, %get3A_312] {strides = array<i32>} : memref<128x128xf32, #tpu.memory_space<vmem>>, vector<16xf32>,
        tpu.vector_store_idx %arg10[%add3A_14, %broadcast_in_dim3A_301], %get3A_313 : memref<64x133xf32, #tpu.memory_space<vmem>>[vector<16xi32>, vector<16xi32>], vector<16xf32>,
        %scan3A_314 = arith.constant 2 : i32
        %scan3A_315 = arith.addi %scan3A_279, %scan3A_314 : i32
        %mul3A_316 = arith.constant 1 : i32
        %mul3A_317 = arith.muli %scan3A_315, %mul3A_316 : i32
        %add3A_318 = arith.constant 0 : i32
        %add3A_319 = arith.addi %add3A_318, %mul3A_317 : i32
        %broadcast_in_dim3A_320 = vector.broadcast %add3A_319 : i32 to vector<16xi32>
        %get3A_321 = arith.index_cast %add3A_319 : i32 to index
        %get3A_322 = arith.constant 0 : index
        %get3A_323 = tpu.vector_load %arg18[%get3A_321, %get3A_322] {strides = array<i32>} : memref<128x128xf32, #tpu.memory_space<vmem>>, vector<16xf32>,
        tpu.vector_store_idx %arg10[%add3A_5, %broadcast_in_dim3A_320], %get3A_323 : memref<64x133xf32, #tpu.memory_space<vmem>>[vector<16xi32>, vector<16xi32>], vector<16xf32>,
        %get3A_324 = arith.index_cast %add3A_319 : i32 to index
        %get3A_325 = arith.constant 16 : index
        %get3A_326 = tpu.vector_load %arg18[%get3A_324, %get3A_325] {strides = array<i32>} : memref<128x128xf32, #tpu.memory_space<vmem>>, vector<16xf32>,
        tpu.vector_store_idx %arg10[%add3A_8, %broadcast_in_dim3A_320], %get3A_326 : memref<64x133xf32, #tpu.memory_space<vmem>>[vector<16xi32>, vector<16xi32>], vector<16xf32>,
        %get3A_327 = arith.index_cast %add3A_319 : i32 to index
        %get3A_328 = arith.constant 32 : index
        %get3A_329 = tpu.vector_load %arg18[%get3A_327, %get3A_328] {strides = array<i32>} : memref<128x128xf32, #tpu.memory_space<vmem>>, vector<16xf32>,
        tpu.vector_store_idx %arg10[%add3A_11, %broadcast_in_dim3A_320], %get3A_329 : memref<64x133xf32, #tpu.memory_space<vmem>>[vector<16xi32>, vector<16xi32>], vector<16xf32>,
        %get3A_330 = arith.index_cast %add3A_319 : i32 to index
        %get3A_331 = arith.constant 48 : index
        %get3A_332 = tpu.vector_load %arg18[%get3A_330, %get3A_331] {strides = array<i32>} : memref<128x128xf32, #tpu.memory_space<vmem>>, vector<16xf32>,
        tpu.vector_store_idx %arg10[%add3A_14, %broadcast_in_dim3A_320], %get3A_332 : memref<64x133xf32, #tpu.memory_space<vmem>>[vector<16xi32>, vector<16xi32>], vector<16xf32>,
        %scan3A_333 = arith.constant 3 : i32
        %scan3A_334 = arith.addi %scan3A_279, %scan3A_333 : i32
        %mul3A_335 = arith.constant 1 : i32
        %mul3A_336 = arith.muli %scan3A_334, %mul3A_335 : i32
        %add3A_337 = arith.constant 0 : i32
        %add3A_338 = arith.addi %add3A_337, %mul3A_336 : i32
        %broadcast_in_dim3A_339 = vector.broadcast %add3A_338 : i32 to vector<16xi32>
        %get3A_340 = arith.index_cast %add3A_338 : i32 to index
        %get3A_341 = arith.constant 0 : index
        %get3A_342 = tpu.vector_load %arg18[%get3A_340, %get3A_341] {strides = array<i32>} : memref<128x128xf32, #tpu.memory_space<vmem>>, vector<16xf32>,
        tpu.vector_store_idx %arg10[%add3A_5, %broadcast_in_dim3A_339], %get3A_342 : memref<64x133xf32, #tpu.memory_space<vmem>>[vector<16xi32>, vector<16xi32>], vector<16xf32>,
        %get3A_343 = arith.index_cast %add3A_338 : i32 to index
        %get3A_344 = arith.constant 16 : index
        %get3A_345 = tpu.vector_load %arg18[%get3A_343, %get3A_344] {strides = array<i32>} : memref<128x128xf32, #tpu.memory_space<vmem>>, vector<16xf32>,
        tpu.vector_store_idx %arg10[%add3A_8, %broadcast_in_dim3A_339], %get3A_345 : memref<64x133xf32, #tpu.memory_space<vmem>>[vector<16xi32>, vector<16xi32>], vector<16xf32>,
        %get3A_346 = arith.index_cast %add3A_338 : i32 to index
        %get3A_347 = arith.constant 32 : index
        %get3A_348 = tpu.vector_load %arg18[%get3A_346, %get3A_347] {strides = array<i32>} : memref<128x128xf32, #tpu.memory_space<vmem>>, vector<16xf32>,
        tpu.vector_store_idx %arg10[%add3A_11, %broadcast_in_dim3A_339], %get3A_348 : memref<64x133xf32, #tpu.memory_space<vmem>>[vector<16xi32>, vector<16xi32>], vector<16xf32>,
        %get3A_349 = arith.index_cast %add3A_338 : i32 to index
        %get3A_350 = arith.constant 48 : index
        %get3A_351 = tpu.vector_load %arg18[%get3A_349, %get3A_350] {strides = array<i32>} : memref<128x128xf32, #tpu.memory_space<vmem>>, vector<16xf32>,
        tpu.vector_store_idx %arg10[%add3A_14, %broadcast_in_dim3A_339], %get3A_351 : memref<64x133xf32, #tpu.memory_space<vmem>>[vector<16xi32>, vector<16xi32>], vector<16xf32>,
        %scan3A_352 = arith.constant 4 : i32
        %scan3A_353 = arith.addi %scan3A_279, %scan3A_352 : i32
        %mul3A_354 = arith.constant 1 : i32
        %mul3A_355 = arith.muli %scan3A_353, %mul3A_354 : i32
        %add3A_356 = arith.constant 0 : i32
        %add3A_357 = arith.addi %add3A_356, %mul3A_355 : i32
        %broadcast_in_dim3A_358 = vector.broadcast %add3A_357 : i32 to vector<16xi32>
        %get3A_359 = arith.index_cast %add3A_357 : i32 to index
        %get3A_360 = arith.constant 0 : index
        %get3A_361 = tpu.vector_load %arg18[%get3A_359, %get3A_360] {strides = array<i32>} : memref<128x128xf32, #tpu.memory_space<vmem>>, vector<16xf32>,
        tpu.vector_store_idx %arg10[%add3A_5, %broadcast_in_dim3A_358], %get3A_361 : memref<64x133xf32, #tpu.memory_space<vmem>>[vector<16xi32>, vector<16xi32>], vector<16xf32>,
        %get3A_362 = arith.index_cast %add3A_357 : i32 to index
        %get3A_363 = arith.constant 16 : index
        %get3A_364 = tpu.vector_load %arg18[%get3A_362, %get3A_363] {strides = array<i32>} : memref<128x128xf32, #tpu.memory_space<vmem>>, vector<16xf32>,
        tpu.vector_store_idx %arg10[%add3A_8, %broadcast_in_dim3A_358], %get3A_364 : memref<64x133xf32, #tpu.memory_space<vmem>>[vector<16xi32>, vector<16xi32>], vector<16xf32>,
        %get3A_365 = arith.index_cast %add3A_357 : i32 to index
        %get3A_366 = arith.constant 32 : index
        %get3A_367 = tpu.vector_load %arg18[%get3A_365, %get3A_366] {strides = array<i32>} : memref<128x128xf32, #tpu.memory_space<vmem>>, vector<16xf32>,
        tpu.vector_store_idx %arg10[%add3A_11, %broadcast_in_dim3A_358], %get3A_367 : memref<64x133xf32, #tpu.memory_space<vmem>>[vector<16xi32>, vector<16xi32>], vector<16xf32>,
        %get3A_368 = arith.index_cast %add3A_357 : i32 to index
        %get3A_369 = arith.constant 48 : index
        %get3A_370 = tpu.vector_load %arg18[%get3A_368, %get3A_369] {strides = array<i32>} : memref<128x128xf32, #tpu.memory_space<vmem>>, vector<16xf32>,
        tpu.vector_store_idx %arg10[%add3A_14, %broadcast_in_dim3A_358], %get3A_370 : memref<64x133xf32, #tpu.memory_space<vmem>>[vector<16xi32>, vector<16xi32>], vector<16xf32>,
        %scan3A_371 = arith.constant 5 : i32
        %scan3A_372 = arith.addi %scan3A_279, %scan3A_371 : i32
        %mul3A_373 = arith.constant 1 : i32
        %mul3A_374 = arith.muli %scan3A_372, %mul3A_373 : i32
        %add3A_375 = arith.constant 0 : i32
        %add3A_376 = arith.addi %add3A_375, %mul3A_374 : i32
        %broadcast_in_dim3A_377 = vector.broadcast %add3A_376 : i32 to vector<16xi32>
        %get3A_378 = arith.index_cast %add3A_376 : i32 to index
        %get3A_379 = arith.constant 0 : index
        %get3A_380 = tpu.vector_load %arg18[%get3A_378, %get3A_379] {strides = array<i32>} : memref<128x128xf32, #tpu.memory_space<vmem>>, vector<16xf32>,
        tpu.vector_store_idx %arg10[%add3A_5, %broadcast_in_dim3A_377], %get3A_380 : memref<64x133xf32, #tpu.memory_space<vmem>>[vector<16xi32>, vector<16xi32>], vector<16xf32>,
        %get3A_381 = arith.index_cast %add3A_376 : i32 to index
        %get3A_382 = arith.constant 16 : index
        %get3A_383 = tpu.vector_load %arg18[%get3A_381, %get3A_382] {strides = array<i32>} : memref<128x128xf32, #tpu.memory_space<vmem>>, vector<16xf32>,
        tpu.vector_store_idx %arg10[%add3A_8, %broadcast_in_dim3A_377], %get3A_383 : memref<64x133xf32, #tpu.memory_space<vmem>>[vector<16xi32>, vector<16xi32>], vector<16xf32>,
        %get3A_384 = arith.index_cast %add3A_376 : i32 to index
        %get3A_385 = arith.constant 32 : index
        %get3A_386 = tpu.vector_load %arg18[%get3A_384, %get3A_385] {strides = array<i32>} : memref<128x128xf32, #tpu.memory_space<vmem>>, vector<16xf32>,
        tpu.vector_store_idx %arg10[%add3A_11, %broadcast_in_dim3A_377], %get3A_386 : memref<64x133xf32, #tpu.memory_space<vmem>>[vector<16xi32>, vector<16xi32>], vector<16xf32>,
        %get3A_387 = arith.index_cast %add3A_376 : i32 to index
        %get3A_388 = arith.constant 48 : index
        %get3A_389 = tpu.vector_load %arg18[%get3A_387, %get3A_388] {strides = array<i32>} : memref<128x128xf32, #tpu.memory_space<vmem>>, vector<16xf32>,
        tpu.vector_store_idx %arg10[%add3A_14, %broadcast_in_dim3A_377], %get3A_389 : memref<64x133xf32, #tpu.memory_space<vmem>>[vector<16xi32>, vector<16xi32>], vector<16xf32>,
        %scan3A_390 = arith.constant 6 : i32
        %scan3A_391 = arith.addi %scan3A_279, %scan3A_390 : i32
        %mul3A_392 = arith.constant 1 : i32
        %mul3A_393 = arith.muli %scan3A_391, %mul3A_392 : i32
        %add3A_394 = arith.constant 0 : i32
        %add3A_395 = arith.addi %add3A_394, %mul3A_393 : i32
        %broadcast_in_dim3A_396 = vector.broadcast %add3A_395 : i32 to vector<16xi32>
        %get3A_397 = arith.index_cast %add3A_395 : i32 to index
        %get3A_398 = arith.constant 0 : index
        %get3A_399 = tpu.vector_load %arg18[%get3A_397, %get3A_398] {strides = array<i32>} : memref<128x128xf32, #tpu.memory_space<vmem>>, vector<16xf32>,
        tpu.vector_store_idx %arg10[%add3A_5, %broadcast_in_dim3A_396], %get3A_399 : memref<64x133xf32, #tpu.memory_space<vmem>>[vector<16xi32>, vector<16xi32>], vector<16xf32>,
        %get3A_400 = arith.index_cast %add3A_395 : i32 to index
        %get3A_401 = arith.constant 16 : index
        %get3A_402 = tpu.vector_load %arg18[%get3A_400, %get3A_401] {strides = array<i32>} : memref<128x128xf32, #tpu.memory_space<vmem>>, vector<16xf32>,
        tpu.vector_store_idx %arg10[%add3A_8, %broadcast_in_dim3A_396], %get3A_402 : memref<64x133xf32, #tpu.memory_space<vmem>>[vector<16xi32>, vector<16xi32>], vector<16xf32>,
        %get3A_403 = arith.index_cast %add3A_395 : i32 to index
        %get3A_404 = arith.constant 32 : index
        %get3A_405 = tpu.vector_load %arg18[%get3A_403, %get3A_404] {strides = array<i32>} : memref<128x128xf32, #tpu.memory_space<vmem>>, vector<16xf32>,
        tpu.vector_store_idx %arg10[%add3A_11, %broadcast_in_dim3A_396], %get3A_405 : memref<64x133xf32, #tpu.memory_space<vmem>>[vector<16xi32>, vector<16xi32>], vector<16xf32>,
        %get3A_406 = arith.index_cast %add3A_395 : i32 to index
        %get3A_407 = arith.constant 48 : index
        %get3A_408 = tpu.vector_load %arg18[%get3A_406, %get3A_407] {strides = array<i32>} : memref<128x128xf32, #tpu.memory_space<vmem>>, vector<16xf32>,
        tpu.vector_store_idx %arg10[%add3A_14, %broadcast_in_dim3A_396], %get3A_408 : memref<64x133xf32, #tpu.memory_space<vmem>>[vector<16xi32>, vector<16xi32>], vector<16xf32>,
        %scan3A_409 = arith.constant 7 : i32
        %scan3A_410 = arith.addi %scan3A_279, %scan3A_409 : i32
        %mul3A_411 = arith.constant 1 : i32
        %mul3A_412 = arith.muli %scan3A_410, %mul3A_411 : i32
        %add3A_413 = arith.constant 0 : i32
        %add3A_414 = arith.addi %add3A_413, %mul3A_412 : i32
        %broadcast_in_dim3A_415 = vector.broadcast %add3A_414 : i32 to vector<16xi32>
        %get3A_416 = arith.index_cast %add3A_414 : i32 to index
        %get3A_417 = arith.constant 0 : index
        %get3A_418 = tpu.vector_load %arg18[%get3A_416, %get3A_417] {strides = array<i32>} : memref<128x128xf32, #tpu.memory_space<vmem>>, vector<16xf32>,
        tpu.vector_store_idx %arg10[%add3A_5, %broadcast_in_dim3A_415], %get3A_418 : memref<64x133xf32, #tpu.memory_space<vmem>>[vector<16xi32>, vector<16xi32>], vector<16xf32>,
        %get3A_419 = arith.index_cast %add3A_414 : i32 to index
        %get3A_420 = arith.constant 16 : index
        %get3A_421 = tpu.vector_load %arg18[%get3A_419, %get3A_420] {strides = array<i32>} : memref<128x128xf32, #tpu.memory_space<vmem>>, vector<16xf32>,
        tpu.vector_store_idx %arg10[%add3A_8, %broadcast_in_dim3A_415], %get3A_421 : memref<64x133xf32, #tpu.memory_space<vmem>>[vector<16xi32>, vector<16xi32>], vector<16xf32>,
        %get3A_422 = arith.index_cast %add3A_414 : i32 to index
        %get3A_423 = arith.constant 32 : index
        %get3A_424 = tpu.vector_load %arg18[%get3A_422, %get3A_423] {strides = array<i32>} : memref<128x128xf32, #tpu.memory_space<vmem>>, vector<16xf32>,
        tpu.vector_store_idx %arg10[%add3A_11, %broadcast_in_dim3A_415], %get3A_424 : memref<64x133xf32, #tpu.memory_space<vmem>>[vector<16xi32>, vector<16xi32>], vector<16xf32>,
        %get3A_425 = arith.index_cast %add3A_414 : i32 to index
        %get3A_426 = arith.constant 48 : index
        %get3A_427 = tpu.vector_load %arg18[%get3A_425, %get3A_426] {strides = array<i32>} : memref<128x128xf32, #tpu.memory_space<vmem>>, vector<16xf32>,
        tpu.vector_store_idx %arg10[%add3A_14, %broadcast_in_dim3A_415], %get3A_427 : memref<64x133xf32, #tpu.memory_space<vmem>>[vector<16xi32>, vector<16xi32>], vector<16xf32>,
      }
      %scan3A_252 = arith.constant 128 : i32
      %shift_right_arithmetic3A_253 = arith.constant 2 : i32
      %shift_right_arithmetic3A_254 = arith.shrsi %add3A_236, %shift_right_arithmetic3A_253 : i32
      %and3A_255 = arith.constant 3 : i32
      %and3A_256 = arith.andi %add3A_236, %and3A_255 : i32
      %mul3A_257 = arith.constant 128 : i32
      %mul3A_258 = arith.muli %and3A_256, %mul3A_257 : i32
      %add3A_259 = arith.addi %mul3A_2, %mul3A_258 : i32
      %dma_start3A_260 = arith.constant 0 : i32
      %dma_start3A_261 = arith.constant 0 : i32
      %dma_start3A_262 = tpu.memref_slice %arg10[%dma_start3A_260, %dma_start3A_261] : memref<64x133xf32, #tpu.memory_space<vmem>> -> memref<64x128xf32, #tpu.memory_space<vmem>>
      %dma_start3A_263 = arith.constant 0 : i32
      %dma_start3A_264 = tpu.memref_slice %arg4[%shift_right_arithmetic3A_254, %dma_start3A_263, %add3A_259] : memref<26x64x16384xf32, #tpu.memory_space<hbm>> -> memref<1x64x128xf32, #tpu.memory_space<hbm>>
      %dma_start3A_265 = tpu.memref_squeeze %dma_start3A_264 : memref<1x64x128xf32, #tpu.memory_space<hbm>> -> memref<64x128xf32, #tpu.memory_space<hbm>>
      %dma_start3A_266 = arith.constant 0 : i32
      %dma_start3A_267 = tpu.memref_slice %arg4[%shift_right_arithmetic3A_254, %dma_start3A_266, %add3A_259] : memref<26x64x16384xf32, #tpu.memory_space<hbm>> -> memref<1x64x128xf32, #tpu.memory_space<hbm>>
      %dma_start3A_268 = tpu.memref_squeeze %dma_start3A_267 : memref<1x64x128xf32, #tpu.memory_space<hbm>> -> memref<64x128xf32, #tpu.memory_space<hbm>>
      %dma_start3A_269 = arith.constant 0 : i32
      %dma_start3A_270 = arith.constant 0 : i32
      %dma_start3A_271 = tpu.memref_slice %arg10[%dma_start3A_269, %dma_start3A_270] : memref<64x133xf32, #tpu.memory_space<vmem>> -> memref<64x128xf32, #tpu.memory_space<vmem>>
      tpu.enqueue_dma source(%dma_start3A_271 : memref<64x128xf32, #tpu.memory_space<vmem>>) target(%dma_start3A_268 : memref<64x128xf32, #tpu.memory_space<hbm>>) target_semaphore(%arg14 : memref<!tpu.dma_semaphore, #tpu.memory_space<semaphore_mem>>)
      %add3A_272 = arith.constant 4 : i32
      %add3A_273 = arith.addi %add3A_236, %add3A_272 : i32
      %lt3A_274 = arith.constant 104 : i32
      %lt3A_275 = arith.cmpi slt, %add3A_273, %lt3A_274 : i32
      %convert_element_type3A_276 = arith.extui %lt3A_275 : i1 to i32
      %cond3A_277 = arith.constant 0 : i32
      %cond3A_278 = arith.cmpi ne, %convert_element_type3A_276, %cond3A_277 : i32
      scf.if %cond3A_278 {
        %add3A_279 = arith.constant 4 : i32
        %add3A_280 = arith.addi %add3A_236, %add3A_279 : i32
        %shift_right_arithmetic3A_281 = arith.constant 2 : i32
        %shift_right_arithmetic3A_282 = arith.shrsi %add3A_280, %shift_right_arithmetic3A_281 : i32
        %and3A_283 = arith.constant 3 : i32
        %and3A_284 = arith.andi %add3A_280, %and3A_283 : i32
        %dma_start3A_285 = arith.constant 0 : i32
        %dma_start3A_286 = tpu.memref_slice %arg6[%shift_right_arithmetic3A_282, %and3A_284, %dma_start3A_285] : memref<26x4x128xi32, #tpu.memory_space<vmem>> -> memref<1x1x128xi32, #tpu.memory_space<vmem>>
        %dma_start3A_287 = tpu.memref_squeeze %dma_start3A_286 : memref<1x1x128xi32, #tpu.memory_space<vmem>> -> memref<128xi32, #tpu.memory_space<vmem>>
        %dma_start3A_288 = arith.constant 0 : i32
        %dma_start3A_289 = arith.constant 0 : i32
        %dma_start3A_290 = tpu.memref_slice %arg3[%dma_start3A_288, %dma_start3A_289] : memref<1000000x128xf32, #tpu.memory_space<hbm>> -> memref<1000000x128xf32, #tpu.memory_space<hbm>>
        tpu.enqueue_indirect_dma source(%dma_start3A_290 : memref<1000000x128xf32, #tpu.memory_space<hbm>>) target(%arg18 : memref<128x128xf32, #tpu.memory_space<vmem>>) offsets(%dma_start3A_287 : memref<128xi32, #tpu.memory_space<vmem>>) semaphore(%arg22 : memref<!tpu.dma_semaphore, #tpu.memory_space<semaphore_mem>>)
      } else {
      }
    }
    %scan3A_56 = arith.constant 26 : i32
    %dma_wait3A = arith.constant 0 : i32
    %dma_wait3A_57 = arith.constant 0 : i32
    %dma_wait3A_58 = tpu.memref_slice %arg7[%dma_wait3A, %dma_wait3A_57] : memref<64x133xf32, #tpu.memory_space<vmem>> -> memref<64x128xf32, #tpu.memory_space<vmem>>
    %dma_wait3A_59 = arith.constant 0 : i32
    %dma_wait3A_60 = arith.constant 0 : i32
    %dma_wait3A_61 = tpu.memref_slice %arg3[%dma_wait3A_59, %dma_wait3A_60] : memref<1000000x128xf32, #tpu.memory_space<hbm>> -> memref<64x128xf32, #tpu.memory_space<hbm>>
    %dma_wait3A_62 = arith.constant 0 : i32
    %dma_wait3A_63 = arith.constant 0 : i32
    %dma_wait3A_64 = tpu.memref_slice %arg7[%dma_wait3A_62, %dma_wait3A_63] : memref<64x133xf32, #tpu.memory_space<vmem>> -> memref<64x128xf32, #tpu.memory_space<vmem>>
    %dma_wait3A_65 = arith.constant 0 : i32
    %dma_wait3A_66 = arith.constant 0 : i32
    %dma_wait3A_67 = tpu.memref_slice %arg3[%dma_wait3A_65, %dma_wait3A_66] : memref<1000000x128xf32, #tpu.memory_space<hbm>> -> memref<64x128xf32, #tpu.memory_space<hbm>>
    tpu.wait_dma2 semaphore(%arg11 : memref<!tpu.dma_semaphore, #tpu.memory_space<semaphore_mem>>) src(%dma_wait3A_67 : memref<64x128xf32, #tpu.memory_space<hbm>>) dst(%dma_wait3A_64 : memref<64x128xf32, #tpu.memory_space<vmem>>)
    %dma_wait3A_68 = arith.constant 0 : i32
    %dma_wait3A_69 = arith.constant 0 : i32
    %dma_wait3A_70 = tpu.memref_slice %arg8[%dma_wait3A_68, %dma_wait3A_69] : memref<64x133xf32, #tpu.memory_space<vmem>> -> memref<64x128xf32, #tpu.memory_space<vmem>>
    %dma_wait3A_71 = arith.constant 0 : i32
    %dma_wait3A_72 = arith.constant 0 : i32
    %dma_wait3A_73 = tpu.memref_slice %arg3[%dma_wait3A_71, %dma_wait3A_72] : memref<1000000x128xf32, #tpu.memory_space<hbm>> -> memref<64x128xf32, #tpu.memory_space<hbm>>
    %dma_wait3A_74 = arith.constant 0 : i32
    %dma_wait3A_75 = arith.constant 0 : i32
    %dma_wait3A_76 = tpu.memref_slice %arg8[%dma_wait3A_74, %dma_wait3A_75] : memref<64x133xf32, #tpu.memory_space<vmem>> -> memref<64x128xf32, #tpu.memory_space<vmem>>
    %dma_wait3A_77 = arith.constant 0 : i32
    %dma_wait3A_78 = arith.constant 0 : i32
    %dma_wait3A_79 = tpu.memref_slice %arg3[%dma_wait3A_77, %dma_wait3A_78] : memref<1000000x128xf32, #tpu.memory_space<hbm>> -> memref<64x128xf32, #tpu.memory_space<hbm>>
    tpu.wait_dma2 semaphore(%arg12 : memref<!tpu.dma_semaphore, #tpu.memory_space<semaphore_mem>>) src(%dma_wait3A_79 : memref<64x128xf32, #tpu.memory_space<hbm>>) dst(%dma_wait3A_76 : memref<64x128xf32, #tpu.memory_space<vmem>>)
    %dma_wait3A_80 = arith.constant 0 : i32
    %dma_wait3A_81 = arith.constant 0 : i32
    %dma_wait3A_82 = tpu.memref_slice %arg9[%dma_wait3A_80, %dma_wait3A_81] : memref<64x133xf32, #tpu.memory_space<vmem>> -> memref<64x128xf32, #tpu.memory_space<vmem>>
    %dma_wait3A_83 = arith.constant 0 : i32
    %dma_wait3A_84 = arith.constant 0 : i32
    %dma_wait3A_85 = tpu.memref_slice %arg3[%dma_wait3A_83, %dma_wait3A_84] : memref<1000000x128xf32, #tpu.memory_space<hbm>> -> memref<64x128xf32, #tpu.memory_space<hbm>>
    %dma_wait3A_86 = arith.constant 0 : i32
    %dma_wait3A_87 = arith.constant 0 : i32
    %dma_wait3A_88 = tpu.memref_slice %arg9[%dma_wait3A_86, %dma_wait3A_87] : memref<64x133xf32, #tpu.memory_space<vmem>> -> memref<64x128xf32, #tpu.memory_space<vmem>>
    %dma_wait3A_89 = arith.constant 0 : i32
    %dma_wait3A_90 = arith.constant 0 : i32
    %dma_wait3A_91 = tpu.memref_slice %arg3[%dma_wait3A_89, %dma_wait3A_90] : memref<1000000x128xf32, #tpu.memory_space<hbm>> -> memref<64x128xf32, #tpu.memory_space<hbm>>
    tpu.wait_dma2 semaphore(%arg13 : memref<!tpu.dma_semaphore, #tpu.memory_space<semaphore_mem>>) src(%dma_wait3A_91 : memref<64x128xf32, #tpu.memory_space<hbm>>) dst(%dma_wait3A_88 : memref<64x128xf32, #tpu.memory_space<vmem>>)
    %dma_wait3A_92 = arith.constant 0 : i32
    %dma_wait3A_93 = arith.constant 0 : i32
    %dma_wait3A_94 = tpu.memref_slice %arg10[%dma_wait3A_92, %dma_wait3A_93] : memref<64x133xf32, #tpu.memory_space<vmem>> -> memref<64x128xf32, #tpu.memory_space<vmem>>
    %dma_wait3A_95 = arith.constant 0 : i32
    %dma_wait3A_96 = arith.constant 0 : i32
    %dma_wait3A_97 = tpu.memref_slice %arg3[%dma_wait3A_95, %dma_wait3A_96] : memref<1000000x128xf32, #tpu.memory_space<hbm>> -> memref<64x128xf32, #tpu.memory_space<hbm>>
    %dma_wait3A_98 = arith.constant 0 : i32
    %dma_wait3A_99 = arith.constant 0 : i32
    %dma_wait3A_100 = tpu.memref_slice %arg10[%dma_wait3A_98, %dma_wait3A_99] : memref<64x133xf32, #tpu.memory_space<vmem>> -> memref<64x128xf32, #tpu.memory_space<vmem>>
    %dma_wait3A_101 = arith.constant 0 : i32
    %dma_wait3A_102 = arith.constant 0 : i32
    %dma_wait3A_103 = tpu.memref_slice %arg3[%dma_wait3A_101, %dma_wait3A_102] : memref<1000000x128xf32, #tpu.memory_space<hbm>> -> memref<64x128xf32, #tpu.memory_space<hbm>>
    tpu.wait_dma2 semaphore(%arg14 : memref<!tpu.dma_semaphore, #tpu.memory_space<semaphore_mem>>) src(%dma_wait3A_103 : memref<64x128xf32, #tpu.memory_space<hbm>>) dst(%dma_wait3A_100 : memref<64x128xf32, #tpu.memory_space<vmem>>)
    return
  }
}

</mosaic_0001>

<sc_bundles>
// kernel: kernel.3.cloned.1.call-start
scs
__scs_entry_jumppad:
0x0: {  	(pc) =	sbr.rel $0x88, $3  }
0x1: {  	(tag) =	ssettag $0x0;
	lr =	simm.s32 $0x1  }
0x2: {  	[smem:$0x3F9F] =	sst lr;
	_ =	strace $0xD0000000  }
0x3: {  	_ = 	snop  }
0x4: {  	_ = 	snop  }
0x5: {  	_ = 	snop  }
0x6: {  	_ = 	snop  }
0x7: {  	_ = 	snop  }
__scs_overlays_trampoline_lowered:
0x8: {  	[smem:$0x3FAE] =	sst s0  }
0x9: {  	[smem:$0x3FAF] =	sst s1  }
0xa: {  	[smem:$0x3FB0] =	sst s2  }
0xb: {  	[smem:$0x3FB1] =	sst s3  }
0xc: {  	[smem:$0x3FB2] =	sst s4  }
0xd: {  	[smem:$0x3FB3] =	sst s5  }
0xe: {  	[smem:$0x3FB4] =	sst s6  }
0xf: {  	[smem:$0x3FB5] =	sst s7  }
0x10: {  	[smem:$0x3FB6] =	sst s8  }
0x11: {  	[smem:$0x3FB7] =	sst s9;
	s0 =	simm.s32 @!p0 $0x0  }
0x12: {  	s1 =	sld [smem:$0x3F9D];
	s0 =	simm.s32 @p0 $0x1  }
0x13: {  	[smem:$0x3FB8] =	sst s0;
	s0 =	simm.s32 @!p1 $0x0  }
0x14: {  	s2 =	sld [smem:$0x3F9C];
	s0 =	simm.s32 @p1 $0x1  }
0x15: {  	[smem:$0x3FB9] =	sst s0;
	s0 =	simm.s32 @!p2 $0x0  }
0x16: {  	s3 =	sld [smem:$0x3FDB];
	s0 =	simm.s32 @p2 $0x1  }
0x17: {  	s4 =	simm.s32 $0x1BF5;
	[smem:$0x3FBB] =	sst s0  }
0x18: {  	s0 =	sld [smem:$0x3F9E];
	_ =	swait.ge [sflag:s4], $0x0  }
0x19: {  	s7 =	sld [smem:$0x3F9F]  }
0x1a: {  	s8 =	sadd.s32 $0xFFFFE003, lr  }
0x1b: {  	s9 =	sadd.s32 $0xFFFFFEF7, lr;
	s5 =	simm.s32 $0xFFFFFFFF;
	p2 =	slt.u32 s8, $0xFFFFF086  }
0x1c: {  	p1 =	slt.u32 s9, $0xF7A;
	s5 =	simm.s32 @!p2 $0x0  }
0x1d: {  	s5 =	simm.s32 @p1 $0x1;
	p0 =	seq.s32 s7, s2  }
0x1e: {  	s7 =	smul.u32 @!p0 $0xF7A, s2;
	p2 =	seq.s32 @!p0 s5, $0x0  }
0x1f: {  	s9 =	smul.u32 $0xF7A, s1;
	s8 =	simm.s32 @!p0 $0x1BF5;
	p2 =	por !p2, p0  }
0x20: {  	[sflag:s8] =	ssyncset.s32 @!p0 $0xFFFFF086;
	s6 =	sadd.s32 @!p0 s3, s7;
	s7 =	simm.s32 @!p0 $0x108  }
0x21: {  	s3 =	sadd.s32 s3, s9;
	s6 =	sadd.s32 @!p0 $0x88, s6;
	s7 =	simm.s32 @p2 $0x1082  }
0x22: {  	[simem:s7], [sflag:s8] =	dma.local @!p0 [hbm:s6], $0xF7A  }
0x23: {  	s9 =	sor.u32 $0xD0000000, s2;
	s6 =	simm.s32 $0x108;
	_ =	swait.ge @!p0 [sflag:s8], $0x0  }
0x24: {  	s3 =	sadd.s32 $0x88, s3;
	s6 =	simm.s32 @!p1 $0x1082;
	[sflag:s4] =	ssyncset.s32 $0xFFFFF086  }
0x25: {  	[simem:s6], [sflag:s4] =	dma.local [hbm:s3], $0xF7A  }
0x26: {  	[smem:$0x3F9F] =	sst s1;
	(tag) =	ssettag s2;
	_ =	strace s9  }
0x27: {  	s1 =	sld [smem:$0x3FAF]  }
0x28: {  	s2 =	sld [smem:$0x3FB0]  }
0x29: {  	s4 =	sld [smem:$0x3FB2]  }
0x2a: {  	p0 =	seq.s32 s5, $0x0;
	s5 =	sld [smem:$0x3FB3]  }
0x2b: {  	s6 =	sld [smem:$0x3FB4]  }
0x2c: {  	s7 =	sld [smem:$0x3FB5]  }
0x2d: {  	s3 =	simm.s32 $0x108;
	s8 =	sld [smem:$0x3FB6]  }
0x2e: {  	s3 =	simm.s32 @!p0 $0x1082;
	s9 =	sld [smem:$0x3FB7]  }
0x2f: {  	lr =	sadd.s32 s0, s3;
	s0 =	sld [smem:$0x3FAE]  }
0x30: {  	s3 =	sld [smem:$0x3FB1]  }
0x31: {  	[smem:$0x3FBA] =	sst s10  }
0x32: {  	s10 =	sld [smem:$0x3FB8];
	_ =	sdelay $0x3  }
0x33: {  	p0 =	seq.s32 s10, $0x1;
	s10 =	sld [smem:$0x3FBA];
	_ =	sdelay $0x3  }
0x34: {  	[smem:$0x3FBA] =	sst s10  }
0x35: {  	s10 =	sld [smem:$0x3FB9];
	_ =	sdelay $0x3  }
0x36: {  	p1 =	seq.s32 s10, $0x1;
	s10 =	sld [smem:$0x3FBA];
	_ =	sdelay $0x3  }
0x37: {  	[smem:$0x3FBA] =	sst s10  }
0x38: {  	s10 =	sld [smem:$0x3FBB]  }
0x39: {  	_ = 	snop;
	(pc) =	sbr.ind lr, $3  }
0x3a: {  	_ = 	snop  }
0x3b: {  	_ = 	snop  }
0x3c: {  	p2 =	seq.s32 s10, $0x1;
	s10 =	sld [smem:$0x3FBA]  }
0x3d: {  	_ =	shalt  }
0x3e: {  	_ =	shalt  }
0x3f: {  	_ =	shalt  }
0x40: {  	_ =	shalt  }
0x41: {  	_ =	shalt  }
0x42: {  	_ =	shalt  }
0x43: {  	_ =	shalt  }
0x44: {  	_ =	shalt  }
0x45: {  	_ =	shalt  }
0x46: {  	_ =	shalt  }
0x47: {  	_ =	shalt  }
0x48: {  	_ =	shalt  }
0x49: {  	_ =	shalt  }
0x4a: {  	_ =	shalt  }
0x4b: {  	_ =	shalt  }
0x4c: {  	_ =	shalt  }
0x4d: {  	_ =	shalt  }
0x4e: {  	_ =	shalt  }
0x4f: {  	_ =	shalt  }
0x50: {  	_ =	shalt  }
0x51: {  	_ =	shalt  }
0x52: {  	_ =	shalt  }
0x53: {  	_ =	shalt  }
0x54: {  	_ =	shalt  }
0x55: {  	_ =	shalt  }
0x56: {  	_ =	shalt  }
0x57: {  	_ =	shalt  }
0x58: {  	_ =	shalt  }
0x59: {  	_ =	shalt  }
0x5a: {  	_ =	shalt  }
0x5b: {  	_ =	shalt  }
0x5c: {  	_ =	shalt  }
0x5d: {  	_ =	shalt  }
0x5e: {  	_ =	shalt  }
0x5f: {  	_ =	shalt  }
0x60: {  	_ =	shalt  }
0x61: {  	_ =	shalt  }
0x62: {  	_ =	shalt  }
0x63: {  	_ =	shalt  }
0x64: {  	_ =	shalt  }
0x65: {  	_ =	shalt  }
0x66: {  	_ =	shalt  }
0x67: {  	_ =	shalt  }
0x68: {  	_ =	shalt  }
0x69: {  	_ =	shalt  }
0x6a: {  	_ =	shalt  }
0x6b: {  	_ =	shalt  }
0x6c: {  	_ =	shalt  }
0x6d: {  	_ =	shalt  }
0x6e: {  	_ =	shalt  }
0x6f: {  	_ =	shalt  }
0x70: {  	_ =	shalt  }
0x71: {  	_ =	shalt  }
0x72: {  	_ =	shalt  }
0x73: {  	_ =	shalt  }
0x74: {  	_ =	shalt  }
0x75: {  	_ =	shalt  }
0x76: {  	_ =	shalt  }
0x77: {  	_ =	shalt  }
0x78: {  	_ =	shalt  }
0x79: {  	_ =	shalt  }
0x7a: {  	_ =	shalt  }
0x7b: {  	_ =	shalt  }
0x7c: {  	_ =	shalt  }
0x7d: {  	_ =	shalt  }
0x7e: {  	_ =	shalt  }
0x7f: {  	_ =	shalt  }
0x80: {  	_ =	shalt  }
0x81: {  	_ =	shalt  }
0x82: {  	_ =	shalt  }
0x83: {  	_ =	shalt  }
0x84: {  	_ =	shalt  }
0x85: {  	_ =	shalt  }
0x86: {  	_ =	shalt  }
0x87: {  	_ =	shalt  }
.Lfunc_end0:
.L_simem_size_0:
called_computation_lowered:
.L_overlay_start_0:
0x88: {  	s2 =	sld [smem:$0x3FD9]  }
0x89: {  	s3 =	sld [smem:$0x3FFE];
	_ =	sdelay $0x1  }
0x8a: {  	s1 =	srdreg.scid  }
0x8b: {  	s0 =	sand.u32 $0x1, s1  }
0x8c: {  	s17 =	sshll.u32 s0, $0xA;
	s2 =	sadd.s32 s3, s2  }
0x8d: {  	s2 =	sadd.s32 s2, s17  }
0x8e: {  	[smem:$0x3FC6] =	sst s2  }
0x8f: {  	_ = 	snop  }
0x90: {  	s2 =	sld [smem:$0x3FD0];
	(tm) =	ssettm $0x1  }
0x91: {  	s18 =	sld [smem:$0x3FFB];
	_ =	sdelay $0x3  }
0x92: {  	_ =	strace s18  }
0x93: {  	s3 =	sld [smem:$0x3FFC];
	_ =	sdelay $0x3  }
0x94: {  	_ =	strace s3  }
0x95: {  	s3 =	sld [smem:$0x3FFD];
	_ =	sdelay $0x3  }
0x96: {  	_ =	strace s3  }
0x97: {  	_ =	strace $0x8FFFFFFF  }
0x98: {  	s19 =	sld [smem:$0x3FDB];
	_ =	sdelay $0x1  }
0x99: {  	s4 =	simm.s32 $_scs_section_size  }
0x9a: {  	s5 =	simm.s32 $_size__tile_overlayer_lowered;
	s6 =	simm.s32 $_tile_overlayer_lowered  }
0x9b: {  	s22 =	simm.s32 $0x1BFF;
	s21 =	sshll.u32 s6, $0x1;
	s3 =	sadd.s32 s4, s19  }
0x9c: {  	s7 =	simm.s32 $0x0;
	s20 =	sshll.u32 s5, $0x1;
	s5 =	sadd.s32 s21, s3  }
0x9d: {  	[timem:s7], [sflag:s22] =	dma.local [hbm:s5], s20  }
0x9e: {  	_ =	swait.ge [sflag:s22], s20  }
0x9f: {  	s4 =	ssub.s32 $0x0, s20;
	[sflag:s22] =	ssyncset.done $0x0  }
0xa0: {  	[sflag:s22] =	ssyncadd.s32 s4;
	_ =	sdelay $0x1  }
0xa1: {  	s23 =	simm.s32 $0x1B8B  }
0xa2: {  	_ =	swait.ge [sflag:s23], $0x1  }
0xa3: {  	[sflag:s23] =	ssyncset.done $0x0  }
0xa4: {  	s25 =	simm.s32 $0x1B8E;
	s24 =	sld [smem:$0x3FFE];
	[sflag:s23] =	ssyncadd.s32 $0xFFFFFFFF  }
0xa5: {  	s26 =	simm.s32 $execute0_lowered;
	[smem:$0x3FD2] =	sst s25  }
0xa6: {  	s5 =	sshll.u32 s26, $0x1;
	_ =	strace $0x80000046;
	[dreg:$0x1] =	wrdreg $0xFFFFFFFF  }
0xa7: {  	s28 =	simm.s32 $_size_execute0_lowered;
	s3 =	sadd.s32 s3, s5;
	[dreg:$0x0] =	wrdreg $0x0  }
0xa8: {  	s5 =	sshll.u32 s28, $0x1;
	[dreg:$0x2] =	wrdreg s3  }
0xa9: {  	[dreg:$0x3] =	wrdreg s5  }
0xaa: {  	[dreg:$0x4] =	wrdreg $0xC0  }
0xab: {  	_ =	task [dreg:s7], $0x5FFFF  }
0xac: {  	[dreg:$0x1] =	wrdreg $0xFFFFFFFF  }
0xad: {  	[dreg:$0x0] =	wrdreg $0x60  }
0xae: {  	[dreg:$0x2] =	wrdreg s2  }
0xaf: {  	[dreg:$0x3] =	wrdreg s24  }
0xb0: {  	[dreg:$0x4] =	wrdreg $0x9  }
0xb1: {  	_ =	task.clear_ibuf [dreg:s7], $0x5FFFF;
	_ =	strace $0x90000046  }
0xb2: {  	s29 =	simm.s32 $0x9;
	_ =	strace $0x80000048  }
0xb3: {  	_ =	swait.ge [sflag:s29], $0x1  }
0xb4: {  	[sflag:s29] =	ssyncadd.s32 $0xFFFFFFFF  }
0xb5: {  	_ =	strace $0x90000048  }
0xb6: {  	_ =	sfence  }
0xb7: {  	s30 =	sld [smem:$0x0];
	_ =	sdelay $0x2  }
0xb8: {  	s31 =	sshll.u32 s1, $0xD;
	s1 =	sshrl.u32 s1, $0x2  }
0xb9: {  	s3 =	sand.u32 $0x4000, s31;
	s1 =	sadd.s32 s1, s30  }
0xba: {  	s0 =	sor.u32 s3, s0;
	s1 =	sshll.u32 s1, $0x11  }
0xbb: {  	s0 =	sor.u32 s1, s0  }
0xbc: {  	s0 =	sadd.s32 $0x8F2B, s0  }
0xbd: {  	[sflag:s0] =	ssyncadd.remote.s32 $0x1  }
0xbe: {  	_ =	sfence.sel $0xFFFF  }
0xbf: {  	[dreg:$0x0] =	wrdreg $0xFFFFFFFF;
	(pc) =	sbr.abs _section_cstart, $3  }
0xc0: {  	[dreg:$0x1] =	wrdreg $0xFFFFFFFF  }
0xc1: {  	_ =	task.clear_ibuf [dreg:s7], $0x2FFFF;
	_ =	strace $0x9FFFFFFF  }
0xc2: {  	(tm) =	ssettm $0x7FFFFFFF  }
0xc3: {  	_ =	shalt  }
tec
execute0_lowered:
.L_overlay_start_1:
0x0: {  	(tag) =	ssettag $0x1  }
0x1: {  	s0 =	rddreg [dreg:$0x0]  }
0x2: {  	s1 =	rddreg [dreg:$0x1];
	v0 =	vlaneseq.u32  }
0x3: {  	s3 =	srdreg.scid;
	s4 =	stileid.u32;
	s2 =	simm.s32 $0x0;
	v1 =	vmul.u32 $0x88, v0  }
0x4: {  	v2 =	vimm.s32 $0x0;
	vm0 =	vcmask $0x300;
	s8 =	simm.s32 $0x9;
	s9 =	simm.s32 $0x80;
	s11 =	simm.s32 $0xF000  }
0x5: {  	s13 =	simm.s32 $0x13000;
	s15 =	simm.s32 $0x17000;
	s17 =	simm.s32 $0x1B000;
	v2 =	vsel vm0, $0x3, v2;
	v3 =	vadd.s32 $0x880, v1  }
0x6: {  	s18 =	simm.s32 $0x5;
	s19 =	simm.s32 $0x6800;
	s20 =	simm.s32 $0x6;
	v4 =	vadd.s32 $0x1100, v1;
	v5 =	vadd.s32 $0x1980, v1;
	v6 =	vor.u32 $0x1, v1  }
0x7: {  	s21 =	simm.s32 $0x2;
	s22 =	simm.s32 $0x8A00;
	s23 =	simm.s32 $0x7;
	v7 =	vadd.s32 $0x881, v1;
	v8 =	vadd.s32 $0x1101, v1;
	v9 =	vadd.s32 $0x1981, v1  }
0x8: {  	s24 =	simm.s32 $0x3;
	s3 =	sand.u32 $0x1, s3;
	s4 =	sshll.u32 s4, $0x1;
	v10 =	vor.u32 $0x2, v1;
	v11 =	vadd.s32 $0x882, v1;
	v12 =	vadd.s32 $0x1102, v1  }
0x9: {  	s28 =	simm.s32 $0x4;
	s29 =	simm.s32 $0xCE00;
	s5 =	sor.u32 s3, s4;
	v13 =	vadd.s32 $0x1982, v1;
	v14 =	vor.u32 $0x3, v1;
	v15 =	vadd.s32 $0x883, v1  }
0xa: {  	s30 =	simm.s32 $0x1;
	s31 =	simm.s32 $0x0;
	s7 =	smul.u32 $0x680, s5;
	v16 =	vadd.s32 $0x1103, v1;
	v17 =	vadd.s32 $0x1983, v1;
	v18 =	vor.u32 $0x4, v1  }
.Ltmp0:
0xb: {  	[smem:$0x7FF] =	sst s2;
	s6 =	ssub.s32 $0x2, s3;
	v19 =	vadd.s32 $0x884, v1;
	v20 =	vadd.s32 $0x1104, v1;
	v21 =	vadd.s32 $0x1984, v1;
	(pc) =	sbr.rel .LBB2_1-.Ltmp0, $4  }
0xc: {  	_ =	strace $0x80000047;
	s3 =	sadd.s32 $0xF42A00, s1;
	s25 =	sshrl.u32 s6, $0x1;
	v22 =	vor.u32 $0x5, v1;
	v23 =	vadd.s32 $0x885, v1;
	v24 =	vadd.s32 $0x1105, v1  }
0xd: {  	s4 =	sadd.s32 $0x600, s1;
	v25 =	vadd.s32 $0x1985, v1;
	v26 =	vor.u32 $0x6, v1;
	v27 =	vadd.s32 $0x886, v1;
	s1 =	ssub.s32 s6, s25;
	s0 =	sadd.s32 s0, s7  }
0xe: {  	s5 =	sshll.u32 s5, $0x9;
	v28 =	vadd.s32 $0x1106, v1;
	v29 =	vadd.s32 $0x1986, v1;
	v30 =	vor.u32 $0x7, v1;
	s26 =	smax.u32 s1, $0x1;
	[dreg:$0x3] =	wrdreg s0  }
0xf: {  	v31 =	vadd.s32 $0x887, v1;
	v32 =	vadd.s32 $0x1107, v1;
	v33 =	vadd.s32 $0x1987, v1;
	s25 =	simm.s32 $0xAC00;
	[dreg:$0x4] =	wrdreg s26;
	s26 =	simm.s32 $0x8  }
.LBB2_34:
0x10: {  	_ =	swait.ge [sflag:s30], $0x2000  }
0x11: {  	[sflag:s30] =	ssyncset.done $0x0  }
0x12: {  	[sflag:s30] =	ssyncadd.s32 $0xFFFFE000  }
0x13: {  	_ =	swait.ge [sflag:s21], $0x2000  }
0x14: {  	[sflag:s21] =	ssyncset.done $0x0  }
0x15: {  	[sflag:s21] =	ssyncadd.s32 $0xFFFFE000  }
0x16: {  	_ =	swait.ge [sflag:s24], $0x2000  }
0x17: {  	[sflag:s24] =	ssyncset.done $0x0  }
0x18: {  	[sflag:s24] =	ssyncadd.s32 $0xFFFFE000  }
0x19: {  	_ =	swait.ge [sflag:s28], $0x2000  }
0x1a: {  	s31 =	sadd.s32 $0x1, s31;
	s0 =	rddreg [dreg:$0x4]  }
0x1b: {  	p0 =	sne.s32 s31, s0  }
.Ltmp1:
0x1c: {  	_ = 	snop;
	(pc) =	sbr.rel @!p0 .LBB2_35-.Ltmp1, $3  }
0x1d: {  	_ =	sdelay $0x1  }
0x1e: {  	[sflag:s28] =	ssyncset.done $0x0  }
0x1f: {  	[sflag:s28] =	ssyncadd.s32 $0xFFFFE000  }
.LBB2_1:
0x20: {  	v34 =	vor.u32 s2, v0  }
0x21: {  	v34 =	vand.u32 $0x1FF, v34  }
0x22: {  	v35 =	vmov s2;
	v34 =	vmul.u32 $0x1A, v34  }
0x23: {  	v35 =	vshrl.u32 v35, $0x9  }
0x24: {  	s0 =	simm.s32 $0x10;
	s1 =	rddreg [dreg:$0x3];
	v34 =	vadd.s32 v35, v34  }
0x25: {  	[tilespmem:s2], [sflag:$0x9] =	stream.linear.gather [hbm4b:s1+s2], $0x3400, $0x38;
	[tilespmem:$0x1F000] =	vst v63  }
0x26: {  	v63 =	vor.u32 s0, v0;
	_ =	swait.ge [sflag:s8], $0x3400  }
0x27: {  	[sflag:s8] =	ssyncset.done $0x0;
	v35 =	vand.u32 $0x1FF, v63  }
0x28: {  	v36 =	vmov s0;
	[sflag:s8] =	ssyncadd.s32 $0xFFFFCC00;
	v37 =	vmul.u32 $0x1A, v35  }
0x29: {  	v36 =	vshrl.u32 v36, $0x9;
	v35 =	vld.idx.msk [tilespmem:v34+s2+$0x0], $0xffff  }
0x2a: {  	v34 =	vadd.s32 v36, v37;
	_ =	sdelay $0x1  }
0x2b: {  	s1 =	simm.s32 $0x20  }
0x2c: {  	s6 =	simm.s32 $0x30;
	s0 =	simm.s32 $0x3400;
	v36 =	vor.u32 s1, v0  }
.LBB2_2:
0x2d: {  	p0 =	sne.s32 s6, $0x33F0;
	v36 =	vand.u32 $0x1FF, v36;
	[tilespmem:s0+$0x0] =	vst v35  }
0x2e: {  	v37 =	vmov s1;
	s1 =	smov.u32 s6;
	v36 =	vmul.u32 $0x1A, v36;
	v35 =	vld.idx.msk [tilespmem:v34+s2+$0x0], $0xffff  }
.Ltmp2:
0x2f: {  	v34 =	vshrl.u32 v37, $0x9;
	(pc) =	sbr.rel @p0 .LBB2_2-.Ltmp2, $2  }
0x30: {  	v34 =	vadd.s32 v34, v36;
	_ =	sdelay $0x2  }
0x31: {  	s6 =	sadd.s32 $0x10, s6;
	s0 =	sadd.s32 $0x10, s0;
	v36 =	vor.u32 s1, v0  }
0x32: {  	_ =	sdelay $0x1  }
0x33: {  	v36 =	vand.u32 $0x1FF, v36  }
0x34: {  	[tilespmem:s0+$0x0] =	vst v35;
	v63 =	vmov s1;
	v36 =	vmul.u32 $0x1A, v36  }
0x35: {  	v34 =	vld.idx.msk [tilespmem:v34+s2+$0x0], $0xffff;
	v35 =	vshrl.u32 v63, $0x9  }
0x36: {  	v35 =	vadd.s32 v35, v36;
	_ =	sdelay $0x2  }
0x37: {  	s7 =	sadd.s32 $0x10, s0  }
0x38: {  	[tilespmem:s7+$0x0] =	vst v34  }
0x39: {  	v34 =	vld.idx.msk [tilespmem:v35+s2+$0x0], $0xffff;
	_ =	sdelay $0x3  }
0x3a: {  	s0 =	sadd.s32 $0x10, s7  }
0x3b: {  	s10 =	simm.s32 $0x3400;
	[tilespmem:s0+$0x0] =	vst v34  }
0x3c: {  	[tilespmem:s11], [sflag:$0x5] =	stream.indirect.gather [hbm4b:s3+s9], $0x80, s10, s9, $0xb8;
	[tilespmem:$0x1F000] =	vst v63  }
0x3d: {  	s12 =	simm.s32 $0x3480  }
0x3e: {  	[tilespmem:s13], [sflag:$0x6] =	stream.indirect.gather [hbm4b:s3+s9], $0x80, s12, s9, $0xb8;
	[tilespmem:$0x1F000] =	vst v63  }
0x3f: {  	s14 =	simm.s32 $0x3500  }
0x40: {  	[tilespmem:s15], [sflag:$0x7] =	stream.indirect.gather [hbm4b:s3+s9], $0x80, s14, s9, $0xb8;
	[tilespmem:$0x1F000] =	vst v63  }
0x41: {  	s16 =	simm.s32 $0x3580;
	s1 =	simm.s32 $0x0;
	s0 =	simm.s32 $0x0  }
0x42: {  	[tilespmem:s17], [sflag:$0x8] =	stream.indirect.gather [hbm4b:s3+s9], $0x80, s16, s9, $0xb8;
	[tilespmem:$0x1F000] =	vst v63  }
.LBB2_4:
0x43: {  	_ =	swait.ge [sflag:s18], $0x4000  }
0x44: {  	p0 =	seq.s32 s1, $0x0;
	v34 =	vmov s0;
	[sflag:s18] =	ssyncset.done $0x0  }
0x45: {  	s6 =	simm.s32 @!p0 $0x1;
	v34 =	vshrl.u32 v34, $0x3;
	[sflag:s18] =	ssyncadd.s32 $0xFFFFC000  }
0x46: {  	v34 =	vshll.u32 v34, v2;
	_ =	swait.ge @!p0 [sflag:s6], $0x2000  }
0x47: {  	v34 =	vbroadcast v34, $0x0;
	[sflag:s6] =	ssyncset.done @!p0 $0x0  }
0x48: {  	s12 =	simm.s32 $0xF200;
	[sflag:s6] =	ssyncadd.s32 @!p0 $0xFFFFE000  }
0x49: {  	v36 =	vadd.s32 v1, v34;
	v35 =	vld [tilespmem:s12+$0xFFFFFE00];
	_ =	sdelay $0x4  }
0x4a: {  	[tilespmem:v36+s19+$0x0] =	vst.idx.msk $0xffff, v35  }
0x4b: {  	v52 =	vadd.s32 v3, v34;
	v35 =	vld [tilespmem:s12+$0xFFFFFE10];
	_ =	sdelay $0x4  }
0x4c: {  	[tilespmem:v52+s19+$0x0] =	vst.idx.msk $0xffff, v35  }
0x4d: {  	v53 =	vadd.s32 v4, v34;
	v35 =	vld [tilespmem:s12+$0xFFFFFE20];
	_ =	sdelay $0x4  }
0x4e: {  	[tilespmem:v53+s19+$0x0] =	vst.idx.msk $0xffff, v35  }
0x4f: {  	s10 =	simm.s32 $0x1;
	v34 =	vadd.s32 v5, v34;
	v35 =	vld [tilespmem:s12+$0xFFFFFE30]  }
0x50: {  	v54 =	vmov s10  }
0x51: {  	v36 =	vshrl.u32 v54, $0x3  }
0x52: {  	v36 =	vshll.u32 v36, v2  }
0x53: {  	v36 =	vbroadcast v36, $0x0  }
0x54: {  	[tilespmem:v34+s19+$0x0] =	vst.idx.msk $0xffff, v35  }
0x55: {  	v55 =	vadd.s32 v6, v36;
	v34 =	vld [tilespmem:s12+$0xFFFFFE80];
	_ =	sdelay $0x4  }
0x56: {  	[tilespmem:v55+s19+$0x0] =	vst.idx.msk $0xffff, v34  }
0x57: {  	v56 =	vadd.s32 v7, v36;
	v34 =	vld [tilespmem:s12+$0xFFFFFE90];
	_ =	sdelay $0x4  }
0x58: {  	[tilespmem:v56+s19+$0x0] =	vst.idx.msk $0xffff, v34  }
0x59: {  	v57 =	vadd.s32 v8, v36;
	v34 =	vld [tilespmem:s12+$0xFFFFFEA0];
	_ =	sdelay $0x4  }
0x5a: {  	[tilespmem:v57+s19+$0x0] =	vst.idx.msk $0xffff, v34  }
0x5b: {  	s14 =	simm.s32 $0x2;
	v58 =	vadd.s32 v9, v36;
	v34 =	vld [tilespmem:s12+$0xFFFFFEB0]  }
0x5c: {  	v59 =	vmov s14  }
0x5d: {  	v36 =	vshrl.u32 v59, $0x3  }
0x5e: {  	v36 =	vshll.u32 v36, v2  }
0x5f: {  	v36 =	vbroadcast v36, $0x0  }
0x60: {  	[tilespmem:v58+s19+$0x0] =	vst.idx.msk $0xffff, v34  }
0x61: {  	v60 =	vadd.s32 v10, v36;
	v34 =	vld [tilespmem:s12+$0xFFFFFF00];
	_ =	sdelay $0x4  }
0x62: {  	[tilespmem:v60+s19+$0x0] =	vst.idx.msk $0xffff, v34  }
0x63: {  	v61 =	vadd.s32 v11, v36;
	v34 =	vld [tilespmem:s12+$0xFFFFFF10];
	_ =	sdelay $0x4  }
0x64: {  	[tilespmem:v61+s19+$0x0] =	vst.idx.msk $0xffff, v34  }
0x65: {  	v62 =	vadd.s32 v12, v36;
	v34 =	vld [tilespmem:s12+$0xFFFFFF20];
	_ =	sdelay $0x4  }
0x66: {  	[tilespmem:v62+s19+$0x0] =	vst.idx.msk $0xffff, v34  }
0x67: {  	s16 =	simm.s32 $0x3;
	v63 =	vadd.s32 v13, v36;
	v34 =	vld [tilespmem:s12+$0xFFFFFF30]  }
0x68: {  	v40 =	vmov s16  }
0x69: {  	v36 =	vshrl.u32 v40, $0x3  }
0x6a: {  	v36 =	vshll.u32 v36, v2  }
0x6b: {  	v36 =	vbroadcast v36, $0x0  }
0x6c: {  	[tilespmem:v63+s19+$0x0] =	vst.idx.msk $0xffff, v34  }
0x6d: {  	v41 =	vadd.s32 v14, v36;
	v34 =	vld [tilespmem:s12+$0xFFFFFF80];
	_ =	sdelay $0x4  }
0x6e: {  	[tilespmem:v41+s19+$0x0] =	vst.idx.msk $0xffff, v34  }
0x6f: {  	v42 =	vadd.s32 v15, v36;
	v34 =	vld [tilespmem:s12+$0xFFFFFF90];
	_ =	sdelay $0x4  }
0x70: {  	[tilespmem:v42+s19+$0x0] =	vst.idx.msk $0xffff, v34  }
0x71: {  	v43 =	vadd.s32 v16, v36;
	v34 =	vld [tilespmem:s12+$0xFFFFFFA0];
	_ =	sdelay $0x4  }
0x72: {  	[tilespmem:v43+s19+$0x0] =	vst.idx.msk $0xffff, v34  }
0x73: {  	s7 =	simm.s32 $0x4;
	v44 =	vadd.s32 v17, v36;
	v34 =	vld [tilespmem:s12+$0xFFFFFFB0]  }
0x74: {  	v45 =	vmov s7  }
0x75: {  	v36 =	vshrl.u32 v45, $0x3  }
0x76: {  	v36 =	vshll.u32 v36, v2  }
0x77: {  	v36 =	vbroadcast v36, $0x0  }
0x78: {  	[tilespmem:v44+s19+$0x0] =	vst.idx.msk $0xffff, v34  }
0x79: {  	v46 =	vadd.s32 v18, v36;
	v34 =	vld [tilespmem:s12+$0x0];
	_ =	sdelay $0x4  }
0x7a: {  	[tilespmem:v46+s19+$0x0] =	vst.idx.msk $0xffff, v34  }
0x7b: {  	v47 =	vadd.s32 v19, v36;
	v34 =	vld [tilespmem:s12+$0x10];
	_ =	sdelay $0x4  }
0x7c: {  	[tilespmem:v47+s19+$0x0] =	vst.idx.msk $0xffff, v34  }
0x7d: {  	v48 =	vadd.s32 v20, v36;
	v34 =	vld [tilespmem:s12+$0x20];
	_ =	sdelay $0x4  }
0x7e: {  	[tilespmem:v48+s19+$0x0] =	vst.idx.msk $0xffff, v34  }
0x7f: {  	s10 =	simm.s32 $0x5;
	v49 =	vadd.s32 v21, v36;
	v34 =	vld [tilespmem:s12+$0x30]  }
0x80: {  	v50 =	vmov s10  }
0x81: {  	v36 =	vshrl.u32 v50, $0x3  }
0x82: {  	v36 =	vshll.u32 v36, v2  }
0x83: {  	v36 =	vbroadcast v36, $0x0  }
0x84: {  	[tilespmem:v49+s19+$0x0] =	vst.idx.msk $0xffff, v34  }
0x85: {  	v51 =	vadd.s32 v22, v36;
	v34 =	vld [tilespmem:s12+$0x80];
	_ =	sdelay $0x4  }
0x86: {  	[tilespmem:v51+s19+$0x0] =	vst.idx.msk $0xffff, v34  }
0x87: {  	v52 =	vadd.s32 v23, v36;
	v34 =	vld [tilespmem:s12+$0x90];
	_ =	sdelay $0x4  }
0x88: {  	[tilespmem:v52+s19+$0x0] =	vst.idx.msk $0xffff, v34  }
0x89: {  	v53 =	vadd.s32 v24, v36;
	v34 =	vld [tilespmem:s12+$0xA0];
	_ =	sdelay $0x4  }
0x8a: {  	[tilespmem:v53+s19+$0x0] =	vst.idx.msk $0xffff, v34  }
0x8b: {  	s14 =	simm.s32 $0x6;
	v54 =	vadd.s32 v25, v36;
	v34 =	vld [tilespmem:s12+$0xB0]  }
0x8c: {  	v55 =	vmov s14  }
0x8d: {  	v36 =	vshrl.u32 v55, $0x3  }
0x8e: {  	v36 =	vshll.u32 v36, v2  }
0x8f: {  	v36 =	vbroadcast v36, $0x0  }
0x90: {  	[tilespmem:v54+s19+$0x0] =	vst.idx.msk $0xffff, v34  }
0x91: {  	v56 =	vadd.s32 v26, v36;
	v34 =	vld [tilespmem:s12+$0x100];
	_ =	sdelay $0x4  }
0x92: {  	[tilespmem:v56+s19+$0x0] =	vst.idx.msk $0xffff, v34  }
0x93: {  	v57 =	vadd.s32 v27, v36;
	v34 =	vld [tilespmem:s12+$0x110];
	_ =	sdelay $0x4  }
0x94: {  	[tilespmem:v57+s19+$0x0] =	vst.idx.msk $0xffff, v34  }
0x95: {  	v58 =	vadd.s32 v28, v36;
	v34 =	vld [tilespmem:s12+$0x120];
	_ =	sdelay $0x4  }
0x96: {  	[tilespmem:v58+s19+$0x0] =	vst.idx.msk $0xffff, v34  }
0x97: {  	s16 =	simm.s32 $0x7;
	v59 =	vadd.s32 v29, v36;
	v34 =	vld [tilespmem:s12+$0x130]  }
0x98: {  	v60 =	vmov s16  }
0x99: {  	v36 =	vshrl.u32 v60, $0x3  }
0x9a: {  	v36 =	vshll.u32 v36, v2  }
0x9b: {  	v36 =	vbroadcast v36, $0x0  }
0x9c: {  	[tilespmem:v59+s19+$0x0] =	vst.idx.msk $0xffff, v34  }
0x9d: {  	v61 =	vadd.s32 v30, v36;
	v34 =	vld [tilespmem:s12+$0x180];
	_ =	sdelay $0x4  }
0x9e: {  	[tilespmem:v61+s19+$0x0] =	vst.idx.msk $0xffff, v34  }
0x9f: {  	v62 =	vadd.s32 v31, v36;
	v34 =	vld [tilespmem:s12+$0x190];
	_ =	sdelay $0x4  }
0xa0: {  	[tilespmem:v62+s19+$0x0] =	vst.idx.msk $0xffff, v34  }
0xa1: {  	v63 =	vadd.s32 v32, v36;
	v34 =	vld [tilespmem:s12+$0x1A0];
	_ =	sdelay $0x4  }
0xa2: {  	[tilespmem:v63+s19+$0x0] =	vst.idx.msk $0xffff, v34  }
0xa3: {  	s14 =	simm.s32 $0x8;
	v35 =	vadd.s32 v33, v36;
	v34 =	vld [tilespmem:s12+$0x1B0]  }
0xa4: {  	s10 =	sshll.u32 s1, $0xB;
	s16 =	simm.s32 $0x10;
	v36 =	vmov s14  }
.LBB2_5:
0xa5: {  	p1 =	slt.u32 s16, $0x78;
	v36 =	vshrl.u32 v36, $0x3  }
0xa6: {  	v36 =	vshll.u32 v36, v2  }
0xa7: {  	v36 =	vbroadcast v36, $0x0  }
0xa8: {  	s12 =	sadd.s32 $0x400, s12;
	[tilespmem:v35+s19+$0x0] =	vst.idx.msk $0xffff, v34  }
0xa9: {  	v34 =	vld [tilespmem:s12+$0xFFFFFE00];
	v35 =	vadd.s32 v1, v36;
	_ =	sdelay $0x4  }
0xaa: {  	[tilespmem:v35+s19+$0x0] =	vst.idx.msk $0xffff, v34  }
0xab: {  	v35 =	vadd.s32 v3, v36;
	v34 =	vld [tilespmem:s12+$0xFFFFFE10];
	_ =	sdelay $0x4  }
0xac: {  	[tilespmem:v35+s19+$0x0] =	vst.idx.msk $0xffff, v34  }
0xad: {  	v35 =	vadd.s32 v4, v36;
	v34 =	vld [tilespmem:s12+$0xFFFFFE20];
	_ =	sdelay $0x4  }
0xae: {  	[tilespmem:v35+s19+$0x0] =	vst.idx.msk $0xffff, v34  }
0xaf: {  	s6 =	sadd.s32 $0x1, s14;
	v35 =	vadd.s32 v5, v36;
	v34 =	vld [tilespmem:s12+$0xFFFFFE30]  }
0xb0: {  	v36 =	vmov s6  }
0xb1: {  	v36 =	vshrl.u32 v36, $0x3  }
0xb2: {  	v36 =	vshll.u32 v36, v2  }
0xb3: {  	v36 =	vbroadcast v36, $0x0  }
0xb4: {  	[tilespmem:v35+s19+$0x0] =	vst.idx.msk $0xffff, v34  }
0xb5: {  	v35 =	vadd.s32 v6, v36;
	v34 =	vld [tilespmem:s12+$0xFFFFFE80];
	_ =	sdelay $0x4  }
0xb6: {  	[tilespmem:v35+s19+$0x0] =	vst.idx.msk $0xffff, v34  }
0xb7: {  	v35 =	vadd.s32 v7, v36;
	v34 =	vld [tilespmem:s12+$0xFFFFFE90];
	_ =	sdelay $0x4  }
0xb8: {  	[tilespmem:v35+s19+$0x0] =	vst.idx.msk $0xffff, v34  }
0xb9: {  	v35 =	vadd.s32 v8, v36;
	v34 =	vld [tilespmem:s12+$0xFFFFFEA0];
	_ =	sdelay $0x4  }
0xba: {  	[tilespmem:v35+s19+$0x0] =	vst.idx.msk $0xffff, v34  }
0xbb: {  	s6 =	sadd.s32 $0x2, s14;
	v35 =	vadd.s32 v9, v36;
	v34 =	vld [tilespmem:s12+$0xFFFFFEB0]  }
0xbc: {  	v36 =	vmov s6  }
0xbd: {  	v36 =	vshrl.u32 v36, $0x3  }
0xbe: {  	v36 =	vshll.u32 v36, v2  }
0xbf: {  	v36 =	vbroadcast v36, $0x0  }
0xc0: {  	[tilespmem:v35+s19+$0x0] =	vst.idx.msk $0xffff, v34  }
0xc1: {  	v35 =	vadd.s32 v10, v36;
	v34 =	vld [tilespmem:s12+$0xFFFFFF00];
	_ =	sdelay $0x4  }
0xc2: {  	[tilespmem:v35+s19+$0x0] =	vst.idx.msk $0xffff, v34  }
0xc3: {  	v35 =	vadd.s32 v11, v36;
	v34 =	vld [tilespmem:s12+$0xFFFFFF10];
	_ =	sdelay $0x4  }
0xc4: {  	[tilespmem:v35+s19+$0x0] =	vst.idx.msk $0xffff, v34  }
0xc5: {  	v35 =	vadd.s32 v12, v36;
	v34 =	vld [tilespmem:s12+$0xFFFFFF20];
	_ =	sdelay $0x4  }
0xc6: {  	[tilespmem:v35+s19+$0x0] =	vst.idx.msk $0xffff, v34  }
0xc7: {  	s6 =	sadd.s32 $0x3, s14;
	v35 =	vadd.s32 v13, v36;
	v34 =	vld [tilespmem:s12+$0xFFFFFF30]  }
0xc8: {  	v36 =	vmov s6  }
0xc9: {  	v36 =	vshrl.u32 v36, $0x3  }
0xca: {  	v36 =	vshll.u32 v36, v2  }
0xcb: {  	v36 =	vbroadcast v36, $0x0  }
0xcc: {  	[tilespmem:v35+s19+$0x0] =	vst.idx.msk $0xffff, v34  }
0xcd: {  	v35 =	vadd.s32 v14, v36;
	v34 =	vld [tilespmem:s12+$0xFFFFFF80];
	_ =	sdelay $0x4  }
0xce: {  	[tilespmem:v35+s19+$0x0] =	vst.idx.msk $0xffff, v34  }
0xcf: {  	v35 =	vadd.s32 v15, v36;
	v34 =	vld [tilespmem:s12+$0xFFFFFF90];
	_ =	sdelay $0x4  }
0xd0: {  	[tilespmem:v35+s19+$0x0] =	vst.idx.msk $0xffff, v34  }
0xd1: {  	v35 =	vadd.s32 v16, v36;
	v34 =	vld [tilespmem:s12+$0xFFFFFFA0];
	_ =	sdelay $0x4  }
0xd2: {  	[tilespmem:v35+s19+$0x0] =	vst.idx.msk $0xffff, v34  }
0xd3: {  	s6 =	sadd.s32 $0x4, s14;
	v35 =	vadd.s32 v17, v36;
	v34 =	vld [tilespmem:s12+$0xFFFFFFB0]  }
0xd4: {  	v36 =	vmov s6  }
0xd5: {  	v36 =	vshrl.u32 v36, $0x3  }
0xd6: {  	v36 =	vshll.u32 v36, v2  }
0xd7: {  	v36 =	vbroadcast v36, $0x0  }
0xd8: {  	[tilespmem:v35+s19+$0x0] =	vst.idx.msk $0xffff, v34  }
0xd9: {  	v35 =	vadd.s32 v18, v36;
	v34 =	vld [tilespmem:s12+$0x0];
	_ =	sdelay $0x4  }
0xda: {  	[tilespmem:v35+s19+$0x0] =	vst.idx.msk $0xffff, v34  }
0xdb: {  	v35 =	vadd.s32 v19, v36;
	v34 =	vld [tilespmem:s12+$0x10];
	_ =	sdelay $0x4  }
0xdc: {  	[tilespmem:v35+s19+$0x0] =	vst.idx.msk $0xffff, v34  }
0xdd: {  	v35 =	vadd.s32 v20, v36;
	v34 =	vld [tilespmem:s12+$0x20];
	_ =	sdelay $0x4  }
0xde: {  	[tilespmem:v35+s19+$0x0] =	vst.idx.msk $0xffff, v34  }
0xdf: {  	s6 =	sadd.s32 $0x5, s14;
	v35 =	vadd.s32 v21, v36;
	v34 =	vld [tilespmem:s12+$0x30]  }
0xe0: {  	v36 =	vmov s6  }
0xe1: {  	v36 =	vshrl.u32 v36, $0x3  }
0xe2: {  	v36 =	vshll.u32 v36, v2  }
0xe3: {  	v36 =	vbroadcast v36, $0x0  }
0xe4: {  	[tilespmem:v35+s19+$0x0] =	vst.idx.msk $0xffff, v34  }
0xe5: {  	v35 =	vadd.s32 v22, v36;
	v34 =	vld [tilespmem:s12+$0x80];
	_ =	sdelay $0x4  }
0xe6: {  	[tilespmem:v35+s19+$0x0] =	vst.idx.msk $0xffff, v34  }
0xe7: {  	v35 =	vadd.s32 v23, v36;
	v34 =	vld [tilespmem:s12+$0x90];
	_ =	sdelay $0x4  }
0xe8: {  	[tilespmem:v35+s19+$0x0] =	vst.idx.msk $0xffff, v34  }
0xe9: {  	v35 =	vadd.s32 v24, v36;
	v34 =	vld [tilespmem:s12+$0xA0];
	_ =	sdelay $0x4  }
0xea: {  	[tilespmem:v35+s19+$0x0] =	vst.idx.msk $0xffff, v34  }
0xeb: {  	s6 =	sadd.s32 $0x6, s14;
	v35 =	vadd.s32 v25, v36;
	v34 =	vld [tilespmem:s12+$0xB0]  }
0xec: {  	v36 =	vmov s6  }
0xed: {  	v36 =	vshrl.u32 v36, $0x3  }
0xee: {  	v36 =	vshll.u32 v36, v2  }
0xef: {  	v36 =	vbroadcast v36, $0x0  }
0xf0: {  	[tilespmem:v35+s19+$0x0] =	vst.idx.msk $0xffff, v34  }
0xf1: {  	v35 =	vadd.s32 v26, v36;
	v34 =	vld [tilespmem:s12+$0x100];
	_ =	sdelay $0x4  }
0xf2: {  	[tilespmem:v35+s19+$0x0] =	vst.idx.msk $0xffff, v34  }
0xf3: {  	v35 =	vadd.s32 v27, v36;
	v34 =	vld [tilespmem:s12+$0x110];
	_ =	sdelay $0x4  }
0xf4: {  	[tilespmem:v35+s19+$0x0] =	vst.idx.msk $0xffff, v34  }
0xf5: {  	v35 =	vadd.s32 v28, v36;
	v34 =	vld [tilespmem:s12+$0x120];
	_ =	sdelay $0x4  }
0xf6: {  	[tilespmem:v35+s19+$0x0] =	vst.idx.msk $0xffff, v34  }
0xf7: {  	s6 =	sadd.s32 $0x7, s14;
	s14 =	smov.u32 s16;
	v35 =	vadd.s32 v29, v36;
	v34 =	vld [tilespmem:s12+$0x130]  }
0xf8: {  	v36 =	vmov s6  }
0xf9: {  	v36 =	vshrl.u32 v36, $0x3  }
0xfa: {  	v36 =	vshll.u32 v36, v2  }
0xfb: {  	v36 =	vbroadcast v36, $0x0  }
0xfc: {  	[tilespmem:v35+s19+$0x0] =	vst.idx.msk $0xffff, v34  }
0xfd: {  	v35 =	vadd.s32 v30, v36;
	v34 =	vld [tilespmem:s12+$0x180];
	_ =	sdelay $0x4  }
0xfe: {  	[tilespmem:v35+s19+$0x0] =	vst.idx.msk $0xffff, v34  }
0xff: {  	v35 =	vadd.s32 v31, v36;
	v34 =	vld [tilespmem:s12+$0x190];
	_ =	sdelay $0x4  }
0x100: {  	[tilespmem:v35+s19+$0x0] =	vst.idx.msk $0xffff, v34  }
0x101: {  	v35 =	vadd.s32 v32, v36;
	v34 =	vld [tilespmem:s12+$0x1A0];
	_ =	sdelay $0x2  }
.Ltmp3:
0x102: {  	(pc) =	sbr.rel @p1 .LBB2_5-.Ltmp3, $4  }
0x103: {  	_ = 	snop  }
0x104: {  	[tilespmem:v35+s19+$0x0] =	vst.idx.msk $0xffff, v34  }
0x105: {  	v35 =	vadd.s32 v33, v36;
	v34 =	vld [tilespmem:s12+$0x1B0]  }
0x106: {  	s16 =	sadd.s32 $0x8, s16;
	v36 =	vmov s14  }
0x107: {  	_ = 	snop  }
0x108: {  	v36 =	vshrl.u32 v36, $0x3  }
0x109: {  	v36 =	vshll.u32 v36, v2  }
0x10a: {  	v36 =	vbroadcast v36, $0x0  }
0x10b: {  	s6 =	sadd.s32 $0x400, s12;
	[tilespmem:v35+s19+$0x0] =	vst.idx.msk $0xffff, v34  }
0x10c: {  	v34 =	vld [tilespmem:s6+$0xFFFFFE00];
	v49 =	vadd.s32 v1, v36;
	_ =	sdelay $0x4  }
0x10d: {  	[tilespmem:v49+s19+$0x0] =	vst.idx.msk $0xffff, v34  }
0x10e: {  	v50 =	vadd.s32 v3, v36;
	v34 =	vld [tilespmem:s6+$0xFFFFFE10];
	_ =	sdelay $0x4  }
0x10f: {  	[tilespmem:v50+s19+$0x0] =	vst.idx.msk $0xffff, v34  }
0x110: {  	v51 =	vadd.s32 v4, v36;
	v34 =	vld [tilespmem:s6+$0xFFFFFE20];
	_ =	sdelay $0x4  }
0x111: {  	[tilespmem:v51+s19+$0x0] =	vst.idx.msk $0xffff, v34  }
0x112: {  	s7 =	sadd.s32 $0x1, s14;
	v52 =	vadd.s32 v5, v36;
	v34 =	vld [tilespmem:s6+$0xFFFFFE30]  }
0x113: {  	v53 =	vmov s7  }
0x114: {  	v36 =	vshrl.u32 v53, $0x3  }
0x115: {  	v36 =	vshll.u32 v36, v2  }
0x116: {  	v36 =	vbroadcast v36, $0x0  }
0x117: {  	[tilespmem:v52+s19+$0x0] =	vst.idx.msk $0xffff, v34  }
0x118: {  	v54 =	vadd.s32 v6, v36;
	v34 =	vld [tilespmem:s6+$0xFFFFFE80];
	_ =	sdelay $0x4  }
0x119: {  	[tilespmem:v54+s19+$0x0] =	vst.idx.msk $0xffff, v34  }
0x11a: {  	v55 =	vadd.s32 v7, v36;
	v34 =	vld [tilespmem:s6+$0xFFFFFE90];
	_ =	sdelay $0x4  }
0x11b: {  	[tilespmem:v55+s19+$0x0] =	vst.idx.msk $0xffff, v34  }
0x11c: {  	v56 =	vadd.s32 v8, v36;
	v34 =	vld [tilespmem:s6+$0xFFFFFEA0];
	_ =	sdelay $0x4  }
0x11d: {  	[tilespmem:v56+s19+$0x0] =	vst.idx.msk $0xffff, v34  }
0x11e: {  	s16 =	sadd.s32 $0x2, s14;
	v57 =	vadd.s32 v9, v36;
	v34 =	vld [tilespmem:s6+$0xFFFFFEB0]  }
0x11f: {  	v58 =	vmov s16  }
0x120: {  	v36 =	vshrl.u32 v58, $0x3  }
0x121: {  	v36 =	vshll.u32 v36, v2  }
0x122: {  	v36 =	vbroadcast v36, $0x0  }
0x123: {  	[tilespmem:v57+s19+$0x0] =	vst.idx.msk $0xffff, v34  }
0x124: {  	v59 =	vadd.s32 v10, v36;
	v34 =	vld [tilespmem:s6+$0xFFFFFF00];
	_ =	sdelay $0x4  }
0x125: {  	[tilespmem:v59+s19+$0x0] =	vst.idx.msk $0xffff, v34  }
0x126: {  	v60 =	vadd.s32 v11, v36;
	v34 =	vld [tilespmem:s6+$0xFFFFFF10];
	_ =	sdelay $0x4  }
0x127: {  	[tilespmem:v60+s19+$0x0] =	vst.idx.msk $0xffff, v34  }
0x128: {  	v61 =	vadd.s32 v12, v36;
	v34 =	vld [tilespmem:s6+$0xFFFFFF20];
	_ =	sdelay $0x4  }
0x129: {  	[tilespmem:v61+s19+$0x0] =	vst.idx.msk $0xffff, v34  }
0x12a: {  	s7 =	sadd.s32 $0x3, s14;
	v62 =	vadd.s32 v13, v36;
	v34 =	vld [tilespmem:s6+$0xFFFFFF30]  }
0x12b: {  	v63 =	vmov s7  }
0x12c: {  	v36 =	vshrl.u32 v63, $0x3  }
0x12d: {  	v36 =	vshll.u32 v36, v2  }
0x12e: {  	v36 =	vbroadcast v36, $0x0  }
0x12f: {  	[tilespmem:v62+s19+$0x0] =	vst.idx.msk $0xffff, v34  }
0x130: {  	v40 =	vadd.s32 v14, v36;
	v34 =	vld [tilespmem:s6+$0xFFFFFF80];
	_ =	sdelay $0x4  }
0x131: {  	[tilespmem:v40+s19+$0x0] =	vst.idx.msk $0xffff, v34  }
0x132: {  	v41 =	vadd.s32 v15, v36;
	v34 =	vld [tilespmem:s6+$0xFFFFFF90];
	_ =	sdelay $0x4  }
0x133: {  	[tilespmem:v41+s19+$0x0] =	vst.idx.msk $0xffff, v34  }
0x134: {  	v42 =	vadd.s32 v16, v36;
	v34 =	vld [tilespmem:s6+$0xFFFFFFA0];
	_ =	sdelay $0x4  }
0x135: {  	[tilespmem:v42+s19+$0x0] =	vst.idx.msk $0xffff, v34  }
0x136: {  	s16 =	sadd.s32 $0x4, s14;
	v43 =	vadd.s32 v17, v36;
	v34 =	vld [tilespmem:s6+$0xFFFFFFB0]  }
0x137: {  	v44 =	vmov s16  }
0x138: {  	v36 =	vshrl.u32 v44, $0x3  }
0x139: {  	v36 =	vshll.u32 v36, v2  }
0x13a: {  	v36 =	vbroadcast v36, $0x0  }
0x13b: {  	[tilespmem:v43+s19+$0x0] =	vst.idx.msk $0xffff, v34  }
0x13c: {  	v45 =	vadd.s32 v18, v36;
	v34 =	vld [tilespmem:s6+$0x0];
	_ =	sdelay $0x4  }
0x13d: {  	[tilespmem:v45+s19+$0x0] =	vst.idx.msk $0xffff, v34  }
0x13e: {  	v46 =	vadd.s32 v19, v36;
	v34 =	vld [tilespmem:s6+$0x10];
	_ =	sdelay $0x4  }
0x13f: {  	[tilespmem:v46+s19+$0x0] =	vst.idx.msk $0xffff, v34  }
0x140: {  	v47 =	vadd.s32 v20, v36;
	v34 =	vld [tilespmem:s6+$0x20];
	_ =	sdelay $0x4  }
0x141: {  	[tilespmem:v47+s19+$0x0] =	vst.idx.msk $0xffff, v34  }
0x142: {  	s7 =	sadd.s32 $0x5, s14;
	v48 =	vadd.s32 v21, v36;
	v34 =	vld [tilespmem:s6+$0x30]  }
0x143: {  	v49 =	vmov s7  }
0x144: {  	v36 =	vshrl.u32 v49, $0x3  }
0x145: {  	v36 =	vshll.u32 v36, v2  }
0x146: {  	v36 =	vbroadcast v36, $0x0  }
0x147: {  	[tilespmem:v48+s19+$0x0] =	vst.idx.msk $0xffff, v34  }
0x148: {  	v50 =	vadd.s32 v22, v36;
	v34 =	vld [tilespmem:s6+$0x80];
	_ =	sdelay $0x4  }
0x149: {  	[tilespmem:v50+s19+$0x0] =	vst.idx.msk $0xffff, v34  }
0x14a: {  	v51 =	vadd.s32 v23, v36;
	v34 =	vld [tilespmem:s6+$0x90];
	_ =	sdelay $0x4  }
0x14b: {  	[tilespmem:v51+s19+$0x0] =	vst.idx.msk $0xffff, v34  }
0x14c: {  	v52 =	vadd.s32 v24, v36;
	v34 =	vld [tilespmem:s6+$0xA0];
	_ =	sdelay $0x4  }
0x14d: {  	[tilespmem:v52+s19+$0x0] =	vst.idx.msk $0xffff, v34  }
0x14e: {  	s16 =	sadd.s32 $0x6, s14;
	v53 =	vadd.s32 v25, v36;
	v34 =	vld [tilespmem:s6+$0xB0]  }
0x14f: {  	v54 =	vmov s16  }
0x150: {  	v36 =	vshrl.u32 v54, $0x3  }
0x151: {  	v36 =	vshll.u32 v36, v2  }
0x152: {  	v36 =	vbroadcast v36, $0x0  }
0x153: {  	[tilespmem:v53+s19+$0x0] =	vst.idx.msk $0xffff, v34  }
0x154: {  	v55 =	vadd.s32 v26, v36;
	v34 =	vld [tilespmem:s6+$0x100];
	_ =	sdelay $0x4  }
0x155: {  	[tilespmem:v55+s19+$0x0] =	vst.idx.msk $0xffff, v34  }
0x156: {  	v56 =	vadd.s32 v27, v36;
	v34 =	vld [tilespmem:s6+$0x110];
	_ =	sdelay $0x4  }
0x157: {  	[tilespmem:v56+s19+$0x0] =	vst.idx.msk $0xffff, v34  }
0x158: {  	v57 =	vadd.s32 v28, v36;
	v34 =	vld [tilespmem:s6+$0x120];
	_ =	sdelay $0x4  }
0x159: {  	[tilespmem:v57+s19+$0x0] =	vst.idx.msk $0xffff, v34  }
0x15a: {  	s7 =	sadd.s32 $0x7, s14;
	v58 =	vadd.s32 v29, v36;
	v34 =	vld [tilespmem:s6+$0x130]  }
0x15b: {  	v59 =	vmov s7  }
0x15c: {  	v36 =	vshrl.u32 v59, $0x3  }
0x15d: {  	v36 =	vshll.u32 v36, v2  }
0x15e: {  	v36 =	vbroadcast v36, $0x0  }
0x15f: {  	[tilespmem:v58+s19+$0x0] =	vst.idx.msk $0xffff, v34  }
0x160: {  	v60 =	vadd.s32 v30, v36;
	v34 =	vld [tilespmem:s6+$0x180];
	_ =	sdelay $0x4  }
0x161: {  	[tilespmem:v60+s19+$0x0] =	vst.idx.msk $0xffff, v34  }
0x162: {  	v61 =	vadd.s32 v31, v36;
	v34 =	vld [tilespmem:s6+$0x190];
	_ =	sdelay $0x4  }
0x163: {  	[tilespmem:v61+s19+$0x0] =	vst.idx.msk $0xffff, v34  }
0x164: {  	v62 =	vadd.s32 v32, v36;
	v34 =	vld [tilespmem:s6+$0x1A0];
	_ =	sdelay $0x4  }
0x165: {  	[tilespmem:v62+s19+$0x0] =	vst.idx.msk $0xffff, v34  }
0x166: {  	v63 =	vadd.s32 v33, v36;
	v34 =	vld [tilespmem:s6+$0x1B0];
	_ =	sdelay $0x1  }
0x167: {  	s14 =	sshll.u32 s1, $0x14  }
0x168: {  	s6 =	sor.u32 s5, s14  }
0x169: {  	s12 =	sshrl.u32 s6, $0x3  }
0x16a: {  	s16 =	simm.s32 $0x6800;
	s14 =	simm.s32 $0x220;
	s6 =	sadd.s32 s4, s12;
	[tilespmem:v63+s19+$0x0] =	vst.idx.msk $0xffff, v34  }
0x16b: {  	[hbm4b:s6+s2] =	stream.linear.scatter [tilespmem:s16], [sflag:$0x1], $0x80, $0x38;
	[tilespmem:$0x1F000] =	vst v63  }
.LBB2_7:
0x16c: {  	p1 =	sne.s32 s14, $0x85E0  }
.Ltmp4:
0x16d: {  	_ = 	snop;
	(pc) =	sbr.rel @p1 .LBB2_7-.Ltmp4, $4  }
0x16e: {  	_ = 	snop  }
0x16f: {  	s16 =	sshra.s32 s14, $0x2;
	s14 =	sadd.s32 $0x220, s14  }
0x170: {  	s6 =	sadd.s32 $0x800, s6;
	s16 =	sadd.s32 $0x6800, s16  }
0x171: {  	[hbm4b:s6+s2] =	stream.linear.scatter [tilespmem:s16], [sflag:$0x1], $0x80, $0x38;
	[tilespmem:$0x1F000] =	vst v63  }
0x172: {  	p1 =	sne.s32 s1, $0x19  }
.Ltmp5:
0x173: {  	_ = 	snop;
	(pc) =	sbr.rel @p1 .LBB2_10-.Ltmp5, $1  }
0x174: {  	_ =	sdelay $0x3  }
.Ltmp6:
0x175: {  	(pc) =	sbr.rel .LBB2_11-.Ltmp6, $4  }
0x176: {  	_ = 	snop  }
0x177: {  	_ =	swait.ge [sflag:s20], $0x4000  }
0x178: {  	[sflag:s20] =	ssyncset.done $0x0  }
0x179: {  	[sflag:s20] =	ssyncadd.s32 $0xFFFFC000  }
.LBB2_10:
0x17a: {  	s6 =	sshrl.u32 s10, $0x2  }
.Ltmp7:
0x17b: {  	s6 =	sadd.s32 $0x3600, s6;
	(pc) =	sbr.rel @p0 .LBB2_12-.Ltmp7, $4  }
0x17c: {  	[tilespmem:s11], [sflag:$0x5] =	stream.indirect.gather [hbm4b:s3+s9], $0x80, s6, s9, $0xb8;
	[tilespmem:$0x1F000] =	vst v63  }
0x17d: {  	_ =	swait.ge [sflag:s20], $0x4000  }
0x17e: {  	[sflag:s20] =	ssyncset.done $0x0  }
0x17f: {  	[sflag:s20] =	ssyncadd.s32 $0xFFFFC000  }
.LBB2_11:
0x180: {  	_ =	swait.ge [sflag:s21], $0x2000  }
0x181: {  	[sflag:s21] =	ssyncset.done $0x0  }
0x182: {  	[sflag:s21] =	ssyncadd.s32 $0xFFFFE000  }
.LBB2_12:
0x183: {  	s6 =	simm.s32 $0x0  }
0x184: {  	v34 =	vmov s6  }
0x185: {  	v34 =	vshrl.u32 v34, $0x3  }
0x186: {  	v34 =	vshll.u32 v34, v2  }
0x187: {  	v34 =	vbroadcast v34, $0x0  }
0x188: {  	s14 =	simm.s32 $0x13200  }
0x189: {  	v35 =	vld [tilespmem:s14+$0xFFFFFE00];
	v36 =	vadd.s32 v1, v34;
	_ =	sdelay $0x4  }
0x18a: {  	[tilespmem:v36+s22+$0x0] =	vst.idx.msk $0xffff, v35  }
0x18b: {  	v52 =	vadd.s32 v3, v34;
	v35 =	vld [tilespmem:s14+$0xFFFFFE10];
	_ =	sdelay $0x4  }
0x18c: {  	[tilespmem:v52+s22+$0x0] =	vst.idx.msk $0xffff, v35  }
0x18d: {  	v53 =	vadd.s32 v4, v34;
	v35 =	vld [tilespmem:s14+$0xFFFFFE20];
	_ =	sdelay $0x4  }
0x18e: {  	[tilespmem:v53+s22+$0x0] =	vst.idx.msk $0xffff, v35  }
0x18f: {  	s16 =	simm.s32 $0x1;
	v34 =	vadd.s32 v5, v34;
	v35 =	vld [tilespmem:s14+$0xFFFFFE30]  }
0x190: {  	v54 =	vmov s16  }
0x191: {  	v36 =	vshrl.u32 v54, $0x3  }
0x192: {  	v36 =	vshll.u32 v36, v2  }
0x193: {  	v36 =	vbroadcast v36, $0x0  }
0x194: {  	[tilespmem:v34+s22+$0x0] =	vst.idx.msk $0xffff, v35  }
0x195: {  	v55 =	vadd.s32 v6, v36;
	v34 =	vld [tilespmem:s14+$0xFFFFFE80];
	_ =	sdelay $0x4  }
0x196: {  	[tilespmem:v55+s22+$0x0] =	vst.idx.msk $0xffff, v34  }
0x197: {  	v56 =	vadd.s32 v7, v36;
	v34 =	vld [tilespmem:s14+$0xFFFFFE90];
	_ =	sdelay $0x4  }
0x198: {  	[tilespmem:v56+s22+$0x0] =	vst.idx.msk $0xffff, v34  }
0x199: {  	v57 =	vadd.s32 v8, v36;
	v34 =	vld [tilespmem:s14+$0xFFFFFEA0];
	_ =	sdelay $0x4  }
0x19a: {  	[tilespmem:v57+s22+$0x0] =	vst.idx.msk $0xffff, v34  }
0x19b: {  	s7 =	simm.s32 $0x2;
	v58 =	vadd.s32 v9, v36;
	v34 =	vld [tilespmem:s14+$0xFFFFFEB0]  }
0x19c: {  	v59 =	vmov s7  }
0x19d: {  	v36 =	vshrl.u32 v59, $0x3  }
0x19e: {  	v36 =	vshll.u32 v36, v2  }
0x19f: {  	v36 =	vbroadcast v36, $0x0  }
0x1a0: {  	[tilespmem:v58+s22+$0x0] =	vst.idx.msk $0xffff, v34  }
0x1a1: {  	v60 =	vadd.s32 v10, v36;
	v34 =	vld [tilespmem:s14+$0xFFFFFF00];
	_ =	sdelay $0x4  }
0x1a2: {  	[tilespmem:v60+s22+$0x0] =	vst.idx.msk $0xffff, v34  }
0x1a3: {  	v61 =	vadd.s32 v11, v36;
	v34 =	vld [tilespmem:s14+$0xFFFFFF10];
	_ =	sdelay $0x4  }
0x1a4: {  	[tilespmem:v61+s22+$0x0] =	vst.idx.msk $0xffff, v34  }
0x1a5: {  	v62 =	vadd.s32 v12, v36;
	v34 =	vld [tilespmem:s14+$0xFFFFFF20];
	_ =	sdelay $0x4  }
0x1a6: {  	[tilespmem:v62+s22+$0x0] =	vst.idx.msk $0xffff, v34  }
0x1a7: {  	s16 =	simm.s32 $0x3;
	v63 =	vadd.s32 v13, v36;
	v34 =	vld [tilespmem:s14+$0xFFFFFF30]  }
0x1a8: {  	v40 =	vmov s16  }
0x1a9: {  	v36 =	vshrl.u32 v40, $0x3  }
0x1aa: {  	v36 =	vshll.u32 v36, v2  }
0x1ab: {  	v36 =	vbroadcast v36, $0x0  }
0x1ac: {  	[tilespmem:v63+s22+$0x0] =	vst.idx.msk $0xffff, v34  }
0x1ad: {  	v41 =	vadd.s32 v14, v36;
	v34 =	vld [tilespmem:s14+$0xFFFFFF80];
	_ =	sdelay $0x4  }
0x1ae: {  	[tilespmem:v41+s22+$0x0] =	vst.idx.msk $0xffff, v34  }
0x1af: {  	v42 =	vadd.s32 v15, v36;
	v34 =	vld [tilespmem:s14+$0xFFFFFF90];
	_ =	sdelay $0x4  }
0x1b0: {  	[tilespmem:v42+s22+$0x0] =	vst.idx.msk $0xffff, v34  }
0x1b1: {  	v43 =	vadd.s32 v16, v36;
	v34 =	vld [tilespmem:s14+$0xFFFFFFA0];
	_ =	sdelay $0x4  }
0x1b2: {  	[tilespmem:v43+s22+$0x0] =	vst.idx.msk $0xffff, v34  }
0x1b3: {  	s7 =	simm.s32 $0x4;
	v44 =	vadd.s32 v17, v36;
	v34 =	vld [tilespmem:s14+$0xFFFFFFB0]  }
0x1b4: {  	v45 =	vmov s7  }
0x1b5: {  	v36 =	vshrl.u32 v45, $0x3  }
0x1b6: {  	v36 =	vshll.u32 v36, v2  }
0x1b7: {  	v36 =	vbroadcast v36, $0x0  }
0x1b8: {  	[tilespmem:v44+s22+$0x0] =	vst.idx.msk $0xffff, v34  }
0x1b9: {  	v46 =	vadd.s32 v18, v36;
	v34 =	vld [tilespmem:s14+$0x0];
	_ =	sdelay $0x4  }
0x1ba: {  	[tilespmem:v46+s22+$0x0] =	vst.idx.msk $0xffff, v34  }
0x1bb: {  	v47 =	vadd.s32 v19, v36;
	v34 =	vld [tilespmem:s14+$0x10];
	_ =	sdelay $0x4  }
0x1bc: {  	[tilespmem:v47+s22+$0x0] =	vst.idx.msk $0xffff, v34  }
0x1bd: {  	v48 =	vadd.s32 v20, v36;
	v34 =	vld [tilespmem:s14+$0x20];
	_ =	sdelay $0x4  }
0x1be: {  	[tilespmem:v48+s22+$0x0] =	vst.idx.msk $0xffff, v34  }
0x1bf: {  	s16 =	simm.s32 $0x5;
	v49 =	vadd.s32 v21, v36;
	v34 =	vld [tilespmem:s14+$0x30]  }
0x1c0: {  	v50 =	vmov s16  }
0x1c1: {  	v36 =	vshrl.u32 v50, $0x3  }
0x1c2: {  	v36 =	vshll.u32 v36, v2  }
0x1c3: {  	v36 =	vbroadcast v36, $0x0  }
0x1c4: {  	[tilespmem:v49+s22+$0x0] =	vst.idx.msk $0xffff, v34  }
0x1c5: {  	v51 =	vadd.s32 v22, v36;
	v34 =	vld [tilespmem:s14+$0x80];
	_ =	sdelay $0x4  }
0x1c6: {  	[tilespmem:v51+s22+$0x0] =	vst.idx.msk $0xffff, v34  }
0x1c7: {  	v52 =	vadd.s32 v23, v36;
	v34 =	vld [tilespmem:s14+$0x90];
	_ =	sdelay $0x4  }
0x1c8: {  	[tilespmem:v52+s22+$0x0] =	vst.idx.msk $0xffff, v34  }
0x1c9: {  	v53 =	vadd.s32 v24, v36;
	v34 =	vld [tilespmem:s14+$0xA0];
	_ =	sdelay $0x4  }
0x1ca: {  	[tilespmem:v53+s22+$0x0] =	vst.idx.msk $0xffff, v34  }
0x1cb: {  	s7 =	simm.s32 $0x6;
	v54 =	vadd.s32 v25, v36;
	v34 =	vld [tilespmem:s14+$0xB0]  }
0x1cc: {  	v55 =	vmov s7  }
0x1cd: {  	v36 =	vshrl.u32 v55, $0x3  }
0x1ce: {  	v36 =	vshll.u32 v36, v2  }
0x1cf: {  	v36 =	vbroadcast v36, $0x0  }
0x1d0: {  	[tilespmem:v54+s22+$0x0] =	vst.idx.msk $0xffff, v34  }
0x1d1: {  	v56 =	vadd.s32 v26, v36;
	v34 =	vld [tilespmem:s14+$0x100];
	_ =	sdelay $0x4  }
0x1d2: {  	[tilespmem:v56+s22+$0x0] =	vst.idx.msk $0xffff, v34  }
0x1d3: {  	v57 =	vadd.s32 v27, v36;
	v34 =	vld [tilespmem:s14+$0x110];
	_ =	sdelay $0x4  }
0x1d4: {  	[tilespmem:v57+s22+$0x0] =	vst.idx.msk $0xffff, v34  }
0x1d5: {  	v58 =	vadd.s32 v28, v36;
	v34 =	vld [tilespmem:s14+$0x120];
	_ =	sdelay $0x4  }
0x1d6: {  	[tilespmem:v58+s22+$0x0] =	vst.idx.msk $0xffff, v34  }
0x1d7: {  	s16 =	simm.s32 $0x7;
	v59 =	vadd.s32 v29, v36;
	v34 =	vld [tilespmem:s14+$0x130]  }
0x1d8: {  	v60 =	vmov s16  }
0x1d9: {  	v36 =	vshrl.u32 v60, $0x3  }
0x1da: {  	v36 =	vshll.u32 v36, v2  }
0x1db: {  	v36 =	vbroadcast v36, $0x0  }
0x1dc: {  	[tilespmem:v59+s22+$0x0] =	vst.idx.msk $0xffff, v34  }
0x1dd: {  	v61 =	vadd.s32 v30, v36;
	v34 =	vld [tilespmem:s14+$0x180];
	_ =	sdelay $0x4  }
0x1de: {  	[tilespmem:v61+s22+$0x0] =	vst.idx.msk $0xffff, v34  }
0x1df: {  	v62 =	vadd.s32 v31, v36;
	v34 =	vld [tilespmem:s14+$0x190];
	_ =	sdelay $0x4  }
0x1e0: {  	[tilespmem:v62+s22+$0x0] =	vst.idx.msk $0xffff, v34  }
0x1e1: {  	v63 =	vadd.s32 v32, v36;
	v34 =	vld [tilespmem:s14+$0x1A0];
	_ =	sdelay $0x4  }
0x1e2: {  	[tilespmem:v63+s22+$0x0] =	vst.idx.msk $0xffff, v34  }
0x1e3: {  	s16 =	simm.s32 $0x8;
	v35 =	vadd.s32 v33, v36;
	v34 =	vld [tilespmem:s14+$0x1B0]  }
0x1e4: {  	s6 =	simm.s32 $0x10;
	v36 =	vmov s16  }
.LBB2_13:
0x1e5: {  	p2 =	slt.u32 s6, $0x78;
	v36 =	vshrl.u32 v36, $0x3  }
0x1e6: {  	v36 =	vshll.u32 v36, v2  }
0x1e7: {  	v36 =	vbroadcast v36, $0x0  }
0x1e8: {  	s14 =	sadd.s32 $0x400, s14;
	[tilespmem:v35+s22+$0x0] =	vst.idx.msk $0xffff, v34  }
0x1e9: {  	v34 =	vld [tilespmem:s14+$0xFFFFFE00];
	v35 =	vadd.s32 v1, v36;
	_ =	sdelay $0x4  }
0x1ea: {  	[tilespmem:v35+s22+$0x0] =	vst.idx.msk $0xffff, v34  }
0x1eb: {  	v35 =	vadd.s32 v3, v36;
	v34 =	vld [tilespmem:s14+$0xFFFFFE10];
	_ =	sdelay $0x4  }
0x1ec: {  	[tilespmem:v35+s22+$0x0] =	vst.idx.msk $0xffff, v34  }
0x1ed: {  	v35 =	vadd.s32 v4, v36;
	v34 =	vld [tilespmem:s14+$0xFFFFFE20];
	_ =	sdelay $0x4  }
0x1ee: {  	[tilespmem:v35+s22+$0x0] =	vst.idx.msk $0xffff, v34  }
0x1ef: {  	s7 =	sadd.s32 $0x1, s16;
	v35 =	vadd.s32 v5, v36;
	v34 =	vld [tilespmem:s14+$0xFFFFFE30]  }
0x1f0: {  	v36 =	vmov s7  }
0x1f1: {  	v36 =	vshrl.u32 v36, $0x3  }
0x1f2: {  	v36 =	vshll.u32 v36, v2  }
0x1f3: {  	v36 =	vbroadcast v36, $0x0  }
0x1f4: {  	[tilespmem:v35+s22+$0x0] =	vst.idx.msk $0xffff, v34  }
0x1f5: {  	v35 =	vadd.s32 v6, v36;
	v34 =	vld [tilespmem:s14+$0xFFFFFE80];
	_ =	sdelay $0x4  }
0x1f6: {  	[tilespmem:v35+s22+$0x0] =	vst.idx.msk $0xffff, v34  }
0x1f7: {  	v35 =	vadd.s32 v7, v36;
	v34 =	vld [tilespmem:s14+$0xFFFFFE90];
	_ =	sdelay $0x4  }
0x1f8: {  	[tilespmem:v35+s22+$0x0] =	vst.idx.msk $0xffff, v34  }
0x1f9: {  	v35 =	vadd.s32 v8, v36;
	v34 =	vld [tilespmem:s14+$0xFFFFFEA0];
	_ =	sdelay $0x4  }
0x1fa: {  	[tilespmem:v35+s22+$0x0] =	vst.idx.msk $0xffff, v34  }
0x1fb: {  	s7 =	sadd.s32 $0x2, s16;
	v35 =	vadd.s32 v9, v36;
	v34 =	vld [tilespmem:s14+$0xFFFFFEB0]  }
0x1fc: {  	v36 =	vmov s7  }
0x1fd: {  	v36 =	vshrl.u32 v36, $0x3  }
0x1fe: {  	v36 =	vshll.u32 v36, v2  }
0x1ff: {  	v36 =	vbroadcast v36, $0x0  }
0x200: {  	[tilespmem:v35+s22+$0x0] =	vst.idx.msk $0xffff, v34  }
0x201: {  	v35 =	vadd.s32 v10, v36;
	v34 =	vld [tilespmem:s14+$0xFFFFFF00];
	_ =	sdelay $0x4  }
0x202: {  	[tilespmem:v35+s22+$0x0] =	vst.idx.msk $0xffff, v34  }
0x203: {  	v35 =	vadd.s32 v11, v36;
	v34 =	vld [tilespmem:s14+$0xFFFFFF10];
	_ =	sdelay $0x4  }
0x204: {  	[tilespmem:v35+s22+$0x0] =	vst.idx.msk $0xffff, v34  }
0x205: {  	v35 =	vadd.s32 v12, v36;
	v34 =	vld [tilespmem:s14+$0xFFFFFF20];
	_ =	sdelay $0x4  }
0x206: {  	[tilespmem:v35+s22+$0x0] =	vst.idx.msk $0xffff, v34  }
0x207: {  	s7 =	sadd.s32 $0x3, s16;
	v35 =	vadd.s32 v13, v36;
	v34 =	vld [tilespmem:s14+$0xFFFFFF30]  }
0x208: {  	v36 =	vmov s7  }
0x209: {  	v36 =	vshrl.u32 v36, $0x3  }
0x20a: {  	v36 =	vshll.u32 v36, v2  }
0x20b: {  	v36 =	vbroadcast v36, $0x0  }
0x20c: {  	[tilespmem:v35+s22+$0x0] =	vst.idx.msk $0xffff, v34  }
0x20d: {  	v35 =	vadd.s32 v14, v36;
	v34 =	vld [tilespmem:s14+$0xFFFFFF80];
	_ =	sdelay $0x4  }
0x20e: {  	[tilespmem:v35+s22+$0x0] =	vst.idx.msk $0xffff, v34  }
0x20f: {  	v35 =	vadd.s32 v15, v36;
	v34 =	vld [tilespmem:s14+$0xFFFFFF90];
	_ =	sdelay $0x4  }
0x210: {  	[tilespmem:v35+s22+$0x0] =	vst.idx.msk $0xffff, v34  }
0x211: {  	v35 =	vadd.s32 v16, v36;
	v34 =	vld [tilespmem:s14+$0xFFFFFFA0];
	_ =	sdelay $0x4  }
0x212: {  	[tilespmem:v35+s22+$0x0] =	vst.idx.msk $0xffff, v34  }
0x213: {  	s7 =	sadd.s32 $0x4, s16;
	v35 =	vadd.s32 v17, v36;
	v34 =	vld [tilespmem:s14+$0xFFFFFFB0]  }
0x214: {  	v36 =	vmov s7  }
0x215: {  	v36 =	vshrl.u32 v36, $0x3  }
0x216: {  	v36 =	vshll.u32 v36, v2  }
0x217: {  	v36 =	vbroadcast v36, $0x0  }
0x218: {  	[tilespmem:v35+s22+$0x0] =	vst.idx.msk $0xffff, v34  }
0x219: {  	v35 =	vadd.s32 v18, v36;
	v34 =	vld [tilespmem:s14+$0x0];
	_ =	sdelay $0x4  }
0x21a: {  	[tilespmem:v35+s22+$0x0] =	vst.idx.msk $0xffff, v34  }
0x21b: {  	v35 =	vadd.s32 v19, v36;
	v34 =	vld [tilespmem:s14+$0x10];
	_ =	sdelay $0x4  }
0x21c: {  	[tilespmem:v35+s22+$0x0] =	vst.idx.msk $0xffff, v34  }
0x21d: {  	v35 =	vadd.s32 v20, v36;
	v34 =	vld [tilespmem:s14+$0x20];
	_ =	sdelay $0x4  }
0x21e: {  	[tilespmem:v35+s22+$0x0] =	vst.idx.msk $0xffff, v34  }
0x21f: {  	s7 =	sadd.s32 $0x5, s16;
	v35 =	vadd.s32 v21, v36;
	v34 =	vld [tilespmem:s14+$0x30]  }
0x220: {  	v36 =	vmov s7  }
0x221: {  	v36 =	vshrl.u32 v36, $0x3  }
0x222: {  	v36 =	vshll.u32 v36, v2  }
0x223: {  	v36 =	vbroadcast v36, $0x0  }
0x224: {  	[tilespmem:v35+s22+$0x0] =	vst.idx.msk $0xffff, v34  }
0x225: {  	v35 =	vadd.s32 v22, v36;
	v34 =	vld [tilespmem:s14+$0x80];
	_ =	sdelay $0x4  }
0x226: {  	[tilespmem:v35+s22+$0x0] =	vst.idx.msk $0xffff, v34  }
0x227: {  	v35 =	vadd.s32 v23, v36;
	v34 =	vld [tilespmem:s14+$0x90];
	_ =	sdelay $0x4  }
0x228: {  	[tilespmem:v35+s22+$0x0] =	vst.idx.msk $0xffff, v34  }
0x229: {  	v35 =	vadd.s32 v24, v36;
	v34 =	vld [tilespmem:s14+$0xA0];
	_ =	sdelay $0x4  }
0x22a: {  	[tilespmem:v35+s22+$0x0] =	vst.idx.msk $0xffff, v34  }
0x22b: {  	s7 =	sadd.s32 $0x6, s16;
	v35 =	vadd.s32 v25, v36;
	v34 =	vld [tilespmem:s14+$0xB0]  }
0x22c: {  	v36 =	vmov s7  }
0x22d: {  	v36 =	vshrl.u32 v36, $0x3  }
0x22e: {  	v36 =	vshll.u32 v36, v2  }
0x22f: {  	v36 =	vbroadcast v36, $0x0  }
0x230: {  	[tilespmem:v35+s22+$0x0] =	vst.idx.msk $0xffff, v34  }
0x231: {  	v35 =	vadd.s32 v26, v36;
	v34 =	vld [tilespmem:s14+$0x100];
	_ =	sdelay $0x4  }
0x232: {  	[tilespmem:v35+s22+$0x0] =	vst.idx.msk $0xffff, v34  }
0x233: {  	v35 =	vadd.s32 v27, v36;
	v34 =	vld [tilespmem:s14+$0x110];
	_ =	sdelay $0x4  }
0x234: {  	[tilespmem:v35+s22+$0x0] =	vst.idx.msk $0xffff, v34  }
0x235: {  	v35 =	vadd.s32 v28, v36;
	v34 =	vld [tilespmem:s14+$0x120];
	_ =	sdelay $0x4  }
0x236: {  	[tilespmem:v35+s22+$0x0] =	vst.idx.msk $0xffff, v34  }
0x237: {  	s7 =	sadd.s32 $0x7, s16;
	s16 =	smov.u32 s6;
	v35 =	vadd.s32 v29, v36;
	v34 =	vld [tilespmem:s14+$0x130]  }
0x238: {  	v36 =	vmov s7  }
0x239: {  	v36 =	vshrl.u32 v36, $0x3  }
0x23a: {  	v36 =	vshll.u32 v36, v2  }
0x23b: {  	v36 =	vbroadcast v36, $0x0  }
0x23c: {  	[tilespmem:v35+s22+$0x0] =	vst.idx.msk $0xffff, v34  }
0x23d: {  	v35 =	vadd.s32 v30, v36;
	v34 =	vld [tilespmem:s14+$0x180];
	_ =	sdelay $0x4  }
0x23e: {  	[tilespmem:v35+s22+$0x0] =	vst.idx.msk $0xffff, v34  }
0x23f: {  	v35 =	vadd.s32 v31, v36;
	v34 =	vld [tilespmem:s14+$0x190];
	_ =	sdelay $0x4  }
0x240: {  	[tilespmem:v35+s22+$0x0] =	vst.idx.msk $0xffff, v34  }
0x241: {  	v35 =	vadd.s32 v32, v36;
	v34 =	vld [tilespmem:s14+$0x1A0];
	_ =	sdelay $0x2  }
.Ltmp8:
0x242: {  	(pc) =	sbr.rel @p2 .LBB2_13-.Ltmp8, $4  }
0x243: {  	_ = 	snop  }
0x244: {  	[tilespmem:v35+s22+$0x0] =	vst.idx.msk $0xffff, v34  }
0x245: {  	v35 =	vadd.s32 v33, v36;
	v34 =	vld [tilespmem:s14+$0x1B0]  }
0x246: {  	s6 =	sadd.s32 $0x8, s6;
	v36 =	vmov s16  }
0x247: {  	_ = 	snop  }
0x248: {  	v36 =	vshrl.u32 v36, $0x3  }
0x249: {  	v36 =	vshll.u32 v36, v2  }
0x24a: {  	v36 =	vbroadcast v36, $0x0  }
0x24b: {  	s6 =	sadd.s32 $0x400, s14;
	[tilespmem:v35+s22+$0x0] =	vst.idx.msk $0xffff, v34  }
0x24c: {  	v34 =	vld [tilespmem:s6+$0xFFFFFE00];
	v49 =	vadd.s32 v1, v36;
	_ =	sdelay $0x4  }
0x24d: {  	[tilespmem:v49+s22+$0x0] =	vst.idx.msk $0xffff, v34  }
0x24e: {  	v50 =	vadd.s32 v3, v36;
	v34 =	vld [tilespmem:s6+$0xFFFFFE10];
	_ =	sdelay $0x4  }
0x24f: {  	[tilespmem:v50+s22+$0x0] =	vst.idx.msk $0xffff, v34  }
0x250: {  	v51 =	vadd.s32 v4, v36;
	v34 =	vld [tilespmem:s6+$0xFFFFFE20];
	_ =	sdelay $0x4  }
0x251: {  	[tilespmem:v51+s22+$0x0] =	vst.idx.msk $0xffff, v34  }
0x252: {  	s7 =	sadd.s32 $0x1, s16;
	v52 =	vadd.s32 v5, v36;
	v34 =	vld [tilespmem:s6+$0xFFFFFE30]  }
0x253: {  	v53 =	vmov s7  }
0x254: {  	v36 =	vshrl.u32 v53, $0x3  }
0x255: {  	v36 =	vshll.u32 v36, v2  }
0x256: {  	v36 =	vbroadcast v36, $0x0  }
0x257: {  	[tilespmem:v52+s22+$0x0] =	vst.idx.msk $0xffff, v34  }
0x258: {  	v54 =	vadd.s32 v6, v36;
	v34 =	vld [tilespmem:s6+$0xFFFFFE80];
	_ =	sdelay $0x4  }
0x259: {  	[tilespmem:v54+s22+$0x0] =	vst.idx.msk $0xffff, v34  }
0x25a: {  	v55 =	vadd.s32 v7, v36;
	v34 =	vld [tilespmem:s6+$0xFFFFFE90];
	_ =	sdelay $0x4  }
0x25b: {  	[tilespmem:v55+s22+$0x0] =	vst.idx.msk $0xffff, v34  }
0x25c: {  	v56 =	vadd.s32 v8, v36;
	v34 =	vld [tilespmem:s6+$0xFFFFFEA0];
	_ =	sdelay $0x4  }
0x25d: {  	[tilespmem:v56+s22+$0x0] =	vst.idx.msk $0xffff, v34  }
0x25e: {  	s14 =	sadd.s32 $0x2, s16;
	v57 =	vadd.s32 v9, v36;
	v34 =	vld [tilespmem:s6+$0xFFFFFEB0]  }
0x25f: {  	v58 =	vmov s14  }
0x260: {  	v36 =	vshrl.u32 v58, $0x3  }
0x261: {  	v36 =	vshll.u32 v36, v2  }
0x262: {  	v36 =	vbroadcast v36, $0x0  }
0x263: {  	[tilespmem:v57+s22+$0x0] =	vst.idx.msk $0xffff, v34  }
0x264: {  	v59 =	vadd.s32 v10, v36;
	v34 =	vld [tilespmem:s6+$0xFFFFFF00];
	_ =	sdelay $0x4  }
0x265: {  	[tilespmem:v59+s22+$0x0] =	vst.idx.msk $0xffff, v34  }
0x266: {  	v60 =	vadd.s32 v11, v36;
	v34 =	vld [tilespmem:s6+$0xFFFFFF10];
	_ =	sdelay $0x4  }
0x267: {  	[tilespmem:v60+s22+$0x0] =	vst.idx.msk $0xffff, v34  }
0x268: {  	v61 =	vadd.s32 v12, v36;
	v34 =	vld [tilespmem:s6+$0xFFFFFF20];
	_ =	sdelay $0x4  }
0x269: {  	[tilespmem:v61+s22+$0x0] =	vst.idx.msk $0xffff, v34  }
0x26a: {  	s14 =	sadd.s32 $0x3, s16;
	v62 =	vadd.s32 v13, v36;
	v34 =	vld [tilespmem:s6+$0xFFFFFF30]  }
0x26b: {  	v63 =	vmov s14  }
0x26c: {  	v36 =	vshrl.u32 v63, $0x3  }
0x26d: {  	v36 =	vshll.u32 v36, v2  }
0x26e: {  	v36 =	vbroadcast v36, $0x0  }
0x26f: {  	[tilespmem:v62+s22+$0x0] =	vst.idx.msk $0xffff, v34  }
0x270: {  	v40 =	vadd.s32 v14, v36;
	v34 =	vld [tilespmem:s6+$0xFFFFFF80];
	_ =	sdelay $0x4  }
0x271: {  	[tilespmem:v40+s22+$0x0] =	vst.idx.msk $0xffff, v34  }
0x272: {  	v41 =	vadd.s32 v15, v36;
	v34 =	vld [tilespmem:s6+$0xFFFFFF90];
	_ =	sdelay $0x4  }
0x273: {  	[tilespmem:v41+s22+$0x0] =	vst.idx.msk $0xffff, v34  }
0x274: {  	v42 =	vadd.s32 v16, v36;
	v34 =	vld [tilespmem:s6+$0xFFFFFFA0];
	_ =	sdelay $0x4  }
0x275: {  	[tilespmem:v42+s22+$0x0] =	vst.idx.msk $0xffff, v34  }
0x276: {  	s14 =	sadd.s32 $0x4, s16;
	v43 =	vadd.s32 v17, v36;
	v34 =	vld [tilespmem:s6+$0xFFFFFFB0]  }
0x277: {  	v44 =	vmov s14  }
0x278: {  	v36 =	vshrl.u32 v44, $0x3  }
0x279: {  	v36 =	vshll.u32 v36, v2  }
0x27a: {  	v36 =	vbroadcast v36, $0x0  }
0x27b: {  	[tilespmem:v43+s22+$0x0] =	vst.idx.msk $0xffff, v34  }
0x27c: {  	v45 =	vadd.s32 v18, v36;
	v34 =	vld [tilespmem:s6+$0x0];
	_ =	sdelay $0x4  }
0x27d: {  	[tilespmem:v45+s22+$0x0] =	vst.idx.msk $0xffff, v34  }
0x27e: {  	v46 =	vadd.s32 v19, v36;
	v34 =	vld [tilespmem:s6+$0x10];
	_ =	sdelay $0x4  }
0x27f: {  	[tilespmem:v46+s22+$0x0] =	vst.idx.msk $0xffff, v34  }
0x280: {  	v47 =	vadd.s32 v20, v36;
	v34 =	vld [tilespmem:s6+$0x20];
	_ =	sdelay $0x4  }
0x281: {  	[tilespmem:v47+s22+$0x0] =	vst.idx.msk $0xffff, v34  }
0x282: {  	s14 =	sadd.s32 $0x5, s16;
	v48 =	vadd.s32 v21, v36;
	v34 =	vld [tilespmem:s6+$0x30]  }
0x283: {  	v49 =	vmov s14  }
0x284: {  	v36 =	vshrl.u32 v49, $0x3  }
0x285: {  	v36 =	vshll.u32 v36, v2  }
0x286: {  	v36 =	vbroadcast v36, $0x0  }
0x287: {  	[tilespmem:v48+s22+$0x0] =	vst.idx.msk $0xffff, v34  }
0x288: {  	v50 =	vadd.s32 v22, v36;
	v34 =	vld [tilespmem:s6+$0x80];
	_ =	sdelay $0x4  }
0x289: {  	[tilespmem:v50+s22+$0x0] =	vst.idx.msk $0xffff, v34  }
0x28a: {  	v51 =	vadd.s32 v23, v36;
	v34 =	vld [tilespmem:s6+$0x90];
	_ =	sdelay $0x4  }
0x28b: {  	[tilespmem:v51+s22+$0x0] =	vst.idx.msk $0xffff, v34  }
0x28c: {  	v52 =	vadd.s32 v24, v36;
	v34 =	vld [tilespmem:s6+$0xA0];
	_ =	sdelay $0x4  }
0x28d: {  	[tilespmem:v52+s22+$0x0] =	vst.idx.msk $0xffff, v34  }
0x28e: {  	s14 =	sadd.s32 $0x6, s16;
	v53 =	vadd.s32 v25, v36;
	v34 =	vld [tilespmem:s6+$0xB0]  }
0x28f: {  	v54 =	vmov s14  }
0x290: {  	v36 =	vshrl.u32 v54, $0x3  }
0x291: {  	v36 =	vshll.u32 v36, v2  }
0x292: {  	v36 =	vbroadcast v36, $0x0  }
0x293: {  	[tilespmem:v53+s22+$0x0] =	vst.idx.msk $0xffff, v34  }
0x294: {  	v55 =	vadd.s32 v26, v36;
	v34 =	vld [tilespmem:s6+$0x100];
	_ =	sdelay $0x4  }
0x295: {  	[tilespmem:v55+s22+$0x0] =	vst.idx.msk $0xffff, v34  }
0x296: {  	v56 =	vadd.s32 v27, v36;
	v34 =	vld [tilespmem:s6+$0x110];
	_ =	sdelay $0x4  }
0x297: {  	[tilespmem:v56+s22+$0x0] =	vst.idx.msk $0xffff, v34  }
0x298: {  	v57 =	vadd.s32 v28, v36;
	v34 =	vld [tilespmem:s6+$0x120];
	_ =	sdelay $0x4  }
0x299: {  	[tilespmem:v57+s22+$0x0] =	vst.idx.msk $0xffff, v34  }
0x29a: {  	s14 =	sadd.s32 $0x7, s16;
	v58 =	vadd.s32 v29, v36;
	v34 =	vld [tilespmem:s6+$0x130]  }
0x29b: {  	v59 =	vmov s14  }
0x29c: {  	v36 =	vshrl.u32 v59, $0x3  }
0x29d: {  	v36 =	vshll.u32 v36, v2  }
0x29e: {  	v36 =	vbroadcast v36, $0x0  }
0x29f: {  	[tilespmem:v58+s22+$0x0] =	vst.idx.msk $0xffff, v34  }
0x2a0: {  	v60 =	vadd.s32 v30, v36;
	v34 =	vld [tilespmem:s6+$0x180];
	_ =	sdelay $0x4  }
0x2a1: {  	[tilespmem:v60+s22+$0x0] =	vst.idx.msk $0xffff, v34  }
0x2a2: {  	v61 =	vadd.s32 v31, v36;
	v34 =	vld [tilespmem:s6+$0x190];
	_ =	sdelay $0x4  }
0x2a3: {  	[tilespmem:v61+s22+$0x0] =	vst.idx.msk $0xffff, v34  }
0x2a4: {  	v62 =	vadd.s32 v32, v36;
	v34 =	vld [tilespmem:s6+$0x1A0];
	_ =	sdelay $0x4  }
0x2a5: {  	[tilespmem:v62+s22+$0x0] =	vst.idx.msk $0xffff, v34  }
0x2a6: {  	v63 =	vadd.s32 v33, v36;
	v34 =	vld [tilespmem:s6+$0x1B0];
	_ =	sdelay $0x3  }
0x2a7: {  	s12 =	sadd.s32 s12, s4  }
0x2a8: {  	s16 =	simm.s32 $0x8A00;
	s14 =	simm.s32 $0x220;
	s6 =	sadd.s32 $0x10, s12;
	[tilespmem:v63+s22+$0x0] =	vst.idx.msk $0xffff, v34  }
0x2a9: {  	[hbm4b:s6+s2] =	stream.linear.scatter [tilespmem:s16], [sflag:$0x2], $0x80, $0x38;
	[tilespmem:$0x1F000] =	vst v63  }
.LBB2_15:
0x2aa: {  	p2 =	sne.s32 s14, $0x85E0  }
.Ltmp9:
0x2ab: {  	_ = 	snop;
	(pc) =	sbr.rel @p2 .LBB2_15-.Ltmp9, $4  }
0x2ac: {  	_ = 	snop  }
0x2ad: {  	s7 =	sshra.s32 s14, $0x2;
	s14 =	sadd.s32 $0x220, s14  }
0x2ae: {  	s6 =	sadd.s32 $0x800, s6;
	s7 =	sadd.s32 $0x8A00, s7  }
0x2af: {  	[hbm4b:s6+s2] =	stream.linear.scatter [tilespmem:s7], [sflag:$0x2], $0x80, $0x38;
	[tilespmem:$0x1F000] =	vst v63  }
.Ltmp10:
0x2b0: {  	(pc) =	sbr.rel @p1 .LBB2_18-.Ltmp10, $1  }
0x2b1: {  	_ =	sdelay $0x3  }
.Ltmp11:
0x2b2: {  	(pc) =	sbr.rel .LBB2_19-.Ltmp11, $4  }
0x2b3: {  	_ = 	snop  }
0x2b4: {  	_ =	swait.ge [sflag:s23], $0x4000  }
0x2b5: {  	[sflag:s23] =	ssyncset.done $0x0  }
0x2b6: {  	[sflag:s23] =	ssyncadd.s32 $0xFFFFC000  }
.LBB2_18:
0x2b7: {  	s6 =	sshrl.u32 s10, $0x2  }
.Ltmp12:
0x2b8: {  	s6 =	sadd.s32 $0x3680, s6;
	(pc) =	sbr.rel @p0 .LBB2_20-.Ltmp12, $4  }
0x2b9: {  	[tilespmem:s13], [sflag:$0x6] =	stream.indirect.gather [hbm4b:s3+s9], $0x80, s6, s9, $0xb8;
	[tilespmem:$0x1F000] =	vst v63  }
0x2ba: {  	_ =	swait.ge [sflag:s23], $0x4000  }
0x2bb: {  	[sflag:s23] =	ssyncset.done $0x0  }
0x2bc: {  	[sflag:s23] =	ssyncadd.s32 $0xFFFFC000  }
.LBB2_19:
0x2bd: {  	_ =	swait.ge [sflag:s24], $0x2000  }
0x2be: {  	[sflag:s24] =	ssyncset.done $0x0  }
0x2bf: {  	[sflag:s24] =	ssyncadd.s32 $0xFFFFE000  }
.LBB2_20:
0x2c0: {  	s6 =	simm.s32 $0x0  }
0x2c1: {  	v34 =	vmov s6  }
0x2c2: {  	v34 =	vshrl.u32 v34, $0x3  }
0x2c3: {  	v34 =	vshll.u32 v34, v2  }
0x2c4: {  	v34 =	vbroadcast v34, $0x0  }
0x2c5: {  	s14 =	simm.s32 $0x17200  }
0x2c6: {  	v35 =	vld [tilespmem:s14+$0xFFFFFE00];
	v36 =	vadd.s32 v1, v34;
	_ =	sdelay $0x4  }
0x2c7: {  	[tilespmem:v36+s25+$0x0] =	vst.idx.msk $0xffff, v35  }
0x2c8: {  	v52 =	vadd.s32 v3, v34;
	v35 =	vld [tilespmem:s14+$0xFFFFFE10];
	_ =	sdelay $0x4  }
0x2c9: {  	[tilespmem:v52+s25+$0x0] =	vst.idx.msk $0xffff, v35  }
0x2ca: {  	v53 =	vadd.s32 v4, v34;
	v35 =	vld [tilespmem:s14+$0xFFFFFE20];
	_ =	sdelay $0x4  }
0x2cb: {  	[tilespmem:v53+s25+$0x0] =	vst.idx.msk $0xffff, v35  }
0x2cc: {  	s16 =	simm.s32 $0x1;
	v34 =	vadd.s32 v5, v34;
	v35 =	vld [tilespmem:s14+$0xFFFFFE30]  }
0x2cd: {  	v54 =	vmov s16  }
0x2ce: {  	v36 =	vshrl.u32 v54, $0x3  }
0x2cf: {  	v36 =	vshll.u32 v36, v2  }
0x2d0: {  	v36 =	vbroadcast v36, $0x0  }
0x2d1: {  	[tilespmem:v34+s25+$0x0] =	vst.idx.msk $0xffff, v35  }
0x2d2: {  	v55 =	vadd.s32 v6, v36;
	v34 =	vld [tilespmem:s14+$0xFFFFFE80];
	_ =	sdelay $0x4  }
0x2d3: {  	[tilespmem:v55+s25+$0x0] =	vst.idx.msk $0xffff, v34  }
0x2d4: {  	v56 =	vadd.s32 v7, v36;
	v34 =	vld [tilespmem:s14+$0xFFFFFE90];
	_ =	sdelay $0x4  }
0x2d5: {  	[tilespmem:v56+s25+$0x0] =	vst.idx.msk $0xffff, v34  }
0x2d6: {  	v57 =	vadd.s32 v8, v36;
	v34 =	vld [tilespmem:s14+$0xFFFFFEA0];
	_ =	sdelay $0x4  }
0x2d7: {  	[tilespmem:v57+s25+$0x0] =	vst.idx.msk $0xffff, v34  }
0x2d8: {  	s7 =	simm.s32 $0x2;
	v58 =	vadd.s32 v9, v36;
	v34 =	vld [tilespmem:s14+$0xFFFFFEB0]  }
0x2d9: {  	v59 =	vmov s7  }
0x2da: {  	v36 =	vshrl.u32 v59, $0x3  }
0x2db: {  	v36 =	vshll.u32 v36, v2  }
0x2dc: {  	v36 =	vbroadcast v36, $0x0  }
0x2dd: {  	[tilespmem:v58+s25+$0x0] =	vst.idx.msk $0xffff, v34  }
0x2de: {  	v60 =	vadd.s32 v10, v36;
	v34 =	vld [tilespmem:s14+$0xFFFFFF00];
	_ =	sdelay $0x4  }
0x2df: {  	[tilespmem:v60+s25+$0x0] =	vst.idx.msk $0xffff, v34  }
0x2e0: {  	v61 =	vadd.s32 v11, v36;
	v34 =	vld [tilespmem:s14+$0xFFFFFF10];
	_ =	sdelay $0x4  }
0x2e1: {  	[tilespmem:v61+s25+$0x0] =	vst.idx.msk $0xffff, v34  }
0x2e2: {  	v62 =	vadd.s32 v12, v36;
	v34 =	vld [tilespmem:s14+$0xFFFFFF20];
	_ =	sdelay $0x4  }
0x2e3: {  	[tilespmem:v62+s25+$0x0] =	vst.idx.msk $0xffff, v34  }
0x2e4: {  	s16 =	simm.s32 $0x3;
	v63 =	vadd.s32 v13, v36;
	v34 =	vld [tilespmem:s14+$0xFFFFFF30]  }
0x2e5: {  	v40 =	vmov s16  }
0x2e6: {  	v36 =	vshrl.u32 v40, $0x3  }
0x2e7: {  	v36 =	vshll.u32 v36, v2  }
0x2e8: {  	v36 =	vbroadcast v36, $0x0  }
0x2e9: {  	[tilespmem:v63+s25+$0x0] =	vst.idx.msk $0xffff, v34  }
0x2ea: {  	v41 =	vadd.s32 v14, v36;
	v34 =	vld [tilespmem:s14+$0xFFFFFF80];
	_ =	sdelay $0x4  }
0x2eb: {  	[tilespmem:v41+s25+$0x0] =	vst.idx.msk $0xffff, v34  }
0x2ec: {  	v42 =	vadd.s32 v15, v36;
	v34 =	vld [tilespmem:s14+$0xFFFFFF90];
	_ =	sdelay $0x4  }
0x2ed: {  	[tilespmem:v42+s25+$0x0] =	vst.idx.msk $0xffff, v34  }
0x2ee: {  	v43 =	vadd.s32 v16, v36;
	v34 =	vld [tilespmem:s14+$0xFFFFFFA0];
	_ =	sdelay $0x4  }
0x2ef: {  	[tilespmem:v43+s25+$0x0] =	vst.idx.msk $0xffff, v34  }
0x2f0: {  	s7 =	simm.s32 $0x4;
	v44 =	vadd.s32 v17, v36;
	v34 =	vld [tilespmem:s14+$0xFFFFFFB0]  }
0x2f1: {  	v45 =	vmov s7  }
0x2f2: {  	v36 =	vshrl.u32 v45, $0x3  }
0x2f3: {  	v36 =	vshll.u32 v36, v2  }
0x2f4: {  	v36 =	vbroadcast v36, $0x0  }
0x2f5: {  	[tilespmem:v44+s25+$0x0] =	vst.idx.msk $0xffff, v34  }
0x2f6: {  	v46 =	vadd.s32 v18, v36;
	v34 =	vld [tilespmem:s14+$0x0];
	_ =	sdelay $0x4  }
0x2f7: {  	[tilespmem:v46+s25+$0x0] =	vst.idx.msk $0xffff, v34  }
0x2f8: {  	v47 =	vadd.s32 v19, v36;
	v34 =	vld [tilespmem:s14+$0x10];
	_ =	sdelay $0x4  }
0x2f9: {  	[tilespmem:v47+s25+$0x0] =	vst.idx.msk $0xffff, v34  }
0x2fa: {  	v48 =	vadd.s32 v20, v36;
	v34 =	vld [tilespmem:s14+$0x20];
	_ =	sdelay $0x4  }
0x2fb: {  	[tilespmem:v48+s25+$0x0] =	vst.idx.msk $0xffff, v34  }
0x2fc: {  	s16 =	simm.s32 $0x5;
	v49 =	vadd.s32 v21, v36;
	v34 =	vld [tilespmem:s14+$0x30]  }
0x2fd: {  	v50 =	vmov s16  }
0x2fe: {  	v36 =	vshrl.u32 v50, $0x3  }
0x2ff: {  	v36 =	vshll.u32 v36, v2  }
0x300: {  	v36 =	vbroadcast v36, $0x0  }
0x301: {  	[tilespmem:v49+s25+$0x0] =	vst.idx.msk $0xffff, v34  }
0x302: {  	v51 =	vadd.s32 v22, v36;
	v34 =	vld [tilespmem:s14+$0x80];
	_ =	sdelay $0x4  }
0x303: {  	[tilespmem:v51+s25+$0x0] =	vst.idx.msk $0xffff, v34  }
0x304: {  	v52 =	vadd.s32 v23, v36;
	v34 =	vld [tilespmem:s14+$0x90];
	_ =	sdelay $0x4  }
0x305: {  	[tilespmem:v52+s25+$0x0] =	vst.idx.msk $0xffff, v34  }
0x306: {  	v53 =	vadd.s32 v24, v36;
	v34 =	vld [tilespmem:s14+$0xA0];
	_ =	sdelay $0x4  }
0x307: {  	[tilespmem:v53+s25+$0x0] =	vst.idx.msk $0xffff, v34  }
0x308: {  	s7 =	simm.s32 $0x6;
	v54 =	vadd.s32 v25, v36;
	v34 =	vld [tilespmem:s14+$0xB0]  }
0x309: {  	v55 =	vmov s7  }
0x30a: {  	v36 =	vshrl.u32 v55, $0x3  }
0x30b: {  	v36 =	vshll.u32 v36, v2  }
0x30c: {  	v36 =	vbroadcast v36, $0x0  }
0x30d: {  	[tilespmem:v54+s25+$0x0] =	vst.idx.msk $0xffff, v34  }
0x30e: {  	v56 =	vadd.s32 v26, v36;
	v34 =	vld [tilespmem:s14+$0x100];
	_ =	sdelay $0x4  }
0x30f: {  	[tilespmem:v56+s25+$0x0] =	vst.idx.msk $0xffff, v34  }
0x310: {  	v57 =	vadd.s32 v27, v36;
	v34 =	vld [tilespmem:s14+$0x110];
	_ =	sdelay $0x4  }
0x311: {  	[tilespmem:v57+s25+$0x0] =	vst.idx.msk $0xffff, v34  }
0x312: {  	v58 =	vadd.s32 v28, v36;
	v34 =	vld [tilespmem:s14+$0x120];
	_ =	sdelay $0x4  }
0x313: {  	[tilespmem:v58+s25+$0x0] =	vst.idx.msk $0xffff, v34  }
0x314: {  	s16 =	simm.s32 $0x7;
	v59 =	vadd.s32 v29, v36;
	v34 =	vld [tilespmem:s14+$0x130]  }
0x315: {  	v60 =	vmov s16  }
0x316: {  	v36 =	vshrl.u32 v60, $0x3  }
0x317: {  	v36 =	vshll.u32 v36, v2  }
0x318: {  	v36 =	vbroadcast v36, $0x0  }
0x319: {  	[tilespmem:v59+s25+$0x0] =	vst.idx.msk $0xffff, v34  }
0x31a: {  	v61 =	vadd.s32 v30, v36;
	v34 =	vld [tilespmem:s14+$0x180];
	_ =	sdelay $0x4  }
0x31b: {  	[tilespmem:v61+s25+$0x0] =	vst.idx.msk $0xffff, v34  }
0x31c: {  	v62 =	vadd.s32 v31, v36;
	v34 =	vld [tilespmem:s14+$0x190];
	_ =	sdelay $0x4  }
0x31d: {  	[tilespmem:v62+s25+$0x0] =	vst.idx.msk $0xffff, v34  }
0x31e: {  	v63 =	vadd.s32 v32, v36;
	v34 =	vld [tilespmem:s14+$0x1A0];
	_ =	sdelay $0x4  }
0x31f: {  	[tilespmem:v63+s25+$0x0] =	vst.idx.msk $0xffff, v34  }
0x320: {  	s16 =	simm.s32 $0x8;
	v35 =	vadd.s32 v33, v36;
	v34 =	vld [tilespmem:s14+$0x1B0]  }
0x321: {  	s6 =	simm.s32 $0x10;
	v36 =	vmov s16  }
.LBB2_21:
0x322: {  	p2 =	slt.u32 s6, $0x78;
	v36 =	vshrl.u32 v36, $0x3  }
0x323: {  	v36 =	vshll.u32 v36, v2  }
0x324: {  	v36 =	vbroadcast v36, $0x0  }
0x325: {  	s14 =	sadd.s32 $0x400, s14;
	[tilespmem:v35+s25+$0x0] =	vst.idx.msk $0xffff, v34  }
0x326: {  	v34 =	vld [tilespmem:s14+$0xFFFFFE00];
	v35 =	vadd.s32 v1, v36;
	_ =	sdelay $0x4  }
0x327: {  	[tilespmem:v35+s25+$0x0] =	vst.idx.msk $0xffff, v34  }
0x328: {  	v35 =	vadd.s32 v3, v36;
	v34 =	vld [tilespmem:s14+$0xFFFFFE10];
	_ =	sdelay $0x4  }
0x329: {  	[tilespmem:v35+s25+$0x0] =	vst.idx.msk $0xffff, v34  }
0x32a: {  	v35 =	vadd.s32 v4, v36;
	v34 =	vld [tilespmem:s14+$0xFFFFFE20];
	_ =	sdelay $0x4  }
0x32b: {  	[tilespmem:v35+s25+$0x0] =	vst.idx.msk $0xffff, v34  }
0x32c: {  	s7 =	sadd.s32 $0x1, s16;
	v35 =	vadd.s32 v5, v36;
	v34 =	vld [tilespmem:s14+$0xFFFFFE30]  }
0x32d: {  	v36 =	vmov s7  }
0x32e: {  	v36 =	vshrl.u32 v36, $0x3  }
0x32f: {  	v36 =	vshll.u32 v36, v2  }
0x330: {  	v36 =	vbroadcast v36, $0x0  }
0x331: {  	[tilespmem:v35+s25+$0x0] =	vst.idx.msk $0xffff, v34  }
0x332: {  	v35 =	vadd.s32 v6, v36;
	v34 =	vld [tilespmem:s14+$0xFFFFFE80];
	_ =	sdelay $0x4  }
0x333: {  	[tilespmem:v35+s25+$0x0] =	vst.idx.msk $0xffff, v34  }
0x334: {  	v35 =	vadd.s32 v7, v36;
	v34 =	vld [tilespmem:s14+$0xFFFFFE90];
	_ =	sdelay $0x4  }
0x335: {  	[tilespmem:v35+s25+$0x0] =	vst.idx.msk $0xffff, v34  }
0x336: {  	v35 =	vadd.s32 v8, v36;
	v34 =	vld [tilespmem:s14+$0xFFFFFEA0];
	_ =	sdelay $0x4  }
0x337: {  	[tilespmem:v35+s25+$0x0] =	vst.idx.msk $0xffff, v34  }
0x338: {  	s7 =	sadd.s32 $0x2, s16;
	v35 =	vadd.s32 v9, v36;
	v34 =	vld [tilespmem:s14+$0xFFFFFEB0]  }
0x339: {  	v36 =	vmov s7  }
0x33a: {  	v36 =	vshrl.u32 v36, $0x3  }
0x33b: {  	v36 =	vshll.u32 v36, v2  }
0x33c: {  	v36 =	vbroadcast v36, $0x0  }
0x33d: {  	[tilespmem:v35+s25+$0x0] =	vst.idx.msk $0xffff, v34  }
0x33e: {  	v35 =	vadd.s32 v10, v36;
	v34 =	vld [tilespmem:s14+$0xFFFFFF00];
	_ =	sdelay $0x4  }
0x33f: {  	[tilespmem:v35+s25+$0x0] =	vst.idx.msk $0xffff, v34  }
0x340: {  	v35 =	vadd.s32 v11, v36;
	v34 =	vld [tilespmem:s14+$0xFFFFFF10];
	_ =	sdelay $0x4  }
0x341: {  	[tilespmem:v35+s25+$0x0] =	vst.idx.msk $0xffff, v34  }
0x342: {  	v35 =	vadd.s32 v12, v36;
	v34 =	vld [tilespmem:s14+$0xFFFFFF20];
	_ =	sdelay $0x4  }
0x343: {  	[tilespmem:v35+s25+$0x0] =	vst.idx.msk $0xffff, v34  }
0x344: {  	s7 =	sadd.s32 $0x3, s16;
	v35 =	vadd.s32 v13, v36;
	v34 =	vld [tilespmem:s14+$0xFFFFFF30]  }
0x345: {  	v36 =	vmov s7  }
0x346: {  	v36 =	vshrl.u32 v36, $0x3  }
0x347: {  	v36 =	vshll.u32 v36, v2  }
0x348: {  	v36 =	vbroadcast v36, $0x0  }
0x349: {  	[tilespmem:v35+s25+$0x0] =	vst.idx.msk $0xffff, v34  }
0x34a: {  	v35 =	vadd.s32 v14, v36;
	v34 =	vld [tilespmem:s14+$0xFFFFFF80];
	_ =	sdelay $0x4  }
0x34b: {  	[tilespmem:v35+s25+$0x0] =	vst.idx.msk $0xffff, v34  }
0x34c: {  	v35 =	vadd.s32 v15, v36;
	v34 =	vld [tilespmem:s14+$0xFFFFFF90];
	_ =	sdelay $0x4  }
0x34d: {  	[tilespmem:v35+s25+$0x0] =	vst.idx.msk $0xffff, v34  }
0x34e: {  	v35 =	vadd.s32 v16, v36;
	v34 =	vld [tilespmem:s14+$0xFFFFFFA0];
	_ =	sdelay $0x4  }
0x34f: {  	[tilespmem:v35+s25+$0x0] =	vst.idx.msk $0xffff, v34  }
0x350: {  	s7 =	sadd.s32 $0x4, s16;
	v35 =	vadd.s32 v17, v36;
	v34 =	vld [tilespmem:s14+$0xFFFFFFB0]  }
0x351: {  	v36 =	vmov s7  }
0x352: {  	v36 =	vshrl.u32 v36, $0x3  }
0x353: {  	v36 =	vshll.u32 v36, v2  }
0x354: {  	v36 =	vbroadcast v36, $0x0  }
0x355: {  	[tilespmem:v35+s25+$0x0] =	vst.idx.msk $0xffff, v34  }
0x356: {  	v35 =	vadd.s32 v18, v36;
	v34 =	vld [tilespmem:s14+$0x0];
	_ =	sdelay $0x4  }
0x357: {  	[tilespmem:v35+s25+$0x0] =	vst.idx.msk $0xffff, v34  }
0x358: {  	v35 =	vadd.s32 v19, v36;
	v34 =	vld [tilespmem:s14+$0x10];
	_ =	sdelay $0x4  }
0x359: {  	[tilespmem:v35+s25+$0x0] =	vst.idx.msk $0xffff, v34  }
0x35a: {  	v35 =	vadd.s32 v20, v36;
	v34 =	vld [tilespmem:s14+$0x20];
	_ =	sdelay $0x4  }
0x35b: {  	[tilespmem:v35+s25+$0x0] =	vst.idx.msk $0xffff, v34  }
0x35c: {  	s7 =	sadd.s32 $0x5, s16;
	v35 =	vadd.s32 v21, v36;
	v34 =	vld [tilespmem:s14+$0x30]  }
0x35d: {  	v36 =	vmov s7  }
0x35e: {  	v36 =	vshrl.u32 v36, $0x3  }
0x35f: {  	v36 =	vshll.u32 v36, v2  }
0x360: {  	v36 =	vbroadcast v36, $0x0  }
0x361: {  	[tilespmem:v35+s25+$0x0] =	vst.idx.msk $0xffff, v34  }
0x362: {  	v35 =	vadd.s32 v22, v36;
	v34 =	vld [tilespmem:s14+$0x80];
	_ =	sdelay $0x4  }
0x363: {  	[tilespmem:v35+s25+$0x0] =	vst.idx.msk $0xffff, v34  }
0x364: {  	v35 =	vadd.s32 v23, v36;
	v34 =	vld [tilespmem:s14+$0x90];
	_ =	sdelay $0x4  }
0x365: {  	[tilespmem:v35+s25+$0x0] =	vst.idx.msk $0xffff, v34  }
0x366: {  	v35 =	vadd.s32 v24, v36;
	v34 =	vld [tilespmem:s14+$0xA0];
	_ =	sdelay $0x4  }
0x367: {  	[tilespmem:v35+s25+$0x0] =	vst.idx.msk $0xffff, v34  }
0x368: {  	s7 =	sadd.s32 $0x6, s16;
	v35 =	vadd.s32 v25, v36;
	v34 =	vld [tilespmem:s14+$0xB0]  }
0x369: {  	v36 =	vmov s7  }
0x36a: {  	v36 =	vshrl.u32 v36, $0x3  }
0x36b: {  	v36 =	vshll.u32 v36, v2  }
0x36c: {  	v36 =	vbroadcast v36, $0x0  }
0x36d: {  	[tilespmem:v35+s25+$0x0] =	vst.idx.msk $0xffff, v34  }
0x36e: {  	v35 =	vadd.s32 v26, v36;
	v34 =	vld [tilespmem:s14+$0x100];
	_ =	sdelay $0x4  }
0x36f: {  	[tilespmem:v35+s25+$0x0] =	vst.idx.msk $0xffff, v34  }
0x370: {  	v35 =	vadd.s32 v27, v36;
	v34 =	vld [tilespmem:s14+$0x110];
	_ =	sdelay $0x4  }
0x371: {  	[tilespmem:v35+s25+$0x0] =	vst.idx.msk $0xffff, v34  }
0x372: {  	v35 =	vadd.s32 v28, v36;
	v34 =	vld [tilespmem:s14+$0x120];
	_ =	sdelay $0x4  }
0x373: {  	[tilespmem:v35+s25+$0x0] =	vst.idx.msk $0xffff, v34  }
0x374: {  	s7 =	sadd.s32 $0x7, s16;
	s16 =	smov.u32 s6;
	v35 =	vadd.s32 v29, v36;
	v34 =	vld [tilespmem:s14+$0x130]  }
0x375: {  	v36 =	vmov s7  }
0x376: {  	v36 =	vshrl.u32 v36, $0x3  }
0x377: {  	v36 =	vshll.u32 v36, v2  }
0x378: {  	v36 =	vbroadcast v36, $0x0  }
0x379: {  	[tilespmem:v35+s25+$0x0] =	vst.idx.msk $0xffff, v34  }
0x37a: {  	v35 =	vadd.s32 v30, v36;
	v34 =	vld [tilespmem:s14+$0x180];
	_ =	sdelay $0x4  }
0x37b: {  	[tilespmem:v35+s25+$0x0] =	vst.idx.msk $0xffff, v34  }
0x37c: {  	v35 =	vadd.s32 v31, v36;
	v34 =	vld [tilespmem:s14+$0x190];
	_ =	sdelay $0x4  }
0x37d: {  	[tilespmem:v35+s25+$0x0] =	vst.idx.msk $0xffff, v34  }
0x37e: {  	v35 =	vadd.s32 v32, v36;
	v34 =	vld [tilespmem:s14+$0x1A0];
	_ =	sdelay $0x2  }
.Ltmp13:
0x37f: {  	(pc) =	sbr.rel @p2 .LBB2_21-.Ltmp13, $4  }
0x380: {  	_ = 	snop  }
0x381: {  	[tilespmem:v35+s25+$0x0] =	vst.idx.msk $0xffff, v34  }
0x382: {  	v35 =	vadd.s32 v33, v36;
	v34 =	vld [tilespmem:s14+$0x1B0]  }
0x383: {  	s6 =	sadd.s32 $0x8, s6;
	v36 =	vmov s16  }
0x384: {  	_ = 	snop  }
0x385: {  	v36 =	vshrl.u32 v36, $0x3  }
0x386: {  	v36 =	vshll.u32 v36, v2  }
0x387: {  	v36 =	vbroadcast v36, $0x0  }
0x388: {  	s6 =	sadd.s32 $0x400, s14;
	[tilespmem:v35+s25+$0x0] =	vst.idx.msk $0xffff, v34  }
0x389: {  	v34 =	vld [tilespmem:s6+$0xFFFFFE00];
	v49 =	vadd.s32 v1, v36;
	_ =	sdelay $0x4  }
0x38a: {  	[tilespmem:v49+s25+$0x0] =	vst.idx.msk $0xffff, v34  }
0x38b: {  	v50 =	vadd.s32 v3, v36;
	v34 =	vld [tilespmem:s6+$0xFFFFFE10];
	_ =	sdelay $0x4  }
0x38c: {  	[tilespmem:v50+s25+$0x0] =	vst.idx.msk $0xffff, v34  }
0x38d: {  	v51 =	vadd.s32 v4, v36;
	v34 =	vld [tilespmem:s6+$0xFFFFFE20];
	_ =	sdelay $0x4  }
0x38e: {  	[tilespmem:v51+s25+$0x0] =	vst.idx.msk $0xffff, v34  }
0x38f: {  	s7 =	sadd.s32 $0x1, s16;
	v52 =	vadd.s32 v5, v36;
	v34 =	vld [tilespmem:s6+$0xFFFFFE30]  }
0x390: {  	v53 =	vmov s7  }
0x391: {  	v36 =	vshrl.u32 v53, $0x3  }
0x392: {  	v36 =	vshll.u32 v36, v2  }
0x393: {  	v36 =	vbroadcast v36, $0x0  }
0x394: {  	[tilespmem:v52+s25+$0x0] =	vst.idx.msk $0xffff, v34  }
0x395: {  	v54 =	vadd.s32 v6, v36;
	v34 =	vld [tilespmem:s6+$0xFFFFFE80];
	_ =	sdelay $0x4  }
0x396: {  	[tilespmem:v54+s25+$0x0] =	vst.idx.msk $0xffff, v34  }
0x397: {  	v55 =	vadd.s32 v7, v36;
	v34 =	vld [tilespmem:s6+$0xFFFFFE90];
	_ =	sdelay $0x4  }
0x398: {  	[tilespmem:v55+s25+$0x0] =	vst.idx.msk $0xffff, v34  }
0x399: {  	v56 =	vadd.s32 v8, v36;
	v34 =	vld [tilespmem:s6+$0xFFFFFEA0];
	_ =	sdelay $0x4  }
0x39a: {  	[tilespmem:v56+s25+$0x0] =	vst.idx.msk $0xffff, v34  }
0x39b: {  	s14 =	sadd.s32 $0x2, s16;
	v57 =	vadd.s32 v9, v36;
	v34 =	vld [tilespmem:s6+$0xFFFFFEB0]  }
0x39c: {  	v58 =	vmov s14  }
0x39d: {  	v36 =	vshrl.u32 v58, $0x3  }
0x39e: {  	v36 =	vshll.u32 v36, v2  }
0x39f: {  	v36 =	vbroadcast v36, $0x0  }
0x3a0: {  	[tilespmem:v57+s25+$0x0] =	vst.idx.msk $0xffff, v34  }
0x3a1: {  	v59 =	vadd.s32 v10, v36;
	v34 =	vld [tilespmem:s6+$0xFFFFFF00];
	_ =	sdelay $0x4  }
0x3a2: {  	[tilespmem:v59+s25+$0x0] =	vst.idx.msk $0xffff, v34  }
0x3a3: {  	v60 =	vadd.s32 v11, v36;
	v34 =	vld [tilespmem:s6+$0xFFFFFF10];
	_ =	sdelay $0x4  }
0x3a4: {  	[tilespmem:v60+s25+$0x0] =	vst.idx.msk $0xffff, v34  }
0x3a5: {  	v61 =	vadd.s32 v12, v36;
	v34 =	vld [tilespmem:s6+$0xFFFFFF20];
	_ =	sdelay $0x4  }
0x3a6: {  	[tilespmem:v61+s25+$0x0] =	vst.idx.msk $0xffff, v34  }
0x3a7: {  	s14 =	sadd.s32 $0x3, s16;
	v62 =	vadd.s32 v13, v36;
	v34 =	vld [tilespmem:s6+$0xFFFFFF30]  }
0x3a8: {  	v63 =	vmov s14  }
0x3a9: {  	v36 =	vshrl.u32 v63, $0x3  }
0x3aa: {  	v36 =	vshll.u32 v36, v2  }
0x3ab: {  	v36 =	vbroadcast v36, $0x0  }
0x3ac: {  	[tilespmem:v62+s25+$0x0] =	vst.idx.msk $0xffff, v34  }
0x3ad: {  	v40 =	vadd.s32 v14, v36;
	v34 =	vld [tilespmem:s6+$0xFFFFFF80];
	_ =	sdelay $0x4  }
0x3ae: {  	[tilespmem:v40+s25+$0x0] =	vst.idx.msk $0xffff, v34  }
0x3af: {  	v41 =	vadd.s32 v15, v36;
	v34 =	vld [tilespmem:s6+$0xFFFFFF90];
	_ =	sdelay $0x4  }
0x3b0: {  	[tilespmem:v41+s25+$0x0] =	vst.idx.msk $0xffff, v34  }
0x3b1: {  	v42 =	vadd.s32 v16, v36;
	v34 =	vld [tilespmem:s6+$0xFFFFFFA0];
	_ =	sdelay $0x4  }
0x3b2: {  	[tilespmem:v42+s25+$0x0] =	vst.idx.msk $0xffff, v34  }
0x3b3: {  	s14 =	sadd.s32 $0x4, s16;
	v43 =	vadd.s32 v17, v36;
	v34 =	vld [tilespmem:s6+$0xFFFFFFB0]  }
0x3b4: {  	v44 =	vmov s14  }
0x3b5: {  	v36 =	vshrl.u32 v44, $0x3  }
0x3b6: {  	v36 =	vshll.u32 v36, v2  }
0x3b7: {  	v36 =	vbroadcast v36, $0x0  }
0x3b8: {  	[tilespmem:v43+s25+$0x0] =	vst.idx.msk $0xffff, v34  }
0x3b9: {  	v45 =	vadd.s32 v18, v36;
	v34 =	vld [tilespmem:s6+$0x0];
	_ =	sdelay $0x4  }
0x3ba: {  	[tilespmem:v45+s25+$0x0] =	vst.idx.msk $0xffff, v34  }
0x3bb: {  	v46 =	vadd.s32 v19, v36;
	v34 =	vld [tilespmem:s6+$0x10];
	_ =	sdelay $0x4  }
0x3bc: {  	[tilespmem:v46+s25+$0x0] =	vst.idx.msk $0xffff, v34  }
0x3bd: {  	v47 =	vadd.s32 v20, v36;
	v34 =	vld [tilespmem:s6+$0x20];
	_ =	sdelay $0x4  }
0x3be: {  	[tilespmem:v47+s25+$0x0] =	vst.idx.msk $0xffff, v34  }
0x3bf: {  	s14 =	sadd.s32 $0x5, s16;
	v48 =	vadd.s32 v21, v36;
	v34 =	vld [tilespmem:s6+$0x30]  }
0x3c0: {  	v49 =	vmov s14  }
0x3c1: {  	v36 =	vshrl.u32 v49, $0x3  }
0x3c2: {  	v36 =	vshll.u32 v36, v2  }
0x3c3: {  	v36 =	vbroadcast v36, $0x0  }
0x3c4: {  	[tilespmem:v48+s25+$0x0] =	vst.idx.msk $0xffff, v34  }
0x3c5: {  	v50 =	vadd.s32 v22, v36;
	v34 =	vld [tilespmem:s6+$0x80];
	_ =	sdelay $0x4  }
0x3c6: {  	[tilespmem:v50+s25+$0x0] =	vst.idx.msk $0xffff, v34  }
0x3c7: {  	v51 =	vadd.s32 v23, v36;
	v34 =	vld [tilespmem:s6+$0x90];
	_ =	sdelay $0x4  }
0x3c8: {  	[tilespmem:v51+s25+$0x0] =	vst.idx.msk $0xffff, v34  }
0x3c9: {  	v52 =	vadd.s32 v24, v36;
	v34 =	vld [tilespmem:s6+$0xA0];
	_ =	sdelay $0x4  }
0x3ca: {  	[tilespmem:v52+s25+$0x0] =	vst.idx.msk $0xffff, v34  }
0x3cb: {  	s14 =	sadd.s32 $0x6, s16;
	v53 =	vadd.s32 v25, v36;
	v34 =	vld [tilespmem:s6+$0xB0]  }
0x3cc: {  	v54 =	vmov s14  }
0x3cd: {  	v36 =	vshrl.u32 v54, $0x3  }
0x3ce: {  	v36 =	vshll.u32 v36, v2  }
0x3cf: {  	v36 =	vbroadcast v36, $0x0  }
0x3d0: {  	[tilespmem:v53+s25+$0x0] =	vst.idx.msk $0xffff, v34  }
0x3d1: {  	v55 =	vadd.s32 v26, v36;
	v34 =	vld [tilespmem:s6+$0x100];
	_ =	sdelay $0x4  }
0x3d2: {  	[tilespmem:v55+s25+$0x0] =	vst.idx.msk $0xffff, v34  }
0x3d3: {  	v56 =	vadd.s32 v27, v36;
	v34 =	vld [tilespmem:s6+$0x110];
	_ =	sdelay $0x4  }
0x3d4: {  	[tilespmem:v56+s25+$0x0] =	vst.idx.msk $0xffff, v34  }
0x3d5: {  	v57 =	vadd.s32 v28, v36;
	v34 =	vld [tilespmem:s6+$0x120];
	_ =	sdelay $0x4  }
0x3d6: {  	[tilespmem:v57+s25+$0x0] =	vst.idx.msk $0xffff, v34  }
0x3d7: {  	s14 =	sadd.s32 $0x7, s16;
	v58 =	vadd.s32 v29, v36;
	v34 =	vld [tilespmem:s6+$0x130]  }
0x3d8: {  	v59 =	vmov s14  }
0x3d9: {  	v36 =	vshrl.u32 v59, $0x3  }
0x3da: {  	v36 =	vshll.u32 v36, v2  }
0x3db: {  	v36 =	vbroadcast v36, $0x0  }
0x3dc: {  	[tilespmem:v58+s25+$0x0] =	vst.idx.msk $0xffff, v34  }
0x3dd: {  	v60 =	vadd.s32 v30, v36;
	v34 =	vld [tilespmem:s6+$0x180];
	_ =	sdelay $0x4  }
0x3de: {  	[tilespmem:v60+s25+$0x0] =	vst.idx.msk $0xffff, v34  }
0x3df: {  	v61 =	vadd.s32 v31, v36;
	v34 =	vld [tilespmem:s6+$0x190];
	_ =	sdelay $0x4  }
0x3e0: {  	[tilespmem:v61+s25+$0x0] =	vst.idx.msk $0xffff, v34  }
0x3e1: {  	v62 =	vadd.s32 v32, v36;
	v34 =	vld [tilespmem:s6+$0x1A0];
	_ =	sdelay $0x4  }
0x3e2: {  	[tilespmem:v62+s25+$0x0] =	vst.idx.msk $0xffff, v34  }
0x3e3: {  	v63 =	vadd.s32 v33, v36;
	v34 =	vld [tilespmem:s6+$0x1B0];
	_ =	sdelay $0x4  }
0x3e4: {  	s16 =	simm.s32 $0xAC00;
	s14 =	simm.s32 $0x220;
	s6 =	sadd.s32 $0x20, s12;
	[tilespmem:v63+s25+$0x0] =	vst.idx.msk $0xffff, v34  }
0x3e5: {  	[hbm4b:s6+s2] =	stream.linear.scatter [tilespmem:s16], [sflag:$0x3], $0x80, $0x38;
	[tilespmem:$0x1F000] =	vst v63  }
.LBB2_23:
0x3e6: {  	p2 =	sne.s32 s14, $0x85E0  }
.Ltmp14:
0x3e7: {  	_ = 	snop;
	(pc) =	sbr.rel @p2 .LBB2_23-.Ltmp14, $4  }
0x3e8: {  	_ = 	snop  }
0x3e9: {  	s7 =	sshra.s32 s14, $0x2;
	s14 =	sadd.s32 $0x220, s14  }
0x3ea: {  	s6 =	sadd.s32 $0x800, s6;
	s7 =	sadd.s32 $0xAC00, s7  }
0x3eb: {  	[hbm4b:s6+s2] =	stream.linear.scatter [tilespmem:s7], [sflag:$0x3], $0x80, $0x38;
	[tilespmem:$0x1F000] =	vst v63  }
.Ltmp15:
0x3ec: {  	(pc) =	sbr.rel @p1 .LBB2_26-.Ltmp15, $1  }
0x3ed: {  	_ =	sdelay $0x3  }
.Ltmp16:
0x3ee: {  	(pc) =	sbr.rel .LBB2_27-.Ltmp16, $4  }
0x3ef: {  	_ = 	snop  }
0x3f0: {  	_ =	swait.ge [sflag:s26], $0x4000  }
0x3f1: {  	[sflag:s26] =	ssyncset.done $0x0  }
0x3f2: {  	[sflag:s26] =	ssyncadd.s32 $0xFFFFC000  }
.LBB2_26:
0x3f3: {  	s6 =	sshrl.u32 s10, $0x2  }
.Ltmp17:
0x3f4: {  	s6 =	sadd.s32 $0x3700, s6;
	(pc) =	sbr.rel @p0 .LBB2_28-.Ltmp17, $4  }
0x3f5: {  	[tilespmem:s15], [sflag:$0x7] =	stream.indirect.gather [hbm4b:s3+s9], $0x80, s6, s9, $0xb8;
	[tilespmem:$0x1F000] =	vst v63  }
0x3f6: {  	_ =	swait.ge [sflag:s26], $0x4000  }
0x3f7: {  	[sflag:s26] =	ssyncset.done $0x0  }
0x3f8: {  	[sflag:s26] =	ssyncadd.s32 $0xFFFFC000  }
.LBB2_27:
0x3f9: {  	_ =	swait.ge [sflag:s28], $0x2000  }
0x3fa: {  	[sflag:s28] =	ssyncset.done $0x0  }
0x3fb: {  	[sflag:s28] =	ssyncadd.s32 $0xFFFFE000  }
.LBB2_28:
0x3fc: {  	s6 =	simm.s32 $0x0  }
0x3fd: {  	v34 =	vmov s6  }
0x3fe: {  	v34 =	vshrl.u32 v34, $0x3  }
0x3ff: {  	v34 =	vshll.u32 v34, v2  }
0x400: {  	v34 =	vbroadcast v34, $0x0  }
0x401: {  	s14 =	simm.s32 $0x1B200  }
0x402: {  	v35 =	vld [tilespmem:s14+$0xFFFFFE00];
	v36 =	vadd.s32 v1, v34;
	_ =	sdelay $0x4  }
0x403: {  	[tilespmem:v36+s29+$0x0] =	vst.idx.msk $0xffff, v35  }
0x404: {  	v52 =	vadd.s32 v3, v34;
	v35 =	vld [tilespmem:s14+$0xFFFFFE10];
	_ =	sdelay $0x4  }
0x405: {  	[tilespmem:v52+s29+$0x0] =	vst.idx.msk $0xffff, v35  }
0x406: {  	v53 =	vadd.s32 v4, v34;
	v35 =	vld [tilespmem:s14+$0xFFFFFE20];
	_ =	sdelay $0x4  }
0x407: {  	[tilespmem:v53+s29+$0x0] =	vst.idx.msk $0xffff, v35  }
0x408: {  	s16 =	simm.s32 $0x1;
	v34 =	vadd.s32 v5, v34;
	v35 =	vld [tilespmem:s14+$0xFFFFFE30]  }
0x409: {  	v54 =	vmov s16  }
0x40a: {  	v36 =	vshrl.u32 v54, $0x3  }
0x40b: {  	v36 =	vshll.u32 v36, v2  }
0x40c: {  	v36 =	vbroadcast v36, $0x0  }
0x40d: {  	[tilespmem:v34+s29+$0x0] =	vst.idx.msk $0xffff, v35  }
0x40e: {  	v55 =	vadd.s32 v6, v36;
	v34 =	vld [tilespmem:s14+$0xFFFFFE80];
	_ =	sdelay $0x4  }
0x40f: {  	[tilespmem:v55+s29+$0x0] =	vst.idx.msk $0xffff, v34  }
0x410: {  	v56 =	vadd.s32 v7, v36;
	v34 =	vld [tilespmem:s14+$0xFFFFFE90];
	_ =	sdelay $0x4  }
0x411: {  	[tilespmem:v56+s29+$0x0] =	vst.idx.msk $0xffff, v34  }
0x412: {  	v57 =	vadd.s32 v8, v36;
	v34 =	vld [tilespmem:s14+$0xFFFFFEA0];
	_ =	sdelay $0x4  }
0x413: {  	[tilespmem:v57+s29+$0x0] =	vst.idx.msk $0xffff, v34  }
0x414: {  	s7 =	simm.s32 $0x2;
	v58 =	vadd.s32 v9, v36;
	v34 =	vld [tilespmem:s14+$0xFFFFFEB0]  }
0x415: {  	v59 =	vmov s7  }
0x416: {  	v36 =	vshrl.u32 v59, $0x3  }
0x417: {  	v36 =	vshll.u32 v36, v2  }
0x418: {  	v36 =	vbroadcast v36, $0x0  }
0x419: {  	[tilespmem:v58+s29+$0x0] =	vst.idx.msk $0xffff, v34  }
0x41a: {  	v60 =	vadd.s32 v10, v36;
	v34 =	vld [tilespmem:s14+$0xFFFFFF00];
	_ =	sdelay $0x4  }
0x41b: {  	[tilespmem:v60+s29+$0x0] =	vst.idx.msk $0xffff, v34  }
0x41c: {  	v61 =	vadd.s32 v11, v36;
	v34 =	vld [tilespmem:s14+$0xFFFFFF10];
	_ =	sdelay $0x4  }
0x41d: {  	[tilespmem:v61+s29+$0x0] =	vst.idx.msk $0xffff, v34  }
0x41e: {  	v62 =	vadd.s32 v12, v36;
	v34 =	vld [tilespmem:s14+$0xFFFFFF20];
	_ =	sdelay $0x4  }
0x41f: {  	[tilespmem:v62+s29+$0x0] =	vst.idx.msk $0xffff, v34  }
0x420: {  	s16 =	simm.s32 $0x3;
	v63 =	vadd.s32 v13, v36;
	v34 =	vld [tilespmem:s14+$0xFFFFFF30]  }
0x421: {  	v40 =	vmov s16  }
0x422: {  	v36 =	vshrl.u32 v40, $0x3  }
0x423: {  	v36 =	vshll.u32 v36, v2  }
0x424: {  	v36 =	vbroadcast v36, $0x0  }
0x425: {  	[tilespmem:v63+s29+$0x0] =	vst.idx.msk $0xffff, v34  }
0x426: {  	v41 =	vadd.s32 v14, v36;
	v34 =	vld [tilespmem:s14+$0xFFFFFF80];
	_ =	sdelay $0x4  }
0x427: {  	[tilespmem:v41+s29+$0x0] =	vst.idx.msk $0xffff, v34  }
0x428: {  	v42 =	vadd.s32 v15, v36;
	v34 =	vld [tilespmem:s14+$0xFFFFFF90];
	_ =	sdelay $0x4  }
0x429: {  	[tilespmem:v42+s29+$0x0] =	vst.idx.msk $0xffff, v34  }
0x42a: {  	v43 =	vadd.s32 v16, v36;
	v34 =	vld [tilespmem:s14+$0xFFFFFFA0];
	_ =	sdelay $0x4  }
0x42b: {  	[tilespmem:v43+s29+$0x0] =	vst.idx.msk $0xffff, v34  }
0x42c: {  	s7 =	simm.s32 $0x4;
	v44 =	vadd.s32 v17, v36;
	v34 =	vld [tilespmem:s14+$0xFFFFFFB0]  }
0x42d: {  	v45 =	vmov s7  }
0x42e: {  	v36 =	vshrl.u32 v45, $0x3  }
0x42f: {  	v36 =	vshll.u32 v36, v2  }
0x430: {  	v36 =	vbroadcast v36, $0x0  }
0x431: {  	[tilespmem:v44+s29+$0x0] =	vst.idx.msk $0xffff, v34  }
0x432: {  	v46 =	vadd.s32 v18, v36;
	v34 =	vld [tilespmem:s14+$0x0];
	_ =	sdelay $0x4  }
0x433: {  	[tilespmem:v46+s29+$0x0] =	vst.idx.msk $0xffff, v34  }
0x434: {  	v47 =	vadd.s32 v19, v36;
	v34 =	vld [tilespmem:s14+$0x10];
	_ =	sdelay $0x4  }
0x435: {  	[tilespmem:v47+s29+$0x0] =	vst.idx.msk $0xffff, v34  }
0x436: {  	v48 =	vadd.s32 v20, v36;
	v34 =	vld [tilespmem:s14+$0x20];
	_ =	sdelay $0x4  }
0x437: {  	[tilespmem:v48+s29+$0x0] =	vst.idx.msk $0xffff, v34  }
0x438: {  	s16 =	simm.s32 $0x5;
	v49 =	vadd.s32 v21, v36;
	v34 =	vld [tilespmem:s14+$0x30]  }
0x439: {  	v50 =	vmov s16  }
0x43a: {  	v36 =	vshrl.u32 v50, $0x3  }
0x43b: {  	v36 =	vshll.u32 v36, v2  }
0x43c: {  	v36 =	vbroadcast v36, $0x0  }
0x43d: {  	[tilespmem:v49+s29+$0x0] =	vst.idx.msk $0xffff, v34  }
0x43e: {  	v51 =	vadd.s32 v22, v36;
	v34 =	vld [tilespmem:s14+$0x80];
	_ =	sdelay $0x4  }
0x43f: {  	[tilespmem:v51+s29+$0x0] =	vst.idx.msk $0xffff, v34  }
0x440: {  	v52 =	vadd.s32 v23, v36;
	v34 =	vld [tilespmem:s14+$0x90];
	_ =	sdelay $0x4  }
0x441: {  	[tilespmem:v52+s29+$0x0] =	vst.idx.msk $0xffff, v34  }
0x442: {  	v53 =	vadd.s32 v24, v36;
	v34 =	vld [tilespmem:s14+$0xA0];
	_ =	sdelay $0x4  }
0x443: {  	[tilespmem:v53+s29+$0x0] =	vst.idx.msk $0xffff, v34  }
0x444: {  	s7 =	simm.s32 $0x6;
	v54 =	vadd.s32 v25, v36;
	v34 =	vld [tilespmem:s14+$0xB0]  }
0x445: {  	v55 =	vmov s7  }
0x446: {  	v36 =	vshrl.u32 v55, $0x3  }
0x447: {  	v36 =	vshll.u32 v36, v2  }
0x448: {  	v36 =	vbroadcast v36, $0x0  }
0x449: {  	[tilespmem:v54+s29+$0x0] =	vst.idx.msk $0xffff, v34  }
0x44a: {  	v56 =	vadd.s32 v26, v36;
	v34 =	vld [tilespmem:s14+$0x100];
	_ =	sdelay $0x4  }
0x44b: {  	[tilespmem:v56+s29+$0x0] =	vst.idx.msk $0xffff, v34  }
0x44c: {  	v57 =	vadd.s32 v27, v36;
	v34 =	vld [tilespmem:s14+$0x110];
	_ =	sdelay $0x4  }
0x44d: {  	[tilespmem:v57+s29+$0x0] =	vst.idx.msk $0xffff, v34  }
0x44e: {  	v58 =	vadd.s32 v28, v36;
	v34 =	vld [tilespmem:s14+$0x120];
	_ =	sdelay $0x4  }
0x44f: {  	[tilespmem:v58+s29+$0x0] =	vst.idx.msk $0xffff, v34  }
0x450: {  	s16 =	simm.s32 $0x7;
	v59 =	vadd.s32 v29, v36;
	v34 =	vld [tilespmem:s14+$0x130]  }
0x451: {  	v60 =	vmov s16  }
0x452: {  	v36 =	vshrl.u32 v60, $0x3  }
0x453: {  	v36 =	vshll.u32 v36, v2  }
0x454: {  	v36 =	vbroadcast v36, $0x0  }
0x455: {  	[tilespmem:v59+s29+$0x0] =	vst.idx.msk $0xffff, v34  }
0x456: {  	v61 =	vadd.s32 v30, v36;
	v34 =	vld [tilespmem:s14+$0x180];
	_ =	sdelay $0x4  }
0x457: {  	[tilespmem:v61+s29+$0x0] =	vst.idx.msk $0xffff, v34  }
0x458: {  	v62 =	vadd.s32 v31, v36;
	v34 =	vld [tilespmem:s14+$0x190];
	_ =	sdelay $0x4  }
0x459: {  	[tilespmem:v62+s29+$0x0] =	vst.idx.msk $0xffff, v34  }
0x45a: {  	v63 =	vadd.s32 v32, v36;
	v34 =	vld [tilespmem:s14+$0x1A0];
	_ =	sdelay $0x4  }
0x45b: {  	[tilespmem:v63+s29+$0x0] =	vst.idx.msk $0xffff, v34  }
0x45c: {  	s16 =	simm.s32 $0x8;
	v35 =	vadd.s32 v33, v36;
	v34 =	vld [tilespmem:s14+$0x1B0]  }
0x45d: {  	s6 =	simm.s32 $0x10;
	v36 =	vmov s16  }
.LBB2_29:
0x45e: {  	p0 =	slt.u32 s6, $0x78;
	v36 =	vshrl.u32 v36, $0x3  }
0x45f: {  	v36 =	vshll.u32 v36, v2  }
0x460: {  	v36 =	vbroadcast v36, $0x0  }
0x461: {  	s14 =	sadd.s32 $0x400, s14;
	[tilespmem:v35+s29+$0x0] =	vst.idx.msk $0xffff, v34  }
0x462: {  	v34 =	vld [tilespmem:s14+$0xFFFFFE00];
	v35 =	vadd.s32 v1, v36;
	_ =	sdelay $0x4  }
0x463: {  	[tilespmem:v35+s29+$0x0] =	vst.idx.msk $0xffff, v34  }
0x464: {  	v35 =	vadd.s32 v3, v36;
	v34 =	vld [tilespmem:s14+$0xFFFFFE10];
	_ =	sdelay $0x4  }
0x465: {  	[tilespmem:v35+s29+$0x0] =	vst.idx.msk $0xffff, v34  }
0x466: {  	v35 =	vadd.s32 v4, v36;
	v34 =	vld [tilespmem:s14+$0xFFFFFE20];
	_ =	sdelay $0x4  }
0x467: {  	[tilespmem:v35+s29+$0x0] =	vst.idx.msk $0xffff, v34  }
0x468: {  	s7 =	sadd.s32 $0x1, s16;
	v35 =	vadd.s32 v5, v36;
	v34 =	vld [tilespmem:s14+$0xFFFFFE30]  }
0x469: {  	v36 =	vmov s7  }
0x46a: {  	v36 =	vshrl.u32 v36, $0x3  }
0x46b: {  	v36 =	vshll.u32 v36, v2  }
0x46c: {  	v36 =	vbroadcast v36, $0x0  }
0x46d: {  	[tilespmem:v35+s29+$0x0] =	vst.idx.msk $0xffff, v34  }
0x46e: {  	v35 =	vadd.s32 v6, v36;
	v34 =	vld [tilespmem:s14+$0xFFFFFE80];
	_ =	sdelay $0x4  }
0x46f: {  	[tilespmem:v35+s29+$0x0] =	vst.idx.msk $0xffff, v34  }
0x470: {  	v35 =	vadd.s32 v7, v36;
	v34 =	vld [tilespmem:s14+$0xFFFFFE90];
	_ =	sdelay $0x4  }
0x471: {  	[tilespmem:v35+s29+$0x0] =	vst.idx.msk $0xffff, v34  }
0x472: {  	v35 =	vadd.s32 v8, v36;
	v34 =	vld [tilespmem:s14+$0xFFFFFEA0];
	_ =	sdelay $0x4  }
0x473: {  	[tilespmem:v35+s29+$0x0] =	vst.idx.msk $0xffff, v34  }
0x474: {  	s7 =	sadd.s32 $0x2, s16;
	v35 =	vadd.s32 v9, v36;
	v34 =	vld [tilespmem:s14+$0xFFFFFEB0]  }
0x475: {  	v36 =	vmov s7  }
0x476: {  	v36 =	vshrl.u32 v36, $0x3  }
0x477: {  	v36 =	vshll.u32 v36, v2  }
0x478: {  	v36 =	vbroadcast v36, $0x0  }
0x479: {  	[tilespmem:v35+s29+$0x0] =	vst.idx.msk $0xffff, v34  }
0x47a: {  	v35 =	vadd.s32 v10, v36;
	v34 =	vld [tilespmem:s14+$0xFFFFFF00];
	_ =	sdelay $0x4  }
0x47b: {  	[tilespmem:v35+s29+$0x0] =	vst.idx.msk $0xffff, v34  }
0x47c: {  	v35 =	vadd.s32 v11, v36;
	v34 =	vld [tilespmem:s14+$0xFFFFFF10];
	_ =	sdelay $0x4  }
0x47d: {  	[tilespmem:v35+s29+$0x0] =	vst.idx.msk $0xffff, v34  }
0x47e: {  	v35 =	vadd.s32 v12, v36;
	v34 =	vld [tilespmem:s14+$0xFFFFFF20];
	_ =	sdelay $0x4  }
0x47f: {  	[tilespmem:v35+s29+$0x0] =	vst.idx.msk $0xffff, v34  }
0x480: {  	s7 =	sadd.s32 $0x3, s16;
	v35 =	vadd.s32 v13, v36;
	v34 =	vld [tilespmem:s14+$0xFFFFFF30]  }
0x481: {  	v36 =	vmov s7  }
0x482: {  	v36 =	vshrl.u32 v36, $0x3  }
0x483: {  	v36 =	vshll.u32 v36, v2  }
0x484: {  	v36 =	vbroadcast v36, $0x0  }
0x485: {  	[tilespmem:v35+s29+$0x0] =	vst.idx.msk $0xffff, v34  }
0x486: {  	v35 =	vadd.s32 v14, v36;
	v34 =	vld [tilespmem:s14+$0xFFFFFF80];
	_ =	sdelay $0x4  }
0x487: {  	[tilespmem:v35+s29+$0x0] =	vst.idx.msk $0xffff, v34  }
0x488: {  	v35 =	vadd.s32 v15, v36;
	v34 =	vld [tilespmem:s14+$0xFFFFFF90];
	_ =	sdelay $0x4  }
0x489: {  	[tilespmem:v35+s29+$0x0] =	vst.idx.msk $0xffff, v34  }
0x48a: {  	v35 =	vadd.s32 v16, v36;
	v34 =	vld [tilespmem:s14+$0xFFFFFFA0];
	_ =	sdelay $0x4  }
0x48b: {  	[tilespmem:v35+s29+$0x0] =	vst.idx.msk $0xffff, v34  }
0x48c: {  	s7 =	sadd.s32 $0x4, s16;
	v35 =	vadd.s32 v17, v36;
	v34 =	vld [tilespmem:s14+$0xFFFFFFB0]  }
0x48d: {  	v36 =	vmov s7  }
0x48e: {  	v36 =	vshrl.u32 v36, $0x3  }
0x48f: {  	v36 =	vshll.u32 v36, v2  }
0x490: {  	v36 =	vbroadcast v36, $0x0  }
0x491: {  	[tilespmem:v35+s29+$0x0] =	vst.idx.msk $0xffff, v34  }
0x492: {  	v35 =	vadd.s32 v18, v36;
	v34 =	vld [tilespmem:s14+$0x0];
	_ =	sdelay $0x4  }
0x493: {  	[tilespmem:v35+s29+$0x0] =	vst.idx.msk $0xffff, v34  }
0x494: {  	v35 =	vadd.s32 v19, v36;
	v34 =	vld [tilespmem:s14+$0x10];
	_ =	sdelay $0x4  }
0x495: {  	[tilespmem:v35+s29+$0x0] =	vst.idx.msk $0xffff, v34  }
0x496: {  	v35 =	vadd.s32 v20, v36;
	v34 =	vld [tilespmem:s14+$0x20];
	_ =	sdelay $0x4  }
0x497: {  	[tilespmem:v35+s29+$0x0] =	vst.idx.msk $0xffff, v34  }
0x498: {  	s7 =	sadd.s32 $0x5, s16;
	v35 =	vadd.s32 v21, v36;
	v34 =	vld [tilespmem:s14+$0x30]  }
0x499: {  	v36 =	vmov s7  }
0x49a: {  	v36 =	vshrl.u32 v36, $0x3  }
0x49b: {  	v36 =	vshll.u32 v36, v2  }
0x49c: {  	v36 =	vbroadcast v36, $0x0  }
0x49d: {  	[tilespmem:v35+s29+$0x0] =	vst.idx.msk $0xffff, v34  }
0x49e: {  	v35 =	vadd.s32 v22, v36;
	v34 =	vld [tilespmem:s14+$0x80];
	_ =	sdelay $0x4  }
0x49f: {  	[tilespmem:v35+s29+$0x0] =	vst.idx.msk $0xffff, v34  }
0x4a0: {  	v35 =	vadd.s32 v23, v36;
	v34 =	vld [tilespmem:s14+$0x90];
	_ =	sdelay $0x4  }
0x4a1: {  	[tilespmem:v35+s29+$0x0] =	vst.idx.msk $0xffff, v34  }
0x4a2: {  	v35 =	vadd.s32 v24, v36;
	v34 =	vld [tilespmem:s14+$0xA0];
	_ =	sdelay $0x4  }
0x4a3: {  	[tilespmem:v35+s29+$0x0] =	vst.idx.msk $0xffff, v34  }
0x4a4: {  	s7 =	sadd.s32 $0x6, s16;
	v35 =	vadd.s32 v25, v36;
	v34 =	vld [tilespmem:s14+$0xB0]  }
0x4a5: {  	v36 =	vmov s7  }
0x4a6: {  	v36 =	vshrl.u32 v36, $0x3  }
0x4a7: {  	v36 =	vshll.u32 v36, v2  }
0x4a8: {  	v36 =	vbroadcast v36, $0x0  }
0x4a9: {  	[tilespmem:v35+s29+$0x0] =	vst.idx.msk $0xffff, v34  }
0x4aa: {  	v35 =	vadd.s32 v26, v36;
	v34 =	vld [tilespmem:s14+$0x100];
	_ =	sdelay $0x4  }
0x4ab: {  	[tilespmem:v35+s29+$0x0] =	vst.idx.msk $0xffff, v34  }
0x4ac: {  	v35 =	vadd.s32 v27, v36;
	v34 =	vld [tilespmem:s14+$0x110];
	_ =	sdelay $0x4  }
0x4ad: {  	[tilespmem:v35+s29+$0x0] =	vst.idx.msk $0xffff, v34  }
0x4ae: {  	v35 =	vadd.s32 v28, v36;
	v34 =	vld [tilespmem:s14+$0x120];
	_ =	sdelay $0x4  }
0x4af: {  	[tilespmem:v35+s29+$0x0] =	vst.idx.msk $0xffff, v34  }
0x4b0: {  	s7 =	sadd.s32 $0x7, s16;
	s16 =	smov.u32 s6;
	v35 =	vadd.s32 v29, v36;
	v34 =	vld [tilespmem:s14+$0x130]  }
0x4b1: {  	v36 =	vmov s7  }
0x4b2: {  	v36 =	vshrl.u32 v36, $0x3  }
0x4b3: {  	v36 =	vshll.u32 v36, v2  }
0x4b4: {  	v36 =	vbroadcast v36, $0x0  }
0x4b5: {  	[tilespmem:v35+s29+$0x0] =	vst.idx.msk $0xffff, v34  }
0x4b6: {  	v35 =	vadd.s32 v30, v36;
	v34 =	vld [tilespmem:s14+$0x180];
	_ =	sdelay $0x4  }
0x4b7: {  	[tilespmem:v35+s29+$0x0] =	vst.idx.msk $0xffff, v34  }
0x4b8: {  	v35 =	vadd.s32 v31, v36;
	v34 =	vld [tilespmem:s14+$0x190];
	_ =	sdelay $0x4  }
0x4b9: {  	[tilespmem:v35+s29+$0x0] =	vst.idx.msk $0xffff, v34  }
0x4ba: {  	v35 =	vadd.s32 v32, v36;
	v34 =	vld [tilespmem:s14+$0x1A0];
	_ =	sdelay $0x2  }
.Ltmp18:
0x4bb: {  	(pc) =	sbr.rel @p0 .LBB2_29-.Ltmp18, $4  }
0x4bc: {  	_ = 	snop  }
0x4bd: {  	[tilespmem:v35+s29+$0x0] =	vst.idx.msk $0xffff, v34  }
0x4be: {  	v35 =	vadd.s32 v33, v36;
	v34 =	vld [tilespmem:s14+$0x1B0]  }
0x4bf: {  	s6 =	sadd.s32 $0x8, s6;
	v36 =	vmov s16  }
0x4c0: {  	_ = 	snop  }
0x4c1: {  	v36 =	vshrl.u32 v36, $0x3  }
0x4c2: {  	v36 =	vshll.u32 v36, v2  }
0x4c3: {  	v36 =	vbroadcast v36, $0x0  }
0x4c4: {  	s6 =	sadd.s32 $0x400, s14;
	[tilespmem:v35+s29+$0x0] =	vst.idx.msk $0xffff, v34  }
0x4c5: {  	v34 =	vld [tilespmem:s6+$0xFFFFFE00];
	v49 =	vadd.s32 v1, v36;
	_ =	sdelay $0x4  }
0x4c6: {  	[tilespmem:v49+s29+$0x0] =	vst.idx.msk $0xffff, v34  }
0x4c7: {  	v50 =	vadd.s32 v3, v36;
	v34 =	vld [tilespmem:s6+$0xFFFFFE10];
	_ =	sdelay $0x4  }
0x4c8: {  	[tilespmem:v50+s29+$0x0] =	vst.idx.msk $0xffff, v34  }
0x4c9: {  	v51 =	vadd.s32 v4, v36;
	v34 =	vld [tilespmem:s6+$0xFFFFFE20];
	_ =	sdelay $0x4  }
0x4ca: {  	[tilespmem:v51+s29+$0x0] =	vst.idx.msk $0xffff, v34  }
0x4cb: {  	s7 =	sadd.s32 $0x1, s16;
	v52 =	vadd.s32 v5, v36;
	v34 =	vld [tilespmem:s6+$0xFFFFFE30]  }
0x4cc: {  	v53 =	vmov s7  }
0x4cd: {  	v36 =	vshrl.u32 v53, $0x3  }
0x4ce: {  	v36 =	vshll.u32 v36, v2  }
0x4cf: {  	v36 =	vbroadcast v36, $0x0  }
0x4d0: {  	[tilespmem:v52+s29+$0x0] =	vst.idx.msk $0xffff, v34  }
0x4d1: {  	v54 =	vadd.s32 v6, v36;
	v34 =	vld [tilespmem:s6+$0xFFFFFE80];
	_ =	sdelay $0x4  }
0x4d2: {  	[tilespmem:v54+s29+$0x0] =	vst.idx.msk $0xffff, v34  }
0x4d3: {  	v55 =	vadd.s32 v7, v36;
	v34 =	vld [tilespmem:s6+$0xFFFFFE90];
	_ =	sdelay $0x4  }
0x4d4: {  	[tilespmem:v55+s29+$0x0] =	vst.idx.msk $0xffff, v34  }
0x4d5: {  	v56 =	vadd.s32 v8, v36;
	v34 =	vld [tilespmem:s6+$0xFFFFFEA0];
	_ =	sdelay $0x4  }
0x4d6: {  	[tilespmem:v56+s29+$0x0] =	vst.idx.msk $0xffff, v34  }
0x4d7: {  	s14 =	sadd.s32 $0x2, s16;
	v57 =	vadd.s32 v9, v36;
	v34 =	vld [tilespmem:s6+$0xFFFFFEB0]  }
0x4d8: {  	v58 =	vmov s14  }
0x4d9: {  	v36 =	vshrl.u32 v58, $0x3  }
0x4da: {  	v36 =	vshll.u32 v36, v2  }
0x4db: {  	v36 =	vbroadcast v36, $0x0  }
0x4dc: {  	[tilespmem:v57+s29+$0x0] =	vst.idx.msk $0xffff, v34  }
0x4dd: {  	v59 =	vadd.s32 v10, v36;
	v34 =	vld [tilespmem:s6+$0xFFFFFF00];
	_ =	sdelay $0x4  }
0x4de: {  	[tilespmem:v59+s29+$0x0] =	vst.idx.msk $0xffff, v34  }
0x4df: {  	v60 =	vadd.s32 v11, v36;
	v34 =	vld [tilespmem:s6+$0xFFFFFF10];
	_ =	sdelay $0x4  }
0x4e0: {  	[tilespmem:v60+s29+$0x0] =	vst.idx.msk $0xffff, v34  }
0x4e1: {  	v61 =	vadd.s32 v12, v36;
	v34 =	vld [tilespmem:s6+$0xFFFFFF20];
	_ =	sdelay $0x4  }
0x4e2: {  	[tilespmem:v61+s29+$0x0] =	vst.idx.msk $0xffff, v34  }
0x4e3: {  	s14 =	sadd.s32 $0x3, s16;
	v62 =	vadd.s32 v13, v36;
	v34 =	vld [tilespmem:s6+$0xFFFFFF30]  }
0x4e4: {  	v63 =	vmov s14  }
0x4e5: {  	v36 =	vshrl.u32 v63, $0x3  }
0x4e6: {  	v36 =	vshll.u32 v36, v2  }
0x4e7: {  	v36 =	vbroadcast v36, $0x0  }
0x4e8: {  	[tilespmem:v62+s29+$0x0] =	vst.idx.msk $0xffff, v34  }
0x4e9: {  	v40 =	vadd.s32 v14, v36;
	v34 =	vld [tilespmem:s6+$0xFFFFFF80];
	_ =	sdelay $0x4  }
0x4ea: {  	[tilespmem:v40+s29+$0x0] =	vst.idx.msk $0xffff, v34  }
0x4eb: {  	v41 =	vadd.s32 v15, v36;
	v34 =	vld [tilespmem:s6+$0xFFFFFF90];
	_ =	sdelay $0x4  }
0x4ec: {  	[tilespmem:v41+s29+$0x0] =	vst.idx.msk $0xffff, v34  }
0x4ed: {  	v42 =	vadd.s32 v16, v36;
	v34 =	vld [tilespmem:s6+$0xFFFFFFA0];
	_ =	sdelay $0x4  }
0x4ee: {  	[tilespmem:v42+s29+$0x0] =	vst.idx.msk $0xffff, v34  }
0x4ef: {  	s14 =	sadd.s32 $0x4, s16;
	v43 =	vadd.s32 v17, v36;
	v34 =	vld [tilespmem:s6+$0xFFFFFFB0]  }
0x4f0: {  	v44 =	vmov s14  }
0x4f1: {  	v36 =	vshrl.u32 v44, $0x3  }
0x4f2: {  	v36 =	vshll.u32 v36, v2  }
0x4f3: {  	v36 =	vbroadcast v36, $0x0  }
0x4f4: {  	[tilespmem:v43+s29+$0x0] =	vst.idx.msk $0xffff, v34  }
0x4f5: {  	v45 =	vadd.s32 v18, v36;
	v34 =	vld [tilespmem:s6+$0x0];
	_ =	sdelay $0x4  }
0x4f6: {  	[tilespmem:v45+s29+$0x0] =	vst.idx.msk $0xffff, v34  }
0x4f7: {  	v46 =	vadd.s32 v19, v36;
	v34 =	vld [tilespmem:s6+$0x10];
	_ =	sdelay $0x4  }
0x4f8: {  	[tilespmem:v46+s29+$0x0] =	vst.idx.msk $0xffff, v34  }
0x4f9: {  	v47 =	vadd.s32 v20, v36;
	v34 =	vld [tilespmem:s6+$0x20];
	_ =	sdelay $0x4  }
0x4fa: {  	[tilespmem:v47+s29+$0x0] =	vst.idx.msk $0xffff, v34  }
0x4fb: {  	s14 =	sadd.s32 $0x5, s16;
	v48 =	vadd.s32 v21, v36;
	v34 =	vld [tilespmem:s6+$0x30]  }
0x4fc: {  	v49 =	vmov s14  }
0x4fd: {  	v36 =	vshrl.u32 v49, $0x3  }
0x4fe: {  	v36 =	vshll.u32 v36, v2  }
0x4ff: {  	v36 =	vbroadcast v36, $0x0  }
0x500: {  	[tilespmem:v48+s29+$0x0] =	vst.idx.msk $0xffff, v34  }
0x501: {  	v50 =	vadd.s32 v22, v36;
	v34 =	vld [tilespmem:s6+$0x80];
	_ =	sdelay $0x4  }
0x502: {  	[tilespmem:v50+s29+$0x0] =	vst.idx.msk $0xffff, v34  }
0x503: {  	v51 =	vadd.s32 v23, v36;
	v34 =	vld [tilespmem:s6+$0x90];
	_ =	sdelay $0x4  }
0x504: {  	[tilespmem:v51+s29+$0x0] =	vst.idx.msk $0xffff, v34  }
0x505: {  	v52 =	vadd.s32 v24, v36;
	v34 =	vld [tilespmem:s6+$0xA0];
	_ =	sdelay $0x4  }
0x506: {  	[tilespmem:v52+s29+$0x0] =	vst.idx.msk $0xffff, v34  }
0x507: {  	s14 =	sadd.s32 $0x6, s16;
	v53 =	vadd.s32 v25, v36;
	v34 =	vld [tilespmem:s6+$0xB0]  }
0x508: {  	v54 =	vmov s14  }
0x509: {  	v36 =	vshrl.u32 v54, $0x3  }
0x50a: {  	v36 =	vshll.u32 v36, v2  }
0x50b: {  	v36 =	vbroadcast v36, $0x0  }
0x50c: {  	[tilespmem:v53+s29+$0x0] =	vst.idx.msk $0xffff, v34  }
0x50d: {  	v55 =	vadd.s32 v26, v36;
	v34 =	vld [tilespmem:s6+$0x100];
	_ =	sdelay $0x4  }
0x50e: {  	[tilespmem:v55+s29+$0x0] =	vst.idx.msk $0xffff, v34  }
0x50f: {  	v56 =	vadd.s32 v27, v36;
	v34 =	vld [tilespmem:s6+$0x110];
	_ =	sdelay $0x4  }
0x510: {  	[tilespmem:v56+s29+$0x0] =	vst.idx.msk $0xffff, v34  }
0x511: {  	v57 =	vadd.s32 v28, v36;
	v34 =	vld [tilespmem:s6+$0x120];
	_ =	sdelay $0x4  }
0x512: {  	[tilespmem:v57+s29+$0x0] =	vst.idx.msk $0xffff, v34  }
0x513: {  	s14 =	sadd.s32 $0x7, s16;
	v58 =	vadd.s32 v29, v36;
	v34 =	vld [tilespmem:s6+$0x130]  }
0x514: {  	v59 =	vmov s14  }
0x515: {  	v36 =	vshrl.u32 v59, $0x3  }
0x516: {  	v36 =	vshll.u32 v36, v2  }
0x517: {  	v36 =	vbroadcast v36, $0x0  }
0x518: {  	[tilespmem:v58+s29+$0x0] =	vst.idx.msk $0xffff, v34  }
0x519: {  	v60 =	vadd.s32 v30, v36;
	v34 =	vld [tilespmem:s6+$0x180];
	_ =	sdelay $0x4  }
0x51a: {  	[tilespmem:v60+s29+$0x0] =	vst.idx.msk $0xffff, v34  }
0x51b: {  	v61 =	vadd.s32 v31, v36;
	v34 =	vld [tilespmem:s6+$0x190];
	_ =	sdelay $0x4  }
0x51c: {  	[tilespmem:v61+s29+$0x0] =	vst.idx.msk $0xffff, v34  }
0x51d: {  	v62 =	vadd.s32 v32, v36;
	v34 =	vld [tilespmem:s6+$0x1A0];
	_ =	sdelay $0x4  }
0x51e: {  	[tilespmem:v62+s29+$0x0] =	vst.idx.msk $0xffff, v34  }
0x51f: {  	v63 =	vadd.s32 v33, v36;
	v34 =	vld [tilespmem:s6+$0x1B0];
	_ =	sdelay $0x4  }
0x520: {  	s16 =	simm.s32 $0xCE00;
	s6 =	sadd.s32 $0x30, s12;
	s12 =	simm.s32 $0x220;
	[tilespmem:v63+s29+$0x0] =	vst.idx.msk $0xffff, v34  }
0x521: {  	[hbm4b:s6+s2] =	stream.linear.scatter [tilespmem:s16], [sflag:$0x4], $0x80, $0x38;
	[tilespmem:$0x1F000] =	vst v63  }
.LBB2_31:
0x522: {  	p0 =	sne.s32 s12, $0x85E0  }
.Ltmp19:
0x523: {  	_ = 	snop;
	(pc) =	sbr.rel @p0 .LBB2_31-.Ltmp19, $4  }
0x524: {  	_ = 	snop  }
0x525: {  	s7 =	sshra.s32 s12, $0x2;
	s12 =	sadd.s32 $0x220, s12  }
0x526: {  	s6 =	sadd.s32 $0x800, s6;
	s7 =	sadd.s32 $0xCE00, s7  }
0x527: {  	[hbm4b:s6+s2] =	stream.linear.scatter [tilespmem:s7], [sflag:$0x4], $0x80, $0x38;
	[tilespmem:$0x1F000] =	vst v63  }
0x528: {  	p0 =	seq.s32 s1, $0x19  }
.Ltmp20:
0x529: {  	_ = 	snop;
	(pc) =	sbr.rel @p0 .LBB2_34-.Ltmp20, $1  }
0x52a: {  	_ =	sdelay $0x3  }
.Ltmp21:
0x52b: {  	(pc) =	sbr.rel .LBB2_4-.Ltmp21, $4  }
0x52c: {  	_ = 	snop  }
0x52d: {  	s6 =	sshrl.u32 s10, $0x2  }
0x52e: {  	s1 =	sadd.s32 $0x1, s1;
	s6 =	sadd.s32 $0x3780, s6  }
0x52f: {  	[tilespmem:s17], [sflag:$0x8] =	stream.indirect.gather [hbm4b:s3+s9], $0x80, s6, s9, $0xb8;
	[tilespmem:$0x1F000] =	vst v63  }
.LBB2_35:
0x530: {  	_ =	sfence.sel $0x180000  }
0x531: {  	[bflag:$0x0] =	sbarrier.arrive $0xFFFF  }
0x532: {  	_ =	strace $0x90000047  }
0x533: {  	s0 =	stileid.u32;
	[bflag:$0x2] =	sbarrier.arrive $0xFFFF  }
0x534: {  	p0 =	sne.s32 s0, $0x0;
	s0 =	rddreg [dreg:$0x2]  }
0x535: {  	s0 =	sadd.s32 @!p0 $0x100000, s0  }
0x536: {  	[sflag:s0] =	ssyncadd.tile.s32 @!p0 $0x1;
	_ =	shalt  }
.Lfunc_end2:
_tile_overlayer_lowered:
.L_overlay_start_2:
0x537: {  	(tag) =	ssettag $0x2  }
0x538: {  	s0 =	rddreg [dreg:$0x0];
	s2 =	stileid.u32  }
0x539: {  	s1 =	rddreg [dreg:$0x1];
	p0 =	sne.s32 s2, $0x0  }
0x53a: {  	s3 =	rddreg [dreg:$0x2];
	[bflag:$0x3] =	sbarrier.arrive $0xFFFF;
	s2 =	simm.s32 @!p0 $0x1C09  }
0x53b: {  	[timem:s3], [sflag:s2] =	dma.local @!p0 [hbm:s0], s1  }
0x53c: {  	s0 =	simm.s32 @!p0 $0x9  }
0x53d: {  	_ =	swait.ge @!p0 [sflag:s0], s1  }
0x53e: {  	s1 =	ssub.s32 @!p0 $0x0, s1;
	[sflag:s0] =	ssyncset.done @!p0 $0x0  }
0x53f: {  	[sflag:s0] =	ssyncadd.s32 @!p0 s1  }
0x540: {  	[bflag:$0x3] =	sbarrier.arrive $0xFFFF  }
0x541: {  	_ =	shalt  }

</sc_bundles>
